<compile_context>
chip_gen: v7x
topology: tpu7x:2x2x1
jax: 0.10.2.dev20260603
libtpu: 0.0.44.dev20260713+nightly
codegen_flags: <defaults>
</compile_context>

<pallas_src>
import functools

import jax
import jax.numpy as jnp
from jax import lax
from jax.experimental import pallas as pl
from jax.experimental.pallas import tpu as pltpu
from jax.experimental.pallas import tpu_sc as plsc

_B = 128
_N = 32768
_K = 3
_MARGIN_MIN = 0.1
_MARGIN_MAX = 0.3
_NEG = -50.0
_INIT = -3.0e38

_SC_N = 12288
_NW = 32
_ROWS_PER_W = _B // _NW
_BLK = 2048
_NBLK = _SC_N // _BLK
_CHUNKS = _BLK // 16
_UNROLL = 4

_TC_BLK = 2048
_TC_NBLK = (_N - _SC_N) // _TC_BLK


def _bfly(x, op, lanes):
    for s in (8, 4, 2, 1):
        x = op(x, x.at[lanes ^ s].get(mode="promise_in_bounds"))
    return x


def _insert(m, t1, t2, t3):
    a = jnp.maximum(t1, m)
    b = jnp.minimum(t1, m)
    c = jnp.maximum(t2, b)
    d = jnp.minimum(t2, b)
    e = jnp.maximum(t3, d)
    return a, c, e



def _sc_body(inp_hbm, tgt_hbm, out_hbm,
             in0, in1, tg0, tg1, diag_v, cand_v,
             s_in0, s_in1, s_tg0, s_tg1, s_d):
    wid = lax.axis_index("c") * 16 + lax.axis_index("s")
    row0 = wid * _ROWS_PER_W
    in_bufs = (in0, in1)
    tg_bufs = (tg0, tg1)
    s_ins = (s_in0, s_in1)
    s_tgs = (s_tg0, s_tg1)

    def start(blk, p):
        c0 = blk * _BLK
        h_i = pltpu.async_copy(
            inp_hbm.at[pl.ds(row0, _ROWS_PER_W), pl.ds(c0, _BLK)],
            in_bufs[p], s_ins[p])
        h_t = pltpu.async_copy(
            tgt_hbm.at[pl.ds(row0, _ROWS_PER_W), pl.ds(c0, _BLK)],
            tg_bufs[p], s_tgs[p])
        return h_i, h_t

    h_d = pltpu.async_copy(
        inp_hbm.at[pl.ds(row0, _ROWS_PER_W), pl.ds(0, 128)], diag_v, s_d)

    handles = [None, None]
    handles[0] = start(0, 0)

    neg = jnp.full((16,), _NEG, jnp.float32)
    init = jnp.full((16,), _INIT, jnp.float32)
    stacks = tuple((init, init, init) for _ in range(_ROWS_PER_W))

    for blk in range(_NBLK):
        p = blk % 2
        if blk + 1 < _NBLK:
            handles[1 - p] = start(blk + 1, 1 - p)
        h_i, h_t = handles[p]
        h_i.wait()
        h_t.wait()
        ibuf = in_bufs[p]
        tbuf = tg_bufs[p]

        def _chunk_body(i, carry, ibuf=ibuf, tbuf=tbuf):
            col = pl.multiple_of(i * 16, 16)
            cur = []
            for r in range(_ROWS_PER_W):
                t1, t2, t3 = carry[r]
                v = ibuf[r, pl.ds(col, 16)]
                tg = tbuf[r, pl.ds(col, 16)]
                m = jnp.where(tg == 0.0, v, neg)
                cur.append(_insert(m, t1, t2, t3))
            return tuple(cur)

        stacks = plsc.parallel_loop(
            0, _CHUNKS, 1, unroll=_UNROLL, carry=stacks)(_chunk_body)

    h_d.wait()
    lanes = lax.iota(jnp.int32, 16)
    sixteen = jnp.full((16,), 16, jnp.int32)
    zeros = jnp.zeros((16,), jnp.float32)
    for r in range(_ROWS_PER_W):
        t1, t2, t3 = stacks[r]
        dchunk = pl.multiple_of((row0 // 16) * 16, 16)
        drow = diag_v[r, pl.ds(dchunk, 16)]
        dlane = (row0 + r) % 16
        db = _bfly(jnp.where(lanes == dlane, drow, 0.0), jnp.add, lanes)
        ms = []
        for k in range(_K):
            mb = _bfly(t1, jnp.maximum, lanes)
            ms.append(mb)
            if k < _K - 1:
                lmin = _bfly(jnp.where(t1 == mb, lanes, sixteen),
                             jnp.minimum, lanes)
                sel = lanes == lmin
                t1 = jnp.where(sel, t2, t1)
                t2 = jnp.where(sel, t3, t2)
                t3 = jnp.where(sel, jnp.full((16,), _INIT, jnp.float32), t3)
        cand = jnp.where(lanes == 0, ms[0],
                         jnp.where(lanes == 1, ms[1],
                                   jnp.where(lanes == 2, ms[2],
                                             jnp.where(lanes == 3, db,
                                                       zeros))))
        cand_v[r, :] = cand
    pltpu.sync_copy(cand_v, out_hbm.at[pl.ds(row0, _ROWS_PER_W), :])


@jax.jit
def _sc_candidates(inp, tgt):
    mesh = plsc.VectorSubcoreMesh(core_axis_name="c", subcore_axis_name="s")
    f = functools.partial(
        pl.kernel,
        out_type=jax.ShapeDtypeStruct((_B, 16), jnp.float32),
        mesh=mesh,
        scratch_types=[
            pltpu.VMEM((_ROWS_PER_W, _BLK), jnp.float32),
            pltpu.VMEM((_ROWS_PER_W, _BLK), jnp.float32),
            pltpu.VMEM((_ROWS_PER_W, _BLK), jnp.float32),
            pltpu.VMEM((_ROWS_PER_W, _BLK), jnp.float32),
            pltpu.VMEM((_ROWS_PER_W, 128), jnp.float32),
            pltpu.VMEM((_ROWS_PER_W, 16), jnp.float32),
            pltpu.SemaphoreType.DMA,
            pltpu.SemaphoreType.DMA,
            pltpu.SemaphoreType.DMA,
            pltpu.SemaphoreType.DMA,
            pltpu.SemaphoreType.DMA,
        ],
    )(_sc_body)
    return f(inp, tgt)



def _tc_scan_body(in_ref, tg_ref, out_ref, s1, s2, s3):
    i = pl.program_id(0)

    @pl.when(i == 0)
    def _():
        s1[...] = jnp.full((_B, 128), _INIT, jnp.float32)
        s2[...] = jnp.full((_B, 128), _INIT, jnp.float32)
        s3[...] = jnp.full((_B, 128), _INIT, jnp.float32)

    x = in_ref[...]
    tg = tg_ref[...]
    m = jnp.where(tg == 0.0, x, jnp.float32(_NEG))
    t1, t2, t3 = s1[...], s2[...], s3[...]
    for j in range(_TC_BLK // 128):
        slab = m[:, j * 128:(j + 1) * 128]
        t1, t2, t3 = _insert(slab, t1, t2, t3)
    s1[...], s2[...], s3[...] = t1, t2, t3

    @pl.when(i == _TC_NBLK - 1)
    def _():
        lanes = lax.broadcasted_iota(jnp.int32, (_B, 128), 1)
        a1, a2, a3 = s1[...], s2[...], s3[...]
        ms = []
        for k in range(_K):
            mk = jnp.max(a1, axis=1, keepdims=True)
            ms.append(mk)
            if k < _K - 1:
                li = jnp.min(jnp.where(a1 == mk, lanes, 128),
                             axis=1, keepdims=True)
                sel = lanes == li
                a1 = jnp.where(sel, a2, a1)
                a2 = jnp.where(sel, a3, a2)
                a3 = jnp.where(sel, jnp.float32(_INIT), a3)
        cand = jnp.concatenate(
            [ms[0], ms[1], ms[2], jnp.zeros((_B, 13), jnp.float32)], axis=1)
        out_ref[...] = cand


@jax.jit
def _tc_candidates(inp, tgt):
    return pl.pallas_call(
        _tc_scan_body,
        grid=(_TC_NBLK,),
        in_specs=[
            pl.BlockSpec((_B, _TC_BLK), lambda i: (0, i + _SC_N // _TC_BLK)),
            pl.BlockSpec((_B, _TC_BLK), lambda i: (0, i + _SC_N // _TC_BLK)),
        ],
        out_specs=pl.BlockSpec((_B, 16), lambda i: (0, 0)),
        out_shape=jax.ShapeDtypeStruct((_B, 16), jnp.float32),
        scratch_shapes=[
            pltpu.VMEM((_B, 128), jnp.float32),
            pltpu.VMEM((_B, 128), jnp.float32),
            pltpu.VMEM((_B, 128), jnp.float32),
        ],
    )(inp, tgt)



def _merge_body(sc_ref, tc_ref, out_ref):
    sc = sc_ref[...]
    tc = tc_ref[...]
    a1, a2, a3 = tc[:, 0:1], tc[:, 1:2], tc[:, 2:3]
    b1, b2, b3 = sc[:, 0:1], sc[:, 1:2], sc[:, 2:3]
    d = sc[:, 3:4]
    c1 = jnp.maximum(a1, b1)
    c2 = jnp.maximum(jnp.maximum(b2, a2), jnp.minimum(a1, b1))
    c3 = jnp.maximum(
        jnp.maximum(b3, a3),
        jnp.maximum(jnp.minimum(a1, b2), jnp.minimum(a2, b1)))
    total = jnp.zeros((1, 1), jnp.float32)
    for c in (c1, c2, c3):
        marg = jnp.clip(jnp.abs(d - c), _MARGIN_MIN, _MARGIN_MAX)
        term = jnp.maximum(c - d + marg, 0.0)
        total = total + jnp.sum(term, axis=0, keepdims=True)
    out_ref[...] = total


@jax.jit
def _merge_loss(sc_cand, tc_cand):
    return pl.pallas_call(
        _merge_body,
        out_shape=jax.ShapeDtypeStruct((1, 1), jnp.float32),
    )(sc_cand, tc_cand)


def kernel(input, target):
    sc_cand = _sc_candidates(input, target)
    tc_cand = _tc_candidates(input, target)
    loss = _merge_loss(sc_cand, tc_cand)
    return loss[0, 0] / jnp.float32(_B * _K)

# --- scband reference (transcript-rebuilt; emitter-appended) ---
"""Pipeline reference for scband-atriplet-margin-loss-ohnmdm-84808424226946 (READ-ONLY COPY).

The authoritative reference and input builder live on the scoring server;
editing this copy changes nothing except your own understanding.
"""

import jax, jax.numpy as jnp
import numpy as np

B = 128
N = 32768
K = 3
MARGIN_MIN = 0.1
MARGIN_MAX = 0.3


def setup_inputs(seed: int = 0) -> dict:
    key = jax.random.key(seed)
    k1, k2 = jax.random.split(key)
    inp = jax.random.normal(k1, (B, N), dtype=jnp.float32)
    tgt = jax.random.randint(k2, (B, N), 0, 2).astype(jnp.float32)
    # ensure the diagonal (fixed positive) is a positive label
    rows = jnp.arange(B)
    tgt = tgt.at[rows, rows].set(1.0)
    return {"input": inp, "target": tgt}


def reference(input, target):
    # args.fixed_pos == True path: positive similarity is the diagonal
    sim_p = jnp.diagonal(input).reshape(-1, 1)  # (B, 1)
    # mask out positives so topk only selects negatives
    similarities = jnp.where(target == 0, input, jnp.full_like(input, -50.0))
    k = min(K, similarities.shape[1])
    _, indices = jax.lax.top_k(similarities, k)  # (B, k) hardest negatives
    sim_n = jnp.take_along_axis(input, indices, axis=1)  # gather (B, k)
    # dynamic margin, detached, clamped to [margin_min, margin_max]
    d_margin = jnp.clip(jax.lax.stop_gradient(jnp.abs(sim_p - sim_n)), MARGIN_MIN, MARGIN_MAX)
    loss = jnp.maximum(jnp.zeros_like(sim_p), sim_n - sim_p + d_margin)
    # reduction == 'mean'
    return loss.mean()

if __name__ == "__main__":
    import jax
    _d = setup_inputs()
    print(jax.jit(kernel)(*tuple(_d.values())))

</pallas_src>

<mosaic_0001>
#map = affine_map<(d0, d1) -> (0, 0)>
module attributes {stable_mosaic.version = 14 : i64} {
  func.func @_sc_body(%arg0: i32, %arg1: i32, %arg2: memref<128x32768xf32, #tpu.memory_space<hbm>>, %arg3: memref<128x32768xf32, #tpu.memory_space<hbm>>, %arg4: memref<128x16xf32, #tpu.memory_space<hbm>>, %arg5: memref<4x2048xf32, #tpu.memory_space<vmem>>, %arg6: memref<4x2048xf32, #tpu.memory_space<vmem>>, %arg7: memref<4x2048xf32, #tpu.memory_space<vmem>>, %arg8: memref<4x2048xf32, #tpu.memory_space<vmem>>, %arg9: memref<4x128xf32, #tpu.memory_space<vmem>>, %arg10: memref<4x16xf32, #tpu.memory_space<vmem>>, %arg11: memref<!tpu.dma_semaphore, #tpu.memory_space<semaphore_mem>>, %arg12: memref<!tpu.dma_semaphore, #tpu.memory_space<semaphore_mem>>, %arg13: memref<!tpu.dma_semaphore, #tpu.memory_space<semaphore_mem>>, %arg14: memref<!tpu.dma_semaphore, #tpu.memory_space<semaphore_mem>>, %arg15: memref<!tpu.dma_semaphore, #tpu.memory_space<semaphore_mem>>) attributes {dimension_semantics = [#tpu.dimension_semantics<core_parallel>, #tpu.dimension_semantics<subcore_parallel>], iteration_bounds = array<i64: 2, 16>, scalar_prefetch = 0 : i64, scratch_operands = 11 : i64, tpu.core_type = #tpu.core_type<sc_vector_subcore>, window_params = [{transform_indices = #map}, {transform_indices = #map}, {transform_indices = #map}]} {
    %mul3A = arith.constant 16 : i32
    %mul3A_0 = arith.muli %arg0, %mul3A : i32
    %add3A = arith.addi %mul3A_0, %arg1 : i32
    %mul3A_1 = arith.constant 4 : i32
    %mul3A_2 = arith.muli %add3A, %mul3A_1 : i32
    %dma_start3A = arith.constant 0 : i32
    %dma_start3A_3 = tpu.memref_slice %arg2[%mul3A_2, %dma_start3A] : memref<128x32768xf32, #tpu.memory_space<hbm>> -> memref<4x128xf32, #tpu.memory_space<hbm>>
    %dma_start3A_4 = arith.constant 0 : i32
    %dma_start3A_5 = tpu.memref_slice %arg2[%mul3A_2, %dma_start3A_4] : memref<128x32768xf32, #tpu.memory_space<hbm>> -> memref<4x128xf32, #tpu.memory_space<hbm>>
    tpu.enqueue_dma source(%dma_start3A_5 : memref<4x128xf32, #tpu.memory_space<hbm>>) target(%arg9 : memref<4x128xf32, #tpu.memory_space<vmem>>) target_semaphore(%arg15 : memref<!tpu.dma_semaphore, #tpu.memory_space<semaphore_mem>>)
    %dma_start3A_6 = arith.constant 0 : i32
    %dma_start3A_7 = tpu.memref_slice %arg2[%mul3A_2, %dma_start3A_6] : memref<128x32768xf32, #tpu.memory_space<hbm>> -> memref<4x2048xf32, #tpu.memory_space<hbm>>
    %dma_start3A_8 = arith.constant 0 : i32
    %dma_start3A_9 = tpu.memref_slice %arg2[%mul3A_2, %dma_start3A_8] : memref<128x32768xf32, #tpu.memory_space<hbm>> -> memref<4x2048xf32, #tpu.memory_space<hbm>>
    tpu.enqueue_dma source(%dma_start3A_9 : memref<4x2048xf32, #tpu.memory_space<hbm>>) target(%arg5 : memref<4x2048xf32, #tpu.memory_space<vmem>>) target_semaphore(%arg11 : memref<!tpu.dma_semaphore, #tpu.memory_space<semaphore_mem>>)
    %dma_start3A_10 = arith.constant 0 : i32
    %dma_start3A_11 = tpu.memref_slice %arg3[%mul3A_2, %dma_start3A_10] : memref<128x32768xf32, #tpu.memory_space<hbm>> -> memref<4x2048xf32, #tpu.memory_space<hbm>>
    %dma_start3A_12 = arith.constant 0 : i32
    %dma_start3A_13 = tpu.memref_slice %arg3[%mul3A_2, %dma_start3A_12] : memref<128x32768xf32, #tpu.memory_space<hbm>> -> memref<4x2048xf32, #tpu.memory_space<hbm>>
    tpu.enqueue_dma source(%dma_start3A_13 : memref<4x2048xf32, #tpu.memory_space<hbm>>) target(%arg7 : memref<4x2048xf32, #tpu.memory_space<vmem>>) target_semaphore(%arg13 : memref<!tpu.dma_semaphore, #tpu.memory_space<semaphore_mem>>)
    %broadcast_in_dim3A = arith.constant -5.000000e+01 : f32
    %broadcast_in_dim3A_14 = vector.broadcast %broadcast_in_dim3A : f32 to vector<16xf32>
    %broadcast_in_dim3A_15 = arith.constant -3.000000e+38 : f32
    %broadcast_in_dim3A_16 = vector.broadcast %broadcast_in_dim3A_15 : f32 to vector<16xf32>
    %dma_start3A_17 = arith.constant 2048 : i32
    %dma_start3A_18 = tpu.memref_slice %arg2[%mul3A_2, %dma_start3A_17] : memref<128x32768xf32, #tpu.memory_space<hbm>> -> memref<4x2048xf32, #tpu.memory_space<hbm>>
    %dma_start3A_19 = arith.constant 2048 : i32
    %dma_start3A_20 = tpu.memref_slice %arg2[%mul3A_2, %dma_start3A_19] : memref<128x32768xf32, #tpu.memory_space<hbm>> -> memref<4x2048xf32, #tpu.memory_space<hbm>>
    tpu.enqueue_dma source(%dma_start3A_20 : memref<4x2048xf32, #tpu.memory_space<hbm>>) target(%arg6 : memref<4x2048xf32, #tpu.memory_space<vmem>>) target_semaphore(%arg12 : memref<!tpu.dma_semaphore, #tpu.memory_space<semaphore_mem>>)
    %dma_start3A_21 = arith.constant 2048 : i32
    %dma_start3A_22 = tpu.memref_slice %arg3[%mul3A_2, %dma_start3A_21] : memref<128x32768xf32, #tpu.memory_space<hbm>> -> memref<4x2048xf32, #tpu.memory_space<hbm>>
    %dma_start3A_23 = arith.constant 2048 : i32
    %dma_start3A_24 = tpu.memref_slice %arg3[%mul3A_2, %dma_start3A_23] : memref<128x32768xf32, #tpu.memory_space<hbm>> -> memref<4x2048xf32, #tpu.memory_space<hbm>>
    tpu.enqueue_dma source(%dma_start3A_24 : memref<4x2048xf32, #tpu.memory_space<hbm>>) target(%arg8 : memref<4x2048xf32, #tpu.memory_space<vmem>>) target_semaphore(%arg14 : memref<!tpu.dma_semaphore, #tpu.memory_space<semaphore_mem>>)
    %dma_wait3A = arith.constant 0 : i32
    %dma_wait3A_25 = tpu.memref_slice %arg2[%mul3A_2, %dma_wait3A] : memref<128x32768xf32, #tpu.memory_space<hbm>> -> memref<4x2048xf32, #tpu.memory_space<hbm>>
    %dma_wait3A_26 = arith.constant 0 : i32
    %dma_wait3A_27 = tpu.memref_slice %arg2[%mul3A_2, %dma_wait3A_26] : memref<128x32768xf32, #tpu.memory_space<hbm>> -> memref<4x2048xf32, #tpu.memory_space<hbm>>
    tpu.wait_dma2 semaphore(%arg11 : memref<!tpu.dma_semaphore, #tpu.memory_space<semaphore_mem>>) src(%dma_wait3A_27 : memref<4x2048xf32, #tpu.memory_space<hbm>>) dst(%arg5 : memref<4x2048xf32, #tpu.memory_space<vmem>>)
    %dma_wait3A_28 = arith.constant 0 : i32
    %dma_wait3A_29 = tpu.memref_slice %arg3[%mul3A_2, %dma_wait3A_28] : memref<128x32768xf32, #tpu.memory_space<hbm>> -> memref<4x2048xf32, #tpu.memory_space<hbm>>
    %dma_wait3A_30 = arith.constant 0 : i32
    %dma_wait3A_31 = tpu.memref_slice %arg3[%mul3A_2, %dma_wait3A_30] : memref<128x32768xf32, #tpu.memory_space<hbm>> -> memref<4x2048xf32, #tpu.memory_space<hbm>>
    tpu.wait_dma2 semaphore(%arg13 : memref<!tpu.dma_semaphore, #tpu.memory_space<semaphore_mem>>) src(%dma_wait3A_31 : memref<4x2048xf32, #tpu.memory_space<hbm>>) dst(%arg7 : memref<4x2048xf32, #tpu.memory_space<vmem>>)
    %parallel_loop3A = arith.constant 0 : i32
    %parallel_loop3A_32 = arith.constant 128 : i32
    %parallel_loop3A_33 = arith.constant 1 : i32
    %parallel_loop3A_34:12 = scf.for %parallel_loop3A_1834 = %parallel_loop3A to %parallel_loop3A_32 step %parallel_loop3A_33 iter_args(%parallel_loop3A_1835 = %broadcast_in_dim3A_16, %parallel_loop3A_1836 = %broadcast_in_dim3A_16, %parallel_loop3A_1837 = %broadcast_in_dim3A_16, %parallel_loop3A_1838 = %broadcast_in_dim3A_16, %parallel_loop3A_1839 = %broadcast_in_dim3A_16, %parallel_loop3A_1840 = %broadcast_in_dim3A_16, %parallel_loop3A_1841 = %broadcast_in_dim3A_16, %parallel_loop3A_1842 = %broadcast_in_dim3A_16, %parallel_loop3A_1843 = %broadcast_in_dim3A_16, %parallel_loop3A_1844 = %broadcast_in_dim3A_16, %parallel_loop3A_1845 = %broadcast_in_dim3A_16, %parallel_loop3A_1846 = %broadcast_in_dim3A_16) -> (vector<16xf32>, vector<16xf32>, vector<16xf32>, vector<16xf32>, vector<16xf32>, vector<16xf32>, vector<16xf32>, vector<16xf32>, vector<16xf32>, vector<16xf32>, vector<16xf32>, vector<16xf32>)  : i32 {
      %parallel_loop3A_1847 = arith.constant 16 : i32
      %parallel_loop3A_1848 = arith.muli %parallel_loop3A_1834, %parallel_loop3A_1847 : i32
      %parallel_loop3A_1849 = tpu.assume_multiple %parallel_loop3A_1848, 16 : i32
      %parallel_loop3A_1850 = arith.constant 0 : i32
      %parallel_loop3A_1851 = arith.index_cast %parallel_loop3A_1850 : i32 to index
      %parallel_loop3A_1852 = arith.index_cast %parallel_loop3A_1849 : i32 to index
      %parallel_loop3A_1853 = tpu.vector_load %arg5[%parallel_loop3A_1851, %parallel_loop3A_1852] {strides = array<i32>} : memref<4x2048xf32, #tpu.memory_space<vmem>>, vector<1x16xf32>,
      %parallel_loop3A_1854 = vector.shape_cast %parallel_loop3A_1853 : vector<1x16xf32> to vector<16xf32>
      %parallel_loop3A_1855 = arith.constant 0 : i32
      %parallel_loop3A_1856 = arith.index_cast %parallel_loop3A_1855 : i32 to index
      %parallel_loop3A_1857 = arith.index_cast %parallel_loop3A_1849 : i32 to index
      %parallel_loop3A_1858 = tpu.vector_load %arg7[%parallel_loop3A_1856, %parallel_loop3A_1857] {strides = array<i32>} : memref<4x2048xf32, #tpu.memory_space<vmem>>, vector<1x16xf32>,
      %parallel_loop3A_1859 = vector.shape_cast %parallel_loop3A_1858 : vector<1x16xf32> to vector<16xf32>
      %parallel_loop3A_1860 = arith.constant 0.000000e+00 : f32
      %parallel_loop3A_1861 = vector.broadcast %parallel_loop3A_1860 : f32 to vector<16xf32>
      %parallel_loop3A_1862 = arith.cmpf oeq, %parallel_loop3A_1859, %parallel_loop3A_1861 : vector<16xf32>
      %parallel_loop3A_1863 = arith.select %parallel_loop3A_1862, %parallel_loop3A_1854, %broadcast_in_dim3A_14 : vector<16xi1>, vector<16xf32>
      %parallel_loop3A_1864 = arith.maximumf %parallel_loop3A_1835, %parallel_loop3A_1863 : vector<16xf32>
      %parallel_loop3A_1865 = arith.minimumf %parallel_loop3A_1835, %parallel_loop3A_1863 : vector<16xf32>
      %parallel_loop3A_1866 = arith.maximumf %parallel_loop3A_1836, %parallel_loop3A_1865 : vector<16xf32>
      %parallel_loop3A_1867 = arith.minimumf %parallel_loop3A_1836, %parallel_loop3A_1865 : vector<16xf32>
      %parallel_loop3A_1868 = arith.maximumf %parallel_loop3A_1837, %parallel_loop3A_1867 : vector<16xf32>
      %parallel_loop3A_1869 = arith.constant 1 : i32
      %parallel_loop3A_1870 = arith.index_cast %parallel_loop3A_1869 : i32 to index
      %parallel_loop3A_1871 = arith.index_cast %parallel_loop3A_1849 : i32 to index
      %parallel_loop3A_1872 = tpu.vector_load %arg5[%parallel_loop3A_1870, %parallel_loop3A_1871] {strides = array<i32>} : memref<4x2048xf32, #tpu.memory_space<vmem>>, vector<1x16xf32>,
      %parallel_loop3A_1873 = vector.shape_cast %parallel_loop3A_1872 : vector<1x16xf32> to vector<16xf32>
      %parallel_loop3A_1874 = arith.constant 1 : i32
      %parallel_loop3A_1875 = arith.index_cast %parallel_loop3A_1874 : i32 to index
      %parallel_loop3A_1876 = arith.index_cast %parallel_loop3A_1849 : i32 to index
      %parallel_loop3A_1877 = tpu.vector_load %arg7[%parallel_loop3A_1875, %parallel_loop3A_1876] {strides = array<i32>} : memref<4x2048xf32, #tpu.memory_space<vmem>>, vector<1x16xf32>,
      %parallel_loop3A_1878 = vector.shape_cast %parallel_loop3A_1877 : vector<1x16xf32> to vector<16xf32>
      %parallel_loop3A_1879 = arith.constant 0.000000e+00 : f32
      %parallel_loop3A_1880 = vector.broadcast %parallel_loop3A_1879 : f32 to vector<16xf32>
      %parallel_loop3A_1881 = arith.cmpf oeq, %parallel_loop3A_1878, %parallel_loop3A_1880 : vector<16xf32>
      %parallel_loop3A_1882 = arith.select %parallel_loop3A_1881, %parallel_loop3A_1873, %broadcast_in_dim3A_14 : vector<16xi1>, vector<16xf32>
      %parallel_loop3A_1883 = arith.maximumf %parallel_loop3A_1838, %parallel_loop3A_1882 : vector<16xf32>
      %parallel_loop3A_1884 = arith.minimumf %parallel_loop3A_1838, %parallel_loop3A_1882 : vector<16xf32>
      %parallel_loop3A_1885 = arith.maximumf %parallel_loop3A_1839, %parallel_loop3A_1884 : vector<16xf32>
      %parallel_loop3A_1886 = arith.minimumf %parallel_loop3A_1839, %parallel_loop3A_1884 : vector<16xf32>
      %parallel_loop3A_1887 = arith.maximumf %parallel_loop3A_1840, %parallel_loop3A_1886 : vector<16xf32>
      %parallel_loop3A_1888 = arith.constant 2 : i32
      %parallel_loop3A_1889 = arith.index_cast %parallel_loop3A_1888 : i32 to index
      %parallel_loop3A_1890 = arith.index_cast %parallel_loop3A_1849 : i32 to index
      %parallel_loop3A_1891 = tpu.vector_load %arg5[%parallel_loop3A_1889, %parallel_loop3A_1890] {strides = array<i32>} : memref<4x2048xf32, #tpu.memory_space<vmem>>, vector<1x16xf32>,
      %parallel_loop3A_1892 = vector.shape_cast %parallel_loop3A_1891 : vector<1x16xf32> to vector<16xf32>
      %parallel_loop3A_1893 = arith.constant 2 : i32
      %parallel_loop3A_1894 = arith.index_cast %parallel_loop3A_1893 : i32 to index
      %parallel_loop3A_1895 = arith.index_cast %parallel_loop3A_1849 : i32 to index
      %parallel_loop3A_1896 = tpu.vector_load %arg7[%parallel_loop3A_1894, %parallel_loop3A_1895] {strides = array<i32>} : memref<4x2048xf32, #tpu.memory_space<vmem>>, vector<1x16xf32>,
      %parallel_loop3A_1897 = vector.shape_cast %parallel_loop3A_1896 : vector<1x16xf32> to vector<16xf32>
      %parallel_loop3A_1898 = arith.constant 0.000000e+00 : f32
      %parallel_loop3A_1899 = vector.broadcast %parallel_loop3A_1898 : f32 to vector<16xf32>
      %parallel_loop3A_1900 = arith.cmpf oeq, %parallel_loop3A_1897, %parallel_loop3A_1899 : vector<16xf32>
      %parallel_loop3A_1901 = arith.select %parallel_loop3A_1900, %parallel_loop3A_1892, %broadcast_in_dim3A_14 : vector<16xi1>, vector<16xf32>
      %parallel_loop3A_1902 = arith.maximumf %parallel_loop3A_1841, %parallel_loop3A_1901 : vector<16xf32>
      %parallel_loop3A_1903 = arith.minimumf %parallel_loop3A_1841, %parallel_loop3A_1901 : vector<16xf32>
      %parallel_loop3A_1904 = arith.maximumf %parallel_loop3A_1842, %parallel_loop3A_1903 : vector<16xf32>
      %parallel_loop3A_1905 = arith.minimumf %parallel_loop3A_1842, %parallel_loop3A_1903 : vector<16xf32>
      %parallel_loop3A_1906 = arith.maximumf %parallel_loop3A_1843, %parallel_loop3A_1905 : vector<16xf32>
      %parallel_loop3A_1907 = arith.constant 3 : i32
      %parallel_loop3A_1908 = arith.index_cast %parallel_loop3A_1907 : i32 to index
      %parallel_loop3A_1909 = arith.index_cast %parallel_loop3A_1849 : i32 to index
      %parallel_loop3A_1910 = tpu.vector_load %arg5[%parallel_loop3A_1908, %parallel_loop3A_1909] {strides = array<i32>} : memref<4x2048xf32, #tpu.memory_space<vmem>>, vector<1x16xf32>,
      %parallel_loop3A_1911 = vector.shape_cast %parallel_loop3A_1910 : vector<1x16xf32> to vector<16xf32>
      %parallel_loop3A_1912 = arith.constant 3 : i32
      %parallel_loop3A_1913 = arith.index_cast %parallel_loop3A_1912 : i32 to index
      %parallel_loop3A_1914 = arith.index_cast %parallel_loop3A_1849 : i32 to index
      %parallel_loop3A_1915 = tpu.vector_load %arg7[%parallel_loop3A_1913, %parallel_loop3A_1914] {strides = array<i32>} : memref<4x2048xf32, #tpu.memory_space<vmem>>, vector<1x16xf32>,
      %parallel_loop3A_1916 = vector.shape_cast %parallel_loop3A_1915 : vector<1x16xf32> to vector<16xf32>
      %parallel_loop3A_1917 = arith.constant 0.000000e+00 : f32
      %parallel_loop3A_1918 = vector.broadcast %parallel_loop3A_1917 : f32 to vector<16xf32>
      %parallel_loop3A_1919 = arith.cmpf oeq, %parallel_loop3A_1916, %parallel_loop3A_1918 : vector<16xf32>
      %parallel_loop3A_1920 = arith.select %parallel_loop3A_1919, %parallel_loop3A_1911, %broadcast_in_dim3A_14 : vector<16xi1>, vector<16xf32>
      %parallel_loop3A_1921 = arith.maximumf %parallel_loop3A_1844, %parallel_loop3A_1920 : vector<16xf32>
      %parallel_loop3A_1922 = arith.minimumf %parallel_loop3A_1844, %parallel_loop3A_1920 : vector<16xf32>
      %parallel_loop3A_1923 = arith.maximumf %parallel_loop3A_1845, %parallel_loop3A_1922 : vector<16xf32>
      %parallel_loop3A_1924 = arith.minimumf %parallel_loop3A_1845, %parallel_loop3A_1922 : vector<16xf32>
      %parallel_loop3A_1925 = arith.maximumf %parallel_loop3A_1846, %parallel_loop3A_1924 : vector<16xf32>
      scf.yield %parallel_loop3A_1864, %parallel_loop3A_1866, %parallel_loop3A_1868, %parallel_loop3A_1883, %parallel_loop3A_1885, %parallel_loop3A_1887, %parallel_loop3A_1902, %parallel_loop3A_1904, %parallel_loop3A_1906, %parallel_loop3A_1921, %parallel_loop3A_1923, %parallel_loop3A_1925 : vector<16xf32>, vector<16xf32>, vector<16xf32>, vector<16xf32>, vector<16xf32>, vector<16xf32>, vector<16xf32>, vector<16xf32>, vector<16xf32>, vector<16xf32>, vector<16xf32>, vector<16xf32>
    } {sc.loop_unroll_factor = 4 : i64, sc.parallel_access}
    %dma_start3A_35 = arith.constant 4096 : i32
    %dma_start3A_36 = tpu.memref_slice %arg2[%mul3A_2, %dma_start3A_35] : memref<128x32768xf32, #tpu.memory_space<hbm>> -> memref<4x2048xf32, #tpu.memory_space<hbm>>
    %dma_start3A_37 = arith.constant 4096 : i32
    %dma_start3A_38 = tpu.memref_slice %arg2[%mul3A_2, %dma_start3A_37] : memref<128x32768xf32, #tpu.memory_space<hbm>> -> memref<4x2048xf32, #tpu.memory_space<hbm>>
    tpu.enqueue_dma source(%dma_start3A_38 : memref<4x2048xf32, #tpu.memory_space<hbm>>) target(%arg5 : memref<4x2048xf32, #tpu.memory_space<vmem>>) target_semaphore(%arg11 : memref<!tpu.dma_semaphore, #tpu.memory_space<semaphore_mem>>)
    %dma_start3A_39 = arith.constant 4096 : i32
    %dma_start3A_40 = tpu.memref_slice %arg3[%mul3A_2, %dma_start3A_39] : memref<128x32768xf32, #tpu.memory_space<hbm>> -> memref<4x2048xf32, #tpu.memory_space<hbm>>
    %dma_start3A_41 = arith.constant 4096 : i32
    %dma_start3A_42 = tpu.memref_slice %arg3[%mul3A_2, %dma_start3A_41] : memref<128x32768xf32, #tpu.memory_space<hbm>> -> memref<4x2048xf32, #tpu.memory_space<hbm>>
    tpu.enqueue_dma source(%dma_start3A_42 : memref<4x2048xf32, #tpu.memory_space<hbm>>) target(%arg7 : memref<4x2048xf32, #tpu.memory_space<vmem>>) target_semaphore(%arg13 : memref<!tpu.dma_semaphore, #tpu.memory_space<semaphore_mem>>)
    %dma_wait3A_43 = arith.constant 2048 : i32
    %dma_wait3A_44 = tpu.memref_slice %arg2[%mul3A_2, %dma_wait3A_43] : memref<128x32768xf32, #tpu.memory_space<hbm>> -> memref<4x2048xf32, #tpu.memory_space<hbm>>
    %dma_wait3A_45 = arith.constant 2048 : i32
    %dma_wait3A_46 = tpu.memref_slice %arg2[%mul3A_2, %dma_wait3A_45] : memref<128x32768xf32, #tpu.memory_space<hbm>> -> memref<4x2048xf32, #tpu.memory_space<hbm>>
    tpu.wait_dma2 semaphore(%arg12 : memref<!tpu.dma_semaphore, #tpu.memory_space<semaphore_mem>>) src(%dma_wait3A_46 : memref<4x2048xf32, #tpu.memory_space<hbm>>) dst(%arg6 : memref<4x2048xf32, #tpu.memory_space<vmem>>)
    %dma_wait3A_47 = arith.constant 2048 : i32
    %dma_wait3A_48 = tpu.memref_slice %arg3[%mul3A_2, %dma_wait3A_47] : memref<128x32768xf32, #tpu.memory_space<hbm>> -> memref<4x2048xf32, #tpu.memory_space<hbm>>
    %dma_wait3A_49 = arith.constant 2048 : i32
    %dma_wait3A_50 = tpu.memref_slice %arg3[%mul3A_2, %dma_wait3A_49] : memref<128x32768xf32, #tpu.memory_space<hbm>> -> memref<4x2048xf32, #tpu.memory_space<hbm>>
    tpu.wait_dma2 semaphore(%arg14 : memref<!tpu.dma_semaphore, #tpu.memory_space<semaphore_mem>>) src(%dma_wait3A_50 : memref<4x2048xf32, #tpu.memory_space<hbm>>) dst(%arg8 : memref<4x2048xf32, #tpu.memory_space<vmem>>)
    %parallel_loop3A_51 = arith.constant 0 : i32
    %parallel_loop3A_52 = arith.constant 128 : i32
    %parallel_loop3A_53 = arith.constant 1 : i32
    %parallel_loop3A_54:12 = scf.for %parallel_loop3A_1834 = %parallel_loop3A_51 to %parallel_loop3A_52 step %parallel_loop3A_53 iter_args(%parallel_loop3A_1835 = %parallel_loop3A_34#0, %parallel_loop3A_1836 = %parallel_loop3A_34#1, %parallel_loop3A_1837 = %parallel_loop3A_34#2, %parallel_loop3A_1838 = %parallel_loop3A_34#3, %parallel_loop3A_1839 = %parallel_loop3A_34#4, %parallel_loop3A_1840 = %parallel_loop3A_34#5, %parallel_loop3A_1841 = %parallel_loop3A_34#6, %parallel_loop3A_1842 = %parallel_loop3A_34#7, %parallel_loop3A_1843 = %parallel_loop3A_34#8, %parallel_loop3A_1844 = %parallel_loop3A_34#9, %parallel_loop3A_1845 = %parallel_loop3A_34#10, %parallel_loop3A_1846 = %parallel_loop3A_34#11) -> (vector<16xf32>, vector<16xf32>, vector<16xf32>, vector<16xf32>, vector<16xf32>, vector<16xf32>, vector<16xf32>, vector<16xf32>, vector<16xf32>, vector<16xf32>, vector<16xf32>, vector<16xf32>)  : i32 {
      %parallel_loop3A_1847 = arith.constant 16 : i32
      %parallel_loop3A_1848 = arith.muli %parallel_loop3A_1834, %parallel_loop3A_1847 : i32
      %parallel_loop3A_1849 = tpu.assume_multiple %parallel_loop3A_1848, 16 : i32
      %parallel_loop3A_1850 = arith.constant 0 : i32
      %parallel_loop3A_1851 = arith.index_cast %parallel_loop3A_1850 : i32 to index
      %parallel_loop3A_1852 = arith.index_cast %parallel_loop3A_1849 : i32 to index
      %parallel_loop3A_1853 = tpu.vector_load %arg6[%parallel_loop3A_1851, %parallel_loop3A_1852] {strides = array<i32>} : memref<4x2048xf32, #tpu.memory_space<vmem>>, vector<1x16xf32>,
      %parallel_loop3A_1854 = vector.shape_cast %parallel_loop3A_1853 : vector<1x16xf32> to vector<16xf32>
      %parallel_loop3A_1855 = arith.constant 0 : i32
      %parallel_loop3A_1856 = arith.index_cast %parallel_loop3A_1855 : i32 to index
      %parallel_loop3A_1857 = arith.index_cast %parallel_loop3A_1849 : i32 to index
      %parallel_loop3A_1858 = tpu.vector_load %arg8[%parallel_loop3A_1856, %parallel_loop3A_1857] {strides = array<i32>} : memref<4x2048xf32, #tpu.memory_space<vmem>>, vector<1x16xf32>,
      %parallel_loop3A_1859 = vector.shape_cast %parallel_loop3A_1858 : vector<1x16xf32> to vector<16xf32>
      %parallel_loop3A_1860 = arith.constant 0.000000e+00 : f32
      %parallel_loop3A_1861 = vector.broadcast %parallel_loop3A_1860 : f32 to vector<16xf32>
      %parallel_loop3A_1862 = arith.cmpf oeq, %parallel_loop3A_1859, %parallel_loop3A_1861 : vector<16xf32>
      %parallel_loop3A_1863 = arith.select %parallel_loop3A_1862, %parallel_loop3A_1854, %broadcast_in_dim3A_14 : vector<16xi1>, vector<16xf32>
      %parallel_loop3A_1864 = arith.maximumf %parallel_loop3A_1835, %parallel_loop3A_1863 : vector<16xf32>
      %parallel_loop3A_1865 = arith.minimumf %parallel_loop3A_1835, %parallel_loop3A_1863 : vector<16xf32>
      %parallel_loop3A_1866 = arith.maximumf %parallel_loop3A_1836, %parallel_loop3A_1865 : vector<16xf32>
      %parallel_loop3A_1867 = arith.minimumf %parallel_loop3A_1836, %parallel_loop3A_1865 : vector<16xf32>
      %parallel_loop3A_1868 = arith.maximumf %parallel_loop3A_1837, %parallel_loop3A_1867 : vector<16xf32>
      %parallel_loop3A_1869 = arith.constant 1 : i32
      %parallel_loop3A_1870 = arith.index_cast %parallel_loop3A_1869 : i32 to index
      %parallel_loop3A_1871 = arith.index_cast %parallel_loop3A_1849 : i32 to index
      %parallel_loop3A_1872 = tpu.vector_load %arg6[%parallel_loop3A_1870, %parallel_loop3A_1871] {strides = array<i32>} : memref<4x2048xf32, #tpu.memory_space<vmem>>, vector<1x16xf32>,
      %parallel_loop3A_1873 = vector.shape_cast %parallel_loop3A_1872 : vector<1x16xf32> to vector<16xf32>
      %parallel_loop3A_1874 = arith.constant 1 : i32
      %parallel_loop3A_1875 = arith.index_cast %parallel_loop3A_1874 : i32 to index
      %parallel_loop3A_1876 = arith.index_cast %parallel_loop3A_1849 : i32 to index
      %parallel_loop3A_1877 = tpu.vector_load %arg8[%parallel_loop3A_1875, %parallel_loop3A_1876] {strides = array<i32>} : memref<4x2048xf32, #tpu.memory_space<vmem>>, vector<1x16xf32>,
      %parallel_loop3A_1878 = vector.shape_cast %parallel_loop3A_1877 : vector<1x16xf32> to vector<16xf32>
      %parallel_loop3A_1879 = arith.constant 0.000000e+00 : f32
      %parallel_loop3A_1880 = vector.broadcast %parallel_loop3A_1879 : f32 to vector<16xf32>
      %parallel_loop3A_1881 = arith.cmpf oeq, %parallel_loop3A_1878, %parallel_loop3A_1880 : vector<16xf32>
      %parallel_loop3A_1882 = arith.select %parallel_loop3A_1881, %parallel_loop3A_1873, %broadcast_in_dim3A_14 : vector<16xi1>, vector<16xf32>
      %parallel_loop3A_1883 = arith.maximumf %parallel_loop3A_1838, %parallel_loop3A_1882 : vector<16xf32>
      %parallel_loop3A_1884 = arith.minimumf %parallel_loop3A_1838, %parallel_loop3A_1882 : vector<16xf32>
      %parallel_loop3A_1885 = arith.maximumf %parallel_loop3A_1839, %parallel_loop3A_1884 : vector<16xf32>
      %parallel_loop3A_1886 = arith.minimumf %parallel_loop3A_1839, %parallel_loop3A_1884 : vector<16xf32>
      %parallel_loop3A_1887 = arith.maximumf %parallel_loop3A_1840, %parallel_loop3A_1886 : vector<16xf32>
      %parallel_loop3A_1888 = arith.constant 2 : i32
      %parallel_loop3A_1889 = arith.index_cast %parallel_loop3A_1888 : i32 to index
      %parallel_loop3A_1890 = arith.index_cast %parallel_loop3A_1849 : i32 to index
      %parallel_loop3A_1891 = tpu.vector_load %arg6[%parallel_loop3A_1889, %parallel_loop3A_1890] {strides = array<i32>} : memref<4x2048xf32, #tpu.memory_space<vmem>>, vector<1x16xf32>,
      %parallel_loop3A_1892 = vector.shape_cast %parallel_loop3A_1891 : vector<1x16xf32> to vector<16xf32>
      %parallel_loop3A_1893 = arith.constant 2 : i32
      %parallel_loop3A_1894 = arith.index_cast %parallel_loop3A_1893 : i32 to index
      %parallel_loop3A_1895 = arith.index_cast %parallel_loop3A_1849 : i32 to index
      %parallel_loop3A_1896 = tpu.vector_load %arg8[%parallel_loop3A_1894, %parallel_loop3A_1895] {strides = array<i32>} : memref<4x2048xf32, #tpu.memory_space<vmem>>, vector<1x16xf32>,
      %parallel_loop3A_1897 = vector.shape_cast %parallel_loop3A_1896 : vector<1x16xf32> to vector<16xf32>
      %parallel_loop3A_1898 = arith.constant 0.000000e+00 : f32
      %parallel_loop3A_1899 = vector.broadcast %parallel_loop3A_1898 : f32 to vector<16xf32>
      %parallel_loop3A_1900 = arith.cmpf oeq, %parallel_loop3A_1897, %parallel_loop3A_1899 : vector<16xf32>
      %parallel_loop3A_1901 = arith.select %parallel_loop3A_1900, %parallel_loop3A_1892, %broadcast_in_dim3A_14 : vector<16xi1>, vector<16xf32>
      %parallel_loop3A_1902 = arith.maximumf %parallel_loop3A_1841, %parallel_loop3A_1901 : vector<16xf32>
      %parallel_loop3A_1903 = arith.minimumf %parallel_loop3A_1841, %parallel_loop3A_1901 : vector<16xf32>
      %parallel_loop3A_1904 = arith.maximumf %parallel_loop3A_1842, %parallel_loop3A_1903 : vector<16xf32>
      %parallel_loop3A_1905 = arith.minimumf %parallel_loop3A_1842, %parallel_loop3A_1903 : vector<16xf32>
      %parallel_loop3A_1906 = arith.maximumf %parallel_loop3A_1843, %parallel_loop3A_1905 : vector<16xf32>
      %parallel_loop3A_1907 = arith.constant 3 : i32
      %parallel_loop3A_1908 = arith.index_cast %parallel_loop3A_1907 : i32 to index
      %parallel_loop3A_1909 = arith.index_cast %parallel_loop3A_1849 : i32 to index
      %parallel_loop3A_1910 = tpu.vector_load %arg6[%parallel_loop3A_1908, %parallel_loop3A_1909] {strides = array<i32>} : memref<4x2048xf32, #tpu.memory_space<vmem>>, vector<1x16xf32>,
      %parallel_loop3A_1911 = vector.shape_cast %parallel_loop3A_1910 : vector<1x16xf32> to vector<16xf32>
      %parallel_loop3A_1912 = arith.constant 3 : i32
      %parallel_loop3A_1913 = arith.index_cast %parallel_loop3A_1912 : i32 to index
      %parallel_loop3A_1914 = arith.index_cast %parallel_loop3A_1849 : i32 to index
      %parallel_loop3A_1915 = tpu.vector_load %arg8[%parallel_loop3A_1913, %parallel_loop3A_1914] {strides = array<i32>} : memref<4x2048xf32, #tpu.memory_space<vmem>>, vector<1x16xf32>,
      %parallel_loop3A_1916 = vector.shape_cast %parallel_loop3A_1915 : vector<1x16xf32> to vector<16xf32>
      %parallel_loop3A_1917 = arith.constant 0.000000e+00 : f32
      %parallel_loop3A_1918 = vector.broadcast %parallel_loop3A_1917 : f32 to vector<16xf32>
      %parallel_loop3A_1919 = arith.cmpf oeq, %parallel_loop3A_1916, %parallel_loop3A_1918 : vector<16xf32>
      %parallel_loop3A_1920 = arith.select %parallel_loop3A_1919, %parallel_loop3A_1911, %broadcast_in_dim3A_14 : vector<16xi1>, vector<16xf32>
      %parallel_loop3A_1921 = arith.maximumf %parallel_loop3A_1844, %parallel_loop3A_1920 : vector<16xf32>
      %parallel_loop3A_1922 = arith.minimumf %parallel_loop3A_1844, %parallel_loop3A_1920 : vector<16xf32>
      %parallel_loop3A_1923 = arith.maximumf %parallel_loop3A_1845, %parallel_loop3A_1922 : vector<16xf32>
      %parallel_loop3A_1924 = arith.minimumf %parallel_loop3A_1845, %parallel_loop3A_1922 : vector<16xf32>
      %parallel_loop3A_1925 = arith.maximumf %parallel_loop3A_1846, %parallel_loop3A_1924 : vector<16xf32>
      scf.yield %parallel_loop3A_1864, %parallel_loop3A_1866, %parallel_loop3A_1868, %parallel_loop3A_1883, %parallel_loop3A_1885, %parallel_loop3A_1887, %parallel_loop3A_1902, %parallel_loop3A_1904, %parallel_loop3A_1906, %parallel_loop3A_1921, %parallel_loop3A_1923, %parallel_loop3A_1925 : vector<16xf32>, vector<16xf32>, vector<16xf32>, vector<16xf32>, vector<16xf32>, vector<16xf32>, vector<16xf32>, vector<16xf32>, vector<16xf32>, vector<16xf32>, vector<16xf32>, vector<16xf32>
    } {sc.loop_unroll_factor = 4 : i64, sc.parallel_access}
    %dma_start3A_55 = arith.constant 6144 : i32
    %dma_start3A_56 = tpu.memref_slice %arg2[%mul3A_2, %dma_start3A_55] : memref<128x32768xf32, #tpu.memory_space<hbm>> -> memref<4x2048xf32, #tpu.memory_space<hbm>>
    %dma_start3A_57 = arith.constant 6144 : i32
    %dma_start3A_58 = tpu.memref_slice %arg2[%mul3A_2, %dma_start3A_57] : memref<128x32768xf32, #tpu.memory_space<hbm>> -> memref<4x2048xf32, #tpu.memory_space<hbm>>
    tpu.enqueue_dma source(%dma_start3A_58 : memref<4x2048xf32, #tpu.memory_space<hbm>>) target(%arg6 : memref<4x2048xf32, #tpu.memory_space<vmem>>) target_semaphore(%arg12 : memref<!tpu.dma_semaphore, #tpu.memory_space<semaphore_mem>>)
    %dma_start3A_59 = arith.constant 6144 : i32
    %dma_start3A_60 = tpu.memref_slice %arg3[%mul3A_2, %dma_start3A_59] : memref<128x32768xf32, #tpu.memory_space<hbm>> -> memref<4x2048xf32, #tpu.memory_space<hbm>>
    %dma_start3A_61 = arith.constant 6144 : i32
    %dma_start3A_62 = tpu.memref_slice %arg3[%mul3A_2, %dma_start3A_61] : memref<128x32768xf32, #tpu.memory_space<hbm>> -> memref<4x2048xf32, #tpu.memory_space<hbm>>
    tpu.enqueue_dma source(%dma_start3A_62 : memref<4x2048xf32, #tpu.memory_space<hbm>>) target(%arg8 : memref<4x2048xf32, #tpu.memory_space<vmem>>) target_semaphore(%arg14 : memref<!tpu.dma_semaphore, #tpu.memory_space<semaphore_mem>>)
    %dma_wait3A_63 = arith.constant 4096 : i32
    %dma_wait3A_64 = tpu.memref_slice %arg2[%mul3A_2, %dma_wait3A_63] : memref<128x32768xf32, #tpu.memory_space<hbm>> -> memref<4x2048xf32, #tpu.memory_space<hbm>>
    %dma_wait3A_65 = arith.constant 4096 : i32
    %dma_wait3A_66 = tpu.memref_slice %arg2[%mul3A_2, %dma_wait3A_65] : memref<128x32768xf32, #tpu.memory_space<hbm>> -> memref<4x2048xf32, #tpu.memory_space<hbm>>
    tpu.wait_dma2 semaphore(%arg11 : memref<!tpu.dma_semaphore, #tpu.memory_space<semaphore_mem>>) src(%dma_wait3A_66 : memref<4x2048xf32, #tpu.memory_space<hbm>>) dst(%arg5 : memref<4x2048xf32, #tpu.memory_space<vmem>>)
    %dma_wait3A_67 = arith.constant 4096 : i32
    %dma_wait3A_68 = tpu.memref_slice %arg3[%mul3A_2, %dma_wait3A_67] : memref<128x32768xf32, #tpu.memory_space<hbm>> -> memref<4x2048xf32, #tpu.memory_space<hbm>>
    %dma_wait3A_69 = arith.constant 4096 : i32
    %dma_wait3A_70 = tpu.memref_slice %arg3[%mul3A_2, %dma_wait3A_69] : memref<128x32768xf32, #tpu.memory_space<hbm>> -> memref<4x2048xf32, #tpu.memory_space<hbm>>
    tpu.wait_dma2 semaphore(%arg13 : memref<!tpu.dma_semaphore, #tpu.memory_space<semaphore_mem>>) src(%dma_wait3A_70 : memref<4x2048xf32, #tpu.memory_space<hbm>>) dst(%arg7 : memref<4x2048xf32, #tpu.memory_space<vmem>>)
    %parallel_loop3A_71 = arith.constant 0 : i32
    %parallel_loop3A_72 = arith.constant 128 : i32
    %parallel_loop3A_73 = arith.constant 1 : i32
    %parallel_loop3A_74:12 = scf.for %parallel_loop3A_1834 = %parallel_loop3A_71 to %parallel_loop3A_72 step %parallel_loop3A_73 iter_args(%parallel_loop3A_1835 = %parallel_loop3A_54#0, %parallel_loop3A_1836 = %parallel_loop3A_54#1, %parallel_loop3A_1837 = %parallel_loop3A_54#2, %parallel_loop3A_1838 = %parallel_loop3A_54#3, %parallel_loop3A_1839 = %parallel_loop3A_54#4, %parallel_loop3A_1840 = %parallel_loop3A_54#5, %parallel_loop3A_1841 = %parallel_loop3A_54#6, %parallel_loop3A_1842 = %parallel_loop3A_54#7, %parallel_loop3A_1843 = %parallel_loop3A_54#8, %parallel_loop3A_1844 = %parallel_loop3A_54#9, %parallel_loop3A_1845 = %parallel_loop3A_54#10, %parallel_loop3A_1846 = %parallel_loop3A_54#11) -> (vector<16xf32>, vector<16xf32>, vector<16xf32>, vector<16xf32>, vector<16xf32>, vector<16xf32>, vector<16xf32>, vector<16xf32>, vector<16xf32>, vector<16xf32>, vector<16xf32>, vector<16xf32>)  : i32 {
      %parallel_loop3A_1847 = arith.constant 16 : i32
      %parallel_loop3A_1848 = arith.muli %parallel_loop3A_1834, %parallel_loop3A_1847 : i32
      %parallel_loop3A_1849 = tpu.assume_multiple %parallel_loop3A_1848, 16 : i32
      %parallel_loop3A_1850 = arith.constant 0 : i32
      %parallel_loop3A_1851 = arith.index_cast %parallel_loop3A_1850 : i32 to index
      %parallel_loop3A_1852 = arith.index_cast %parallel_loop3A_1849 : i32 to index
      %parallel_loop3A_1853 = tpu.vector_load %arg5[%parallel_loop3A_1851, %parallel_loop3A_1852] {strides = array<i32>} : memref<4x2048xf32, #tpu.memory_space<vmem>>, vector<1x16xf32>,
      %parallel_loop3A_1854 = vector.shape_cast %parallel_loop3A_1853 : vector<1x16xf32> to vector<16xf32>
      %parallel_loop3A_1855 = arith.constant 0 : i32
      %parallel_loop3A_1856 = arith.index_cast %parallel_loop3A_1855 : i32 to index
      %parallel_loop3A_1857 = arith.index_cast %parallel_loop3A_1849 : i32 to index
      %parallel_loop3A_1858 = tpu.vector_load %arg7[%parallel_loop3A_1856, %parallel_loop3A_1857] {strides = array<i32>} : memref<4x2048xf32, #tpu.memory_space<vmem>>, vector<1x16xf32>,
      %parallel_loop3A_1859 = vector.shape_cast %parallel_loop3A_1858 : vector<1x16xf32> to vector<16xf32>
      %parallel_loop3A_1860 = arith.constant 0.000000e+00 : f32
      %parallel_loop3A_1861 = vector.broadcast %parallel_loop3A_1860 : f32 to vector<16xf32>
      %parallel_loop3A_1862 = arith.cmpf oeq, %parallel_loop3A_1859, %parallel_loop3A_1861 : vector<16xf32>
      %parallel_loop3A_1863 = arith.select %parallel_loop3A_1862, %parallel_loop3A_1854, %broadcast_in_dim3A_14 : vector<16xi1>, vector<16xf32>
      %parallel_loop3A_1864 = arith.maximumf %parallel_loop3A_1835, %parallel_loop3A_1863 : vector<16xf32>
      %parallel_loop3A_1865 = arith.minimumf %parallel_loop3A_1835, %parallel_loop3A_1863 : vector<16xf32>
      %parallel_loop3A_1866 = arith.maximumf %parallel_loop3A_1836, %parallel_loop3A_1865 : vector<16xf32>
      %parallel_loop3A_1867 = arith.minimumf %parallel_loop3A_1836, %parallel_loop3A_1865 : vector<16xf32>
      %parallel_loop3A_1868 = arith.maximumf %parallel_loop3A_1837, %parallel_loop3A_1867 : vector<16xf32>
      %parallel_loop3A_1869 = arith.constant 1 : i32
      %parallel_loop3A_1870 = arith.index_cast %parallel_loop3A_1869 : i32 to index
      %parallel_loop3A_1871 = arith.index_cast %parallel_loop3A_1849 : i32 to index
      %parallel_loop3A_1872 = tpu.vector_load %arg5[%parallel_loop3A_1870, %parallel_loop3A_1871] {strides = array<i32>} : memref<4x2048xf32, #tpu.memory_space<vmem>>, vector<1x16xf32>,
      %parallel_loop3A_1873 = vector.shape_cast %parallel_loop3A_1872 : vector<1x16xf32> to vector<16xf32>
      %parallel_loop3A_1874 = arith.constant 1 : i32
      %parallel_loop3A_1875 = arith.index_cast %parallel_loop3A_1874 : i32 to index
      %parallel_loop3A_1876 = arith.index_cast %parallel_loop3A_1849 : i32 to index
      %parallel_loop3A_1877 = tpu.vector_load %arg7[%parallel_loop3A_1875, %parallel_loop3A_1876] {strides = array<i32>} : memref<4x2048xf32, #tpu.memory_space<vmem>>, vector<1x16xf32>,
      %parallel_loop3A_1878 = vector.shape_cast %parallel_loop3A_1877 : vector<1x16xf32> to vector<16xf32>
      %parallel_loop3A_1879 = arith.constant 0.000000e+00 : f32
      %parallel_loop3A_1880 = vector.broadcast %parallel_loop3A_1879 : f32 to vector<16xf32>
      %parallel_loop3A_1881 = arith.cmpf oeq, %parallel_loop3A_1878, %parallel_loop3A_1880 : vector<16xf32>
      %parallel_loop3A_1882 = arith.select %parallel_loop3A_1881, %parallel_loop3A_1873, %broadcast_in_dim3A_14 : vector<16xi1>, vector<16xf32>
      %parallel_loop3A_1883 = arith.maximumf %parallel_loop3A_1838, %parallel_loop3A_1882 : vector<16xf32>
      %parallel_loop3A_1884 = arith.minimumf %parallel_loop3A_1838, %parallel_loop3A_1882 : vector<16xf32>
      %parallel_loop3A_1885 = arith.maximumf %parallel_loop3A_1839, %parallel_loop3A_1884 : vector<16xf32>
      %parallel_loop3A_1886 = arith.minimumf %parallel_loop3A_1839, %parallel_loop3A_1884 : vector<16xf32>
      %parallel_loop3A_1887 = arith.maximumf %parallel_loop3A_1840, %parallel_loop3A_1886 : vector<16xf32>
      %parallel_loop3A_1888 = arith.constant 2 : i32
      %parallel_loop3A_1889 = arith.index_cast %parallel_loop3A_1888 : i32 to index
      %parallel_loop3A_1890 = arith.index_cast %parallel_loop3A_1849 : i32 to index
      %parallel_loop3A_1891 = tpu.vector_load %arg5[%parallel_loop3A_1889, %parallel_loop3A_1890] {strides = array<i32>} : memref<4x2048xf32, #tpu.memory_space<vmem>>, vector<1x16xf32>,
      %parallel_loop3A_1892 = vector.shape_cast %parallel_loop3A_1891 : vector<1x16xf32> to vector<16xf32>
      %parallel_loop3A_1893 = arith.constant 2 : i32
      %parallel_loop3A_1894 = arith.index_cast %parallel_loop3A_1893 : i32 to index
      %parallel_loop3A_1895 = arith.index_cast %parallel_loop3A_1849 : i32 to index
      %parallel_loop3A_1896 = tpu.vector_load %arg7[%parallel_loop3A_1894, %parallel_loop3A_1895] {strides = array<i32>} : memref<4x2048xf32, #tpu.memory_space<vmem>>, vector<1x16xf32>,
      %parallel_loop3A_1897 = vector.shape_cast %parallel_loop3A_1896 : vector<1x16xf32> to vector<16xf32>
      %parallel_loop3A_1898 = arith.constant 0.000000e+00 : f32
      %parallel_loop3A_1899 = vector.broadcast %parallel_loop3A_1898 : f32 to vector<16xf32>
      %parallel_loop3A_1900 = arith.cmpf oeq, %parallel_loop3A_1897, %parallel_loop3A_1899 : vector<16xf32>
      %parallel_loop3A_1901 = arith.select %parallel_loop3A_1900, %parallel_loop3A_1892, %broadcast_in_dim3A_14 : vector<16xi1>, vector<16xf32>
      %parallel_loop3A_1902 = arith.maximumf %parallel_loop3A_1841, %parallel_loop3A_1901 : vector<16xf32>
      %parallel_loop3A_1903 = arith.minimumf %parallel_loop3A_1841, %parallel_loop3A_1901 : vector<16xf32>
      %parallel_loop3A_1904 = arith.maximumf %parallel_loop3A_1842, %parallel_loop3A_1903 : vector<16xf32>
      %parallel_loop3A_1905 = arith.minimumf %parallel_loop3A_1842, %parallel_loop3A_1903 : vector<16xf32>
      %parallel_loop3A_1906 = arith.maximumf %parallel_loop3A_1843, %parallel_loop3A_1905 : vector<16xf32>
      %parallel_loop3A_1907 = arith.constant 3 : i32
      %parallel_loop3A_1908 = arith.index_cast %parallel_loop3A_1907 : i32 to index
      %parallel_loop3A_1909 = arith.index_cast %parallel_loop3A_1849 : i32 to index
      %parallel_loop3A_1910 = tpu.vector_load %arg5[%parallel_loop3A_1908, %parallel_loop3A_1909] {strides = array<i32>} : memref<4x2048xf32, #tpu.memory_space<vmem>>, vector<1x16xf32>,
      %parallel_loop3A_1911 = vector.shape_cast %parallel_loop3A_1910 : vector<1x16xf32> to vector<16xf32>
      %parallel_loop3A_1912 = arith.constant 3 : i32
      %parallel_loop3A_1913 = arith.index_cast %parallel_loop3A_1912 : i32 to index
      %parallel_loop3A_1914 = arith.index_cast %parallel_loop3A_1849 : i32 to index
      %parallel_loop3A_1915 = tpu.vector_load %arg7[%parallel_loop3A_1913, %parallel_loop3A_1914] {strides = array<i32>} : memref<4x2048xf32, #tpu.memory_space<vmem>>, vector<1x16xf32>,
      %parallel_loop3A_1916 = vector.shape_cast %parallel_loop3A_1915 : vector<1x16xf32> to vector<16xf32>
      %parallel_loop3A_1917 = arith.constant 0.000000e+00 : f32
      %parallel_loop3A_1918 = vector.broadcast %parallel_loop3A_1917 : f32 to vector<16xf32>
      %parallel_loop3A_1919 = arith.cmpf oeq, %parallel_loop3A_1916, %parallel_loop3A_1918 : vector<16xf32>
      %parallel_loop3A_1920 = arith.select %parallel_loop3A_1919, %parallel_loop3A_1911, %broadcast_in_dim3A_14 : vector<16xi1>, vector<16xf32>
      %parallel_loop3A_1921 = arith.maximumf %parallel_loop3A_1844, %parallel_loop3A_1920 : vector<16xf32>
      %parallel_loop3A_1922 = arith.minimumf %parallel_loop3A_1844, %parallel_loop3A_1920 : vector<16xf32>
      %parallel_loop3A_1923 = arith.maximumf %parallel_loop3A_1845, %parallel_loop3A_1922 : vector<16xf32>
      %parallel_loop3A_1924 = arith.minimumf %parallel_loop3A_1845, %parallel_loop3A_1922 : vector<16xf32>
      %parallel_loop3A_1925 = arith.maximumf %parallel_loop3A_1846, %parallel_loop3A_1924 : vector<16xf32>
      scf.yield %parallel_loop3A_1864, %parallel_loop3A_1866, %parallel_loop3A_1868, %parallel_loop3A_1883, %parallel_loop3A_1885, %parallel_loop3A_1887, %parallel_loop3A_1902, %parallel_loop3A_1904, %parallel_loop3A_1906, %parallel_loop3A_1921, %parallel_loop3A_1923, %parallel_loop3A_1925 : vector<16xf32>, vector<16xf32>, vector<16xf32>, vector<16xf32>, vector<16xf32>, vector<16xf32>, vector<16xf32>, vector<16xf32>, vector<16xf32>, vector<16xf32>, vector<16xf32>, vector<16xf32>
    } {sc.loop_unroll_factor = 4 : i64, sc.parallel_access}
    %dma_start3A_75 = arith.constant 8192 : i32
    %dma_start3A_76 = tpu.memref_slice %arg2[%mul3A_2, %dma_start3A_75] : memref<128x32768xf32, #tpu.memory_space<hbm>> -> memref<4x2048xf32, #tpu.memory_space<hbm>>
    %dma_start3A_77 = arith.constant 8192 : i32
    %dma_start3A_78 = tpu.memref_slice %arg2[%mul3A_2, %dma_start3A_77] : memref<128x32768xf32, #tpu.memory_space<hbm>> -> memref<4x2048xf32, #tpu.memory_space<hbm>>
    tpu.enqueue_dma source(%dma_start3A_78 : memref<4x2048xf32, #tpu.memory_space<hbm>>) target(%arg5 : memref<4x2048xf32, #tpu.memory_space<vmem>>) target_semaphore(%arg11 : memref<!tpu.dma_semaphore, #tpu.memory_space<semaphore_mem>>)
    %dma_start3A_79 = arith.constant 8192 : i32
    %dma_start3A_80 = tpu.memref_slice %arg3[%mul3A_2, %dma_start3A_79] : memref<128x32768xf32, #tpu.memory_space<hbm>> -> memref<4x2048xf32, #tpu.memory_space<hbm>>
    %dma_start3A_81 = arith.constant 8192 : i32
    %dma_start3A_82 = tpu.memref_slice %arg3[%mul3A_2, %dma_start3A_81] : memref<128x32768xf32, #tpu.memory_space<hbm>> -> memref<4x2048xf32, #tpu.memory_space<hbm>>
    tpu.enqueue_dma source(%dma_start3A_82 : memref<4x2048xf32, #tpu.memory_space<hbm>>) target(%arg7 : memref<4x2048xf32, #tpu.memory_space<vmem>>) target_semaphore(%arg13 : memref<!tpu.dma_semaphore, #tpu.memory_space<semaphore_mem>>)
    %dma_wait3A_83 = arith.constant 6144 : i32
    %dma_wait3A_84 = tpu.memref_slice %arg2[%mul3A_2, %dma_wait3A_83] : memref<128x32768xf32, #tpu.memory_space<hbm>> -> memref<4x2048xf32, #tpu.memory_space<hbm>>
    %dma_wait3A_85 = arith.constant 6144 : i32
    %dma_wait3A_86 = tpu.memref_slice %arg2[%mul3A_2, %dma_wait3A_85] : memref<128x32768xf32, #tpu.memory_space<hbm>> -> memref<4x2048xf32, #tpu.memory_space<hbm>>
    tpu.wait_dma2 semaphore(%arg12 : memref<!tpu.dma_semaphore, #tpu.memory_space<semaphore_mem>>) src(%dma_wait3A_86 : memref<4x2048xf32, #tpu.memory_space<hbm>>) dst(%arg6 : memref<4x2048xf32, #tpu.memory_space<vmem>>)
    %dma_wait3A_87 = arith.constant 6144 : i32
    %dma_wait3A_88 = tpu.memref_slice %arg3[%mul3A_2, %dma_wait3A_87] : memref<128x32768xf32, #tpu.memory_space<hbm>> -> memref<4x2048xf32, #tpu.memory_space<hbm>>
    %dma_wait3A_89 = arith.constant 6144 : i32
    %dma_wait3A_90 = tpu.memref_slice %arg3[%mul3A_2, %dma_wait3A_89] : memref<128x32768xf32, #tpu.memory_space<hbm>> -> memref<4x2048xf32, #tpu.memory_space<hbm>>
    tpu.wait_dma2 semaphore(%arg14 : memref<!tpu.dma_semaphore, #tpu.memory_space<semaphore_mem>>) src(%dma_wait3A_90 : memref<4x2048xf32, #tpu.memory_space<hbm>>) dst(%arg8 : memref<4x2048xf32, #tpu.memory_space<vmem>>)
    %parallel_loop3A_91 = arith.constant 0 : i32
    %parallel_loop3A_92 = arith.constant 128 : i32
    %parallel_loop3A_93 = arith.constant 1 : i32
    %parallel_loop3A_94:12 = scf.for %parallel_loop3A_1834 = %parallel_loop3A_91 to %parallel_loop3A_92 step %parallel_loop3A_93 iter_args(%parallel_loop3A_1835 = %parallel_loop3A_74#0, %parallel_loop3A_1836 = %parallel_loop3A_74#1, %parallel_loop3A_1837 = %parallel_loop3A_74#2, %parallel_loop3A_1838 = %parallel_loop3A_74#3, %parallel_loop3A_1839 = %parallel_loop3A_74#4, %parallel_loop3A_1840 = %parallel_loop3A_74#5, %parallel_loop3A_1841 = %parallel_loop3A_74#6, %parallel_loop3A_1842 = %parallel_loop3A_74#7, %parallel_loop3A_1843 = %parallel_loop3A_74#8, %parallel_loop3A_1844 = %parallel_loop3A_74#9, %parallel_loop3A_1845 = %parallel_loop3A_74#10, %parallel_loop3A_1846 = %parallel_loop3A_74#11) -> (vector<16xf32>, vector<16xf32>, vector<16xf32>, vector<16xf32>, vector<16xf32>, vector<16xf32>, vector<16xf32>, vector<16xf32>, vector<16xf32>, vector<16xf32>, vector<16xf32>, vector<16xf32>)  : i32 {
      %parallel_loop3A_1847 = arith.constant 16 : i32
      %parallel_loop3A_1848 = arith.muli %parallel_loop3A_1834, %parallel_loop3A_1847 : i32
      %parallel_loop3A_1849 = tpu.assume_multiple %parallel_loop3A_1848, 16 : i32
      %parallel_loop3A_1850 = arith.constant 0 : i32
      %parallel_loop3A_1851 = arith.index_cast %parallel_loop3A_1850 : i32 to index
      %parallel_loop3A_1852 = arith.index_cast %parallel_loop3A_1849 : i32 to index
      %parallel_loop3A_1853 = tpu.vector_load %arg6[%parallel_loop3A_1851, %parallel_loop3A_1852] {strides = array<i32>} : memref<4x2048xf32, #tpu.memory_space<vmem>>, vector<1x16xf32>,
      %parallel_loop3A_1854 = vector.shape_cast %parallel_loop3A_1853 : vector<1x16xf32> to vector<16xf32>
      %parallel_loop3A_1855 = arith.constant 0 : i32
      %parallel_loop3A_1856 = arith.index_cast %parallel_loop3A_1855 : i32 to index
      %parallel_loop3A_1857 = arith.index_cast %parallel_loop3A_1849 : i32 to index
      %parallel_loop3A_1858 = tpu.vector_load %arg8[%parallel_loop3A_1856, %parallel_loop3A_1857] {strides = array<i32>} : memref<4x2048xf32, #tpu.memory_space<vmem>>, vector<1x16xf32>,
      %parallel_loop3A_1859 = vector.shape_cast %parallel_loop3A_1858 : vector<1x16xf32> to vector<16xf32>
      %parallel_loop3A_1860 = arith.constant 0.000000e+00 : f32
      %parallel_loop3A_1861 = vector.broadcast %parallel_loop3A_1860 : f32 to vector<16xf32>
      %parallel_loop3A_1862 = arith.cmpf oeq, %parallel_loop3A_1859, %parallel_loop3A_1861 : vector<16xf32>
      %parallel_loop3A_1863 = arith.select %parallel_loop3A_1862, %parallel_loop3A_1854, %broadcast_in_dim3A_14 : vector<16xi1>, vector<16xf32>
      %parallel_loop3A_1864 = arith.maximumf %parallel_loop3A_1835, %parallel_loop3A_1863 : vector<16xf32>
      %parallel_loop3A_1865 = arith.minimumf %parallel_loop3A_1835, %parallel_loop3A_1863 : vector<16xf32>
      %parallel_loop3A_1866 = arith.maximumf %parallel_loop3A_1836, %parallel_loop3A_1865 : vector<16xf32>
      %parallel_loop3A_1867 = arith.minimumf %parallel_loop3A_1836, %parallel_loop3A_1865 : vector<16xf32>
      %parallel_loop3A_1868 = arith.maximumf %parallel_loop3A_1837, %parallel_loop3A_1867 : vector<16xf32>
      %parallel_loop3A_1869 = arith.constant 1 : i32
      %parallel_loop3A_1870 = arith.index_cast %parallel_loop3A_1869 : i32 to index
      %parallel_loop3A_1871 = arith.index_cast %parallel_loop3A_1849 : i32 to index
      %parallel_loop3A_1872 = tpu.vector_load %arg6[%parallel_loop3A_1870, %parallel_loop3A_1871] {strides = array<i32>} : memref<4x2048xf32, #tpu.memory_space<vmem>>, vector<1x16xf32>,
      %parallel_loop3A_1873 = vector.shape_cast %parallel_loop3A_1872 : vector<1x16xf32> to vector<16xf32>
      %parallel_loop3A_1874 = arith.constant 1 : i32
      %parallel_loop3A_1875 = arith.index_cast %parallel_loop3A_1874 : i32 to index
      %parallel_loop3A_1876 = arith.index_cast %parallel_loop3A_1849 : i32 to index
      %parallel_loop3A_1877 = tpu.vector_load %arg8[%parallel_loop3A_1875, %parallel_loop3A_1876] {strides = array<i32>} : memref<4x2048xf32, #tpu.memory_space<vmem>>, vector<1x16xf32>,
      %parallel_loop3A_1878 = vector.shape_cast %parallel_loop3A_1877 : vector<1x16xf32> to vector<16xf32>
      %parallel_loop3A_1879 = arith.constant 0.000000e+00 : f32
      %parallel_loop3A_1880 = vector.broadcast %parallel_loop3A_1879 : f32 to vector<16xf32>
      %parallel_loop3A_1881 = arith.cmpf oeq, %parallel_loop3A_1878, %parallel_loop3A_1880 : vector<16xf32>
      %parallel_loop3A_1882 = arith.select %parallel_loop3A_1881, %parallel_loop3A_1873, %broadcast_in_dim3A_14 : vector<16xi1>, vector<16xf32>
      %parallel_loop3A_1883 = arith.maximumf %parallel_loop3A_1838, %parallel_loop3A_1882 : vector<16xf32>
      %parallel_loop3A_1884 = arith.minimumf %parallel_loop3A_1838, %parallel_loop3A_1882 : vector<16xf32>
      %parallel_loop3A_1885 = arith.maximumf %parallel_loop3A_1839, %parallel_loop3A_1884 : vector<16xf32>
      %parallel_loop3A_1886 = arith.minimumf %parallel_loop3A_1839, %parallel_loop3A_1884 : vector<16xf32>
      %parallel_loop3A_1887 = arith.maximumf %parallel_loop3A_1840, %parallel_loop3A_1886 : vector<16xf32>
      %parallel_loop3A_1888 = arith.constant 2 : i32
      %parallel_loop3A_1889 = arith.index_cast %parallel_loop3A_1888 : i32 to index
      %parallel_loop3A_1890 = arith.index_cast %parallel_loop3A_1849 : i32 to index
      %parallel_loop3A_1891 = tpu.vector_load %arg6[%parallel_loop3A_1889, %parallel_loop3A_1890] {strides = array<i32>} : memref<4x2048xf32, #tpu.memory_space<vmem>>, vector<1x16xf32>,
      %parallel_loop3A_1892 = vector.shape_cast %parallel_loop3A_1891 : vector<1x16xf32> to vector<16xf32>
      %parallel_loop3A_1893 = arith.constant 2 : i32
      %parallel_loop3A_1894 = arith.index_cast %parallel_loop3A_1893 : i32 to index
      %parallel_loop3A_1895 = arith.index_cast %parallel_loop3A_1849 : i32 to index
      %parallel_loop3A_1896 = tpu.vector_load %arg8[%parallel_loop3A_1894, %parallel_loop3A_1895] {strides = array<i32>} : memref<4x2048xf32, #tpu.memory_space<vmem>>, vector<1x16xf32>,
      %parallel_loop3A_1897 = vector.shape_cast %parallel_loop3A_1896 : vector<1x16xf32> to vector<16xf32>
      %parallel_loop3A_1898 = arith.constant 0.000000e+00 : f32
      %parallel_loop3A_1899 = vector.broadcast %parallel_loop3A_1898 : f32 to vector<16xf32>
      %parallel_loop3A_1900 = arith.cmpf oeq, %parallel_loop3A_1897, %parallel_loop3A_1899 : vector<16xf32>
      %parallel_loop3A_1901 = arith.select %parallel_loop3A_1900, %parallel_loop3A_1892, %broadcast_in_dim3A_14 : vector<16xi1>, vector<16xf32>
      %parallel_loop3A_1902 = arith.maximumf %parallel_loop3A_1841, %parallel_loop3A_1901 : vector<16xf32>
      %parallel_loop3A_1903 = arith.minimumf %parallel_loop3A_1841, %parallel_loop3A_1901 : vector<16xf32>
      %parallel_loop3A_1904 = arith.maximumf %parallel_loop3A_1842, %parallel_loop3A_1903 : vector<16xf32>
      %parallel_loop3A_1905 = arith.minimumf %parallel_loop3A_1842, %parallel_loop3A_1903 : vector<16xf32>
      %parallel_loop3A_1906 = arith.maximumf %parallel_loop3A_1843, %parallel_loop3A_1905 : vector<16xf32>
      %parallel_loop3A_1907 = arith.constant 3 : i32
      %parallel_loop3A_1908 = arith.index_cast %parallel_loop3A_1907 : i32 to index
      %parallel_loop3A_1909 = arith.index_cast %parallel_loop3A_1849 : i32 to index
      %parallel_loop3A_1910 = tpu.vector_load %arg6[%parallel_loop3A_1908, %parallel_loop3A_1909] {strides = array<i32>} : memref<4x2048xf32, #tpu.memory_space<vmem>>, vector<1x16xf32>,
      %parallel_loop3A_1911 = vector.shape_cast %parallel_loop3A_1910 : vector<1x16xf32> to vector<16xf32>
      %parallel_loop3A_1912 = arith.constant 3 : i32
      %parallel_loop3A_1913 = arith.index_cast %parallel_loop3A_1912 : i32 to index
      %parallel_loop3A_1914 = arith.index_cast %parallel_loop3A_1849 : i32 to index
      %parallel_loop3A_1915 = tpu.vector_load %arg8[%parallel_loop3A_1913, %parallel_loop3A_1914] {strides = array<i32>} : memref<4x2048xf32, #tpu.memory_space<vmem>>, vector<1x16xf32>,
      %parallel_loop3A_1916 = vector.shape_cast %parallel_loop3A_1915 : vector<1x16xf32> to vector<16xf32>
      %parallel_loop3A_1917 = arith.constant 0.000000e+00 : f32
      %parallel_loop3A_1918 = vector.broadcast %parallel_loop3A_1917 : f32 to vector<16xf32>
      %parallel_loop3A_1919 = arith.cmpf oeq, %parallel_loop3A_1916, %parallel_loop3A_1918 : vector<16xf32>
      %parallel_loop3A_1920 = arith.select %parallel_loop3A_1919, %parallel_loop3A_1911, %broadcast_in_dim3A_14 : vector<16xi1>, vector<16xf32>
      %parallel_loop3A_1921 = arith.maximumf %parallel_loop3A_1844, %parallel_loop3A_1920 : vector<16xf32>
      %parallel_loop3A_1922 = arith.minimumf %parallel_loop3A_1844, %parallel_loop3A_1920 : vector<16xf32>
      %parallel_loop3A_1923 = arith.maximumf %parallel_loop3A_1845, %parallel_loop3A_1922 : vector<16xf32>
      %parallel_loop3A_1924 = arith.minimumf %parallel_loop3A_1845, %parallel_loop3A_1922 : vector<16xf32>
      %parallel_loop3A_1925 = arith.maximumf %parallel_loop3A_1846, %parallel_loop3A_1924 : vector<16xf32>
      scf.yield %parallel_loop3A_1864, %parallel_loop3A_1866, %parallel_loop3A_1868, %parallel_loop3A_1883, %parallel_loop3A_1885, %parallel_loop3A_1887, %parallel_loop3A_1902, %parallel_loop3A_1904, %parallel_loop3A_1906, %parallel_loop3A_1921, %parallel_loop3A_1923, %parallel_loop3A_1925 : vector<16xf32>, vector<16xf32>, vector<16xf32>, vector<16xf32>, vector<16xf32>, vector<16xf32>, vector<16xf32>, vector<16xf32>, vector<16xf32>, vector<16xf32>, vector<16xf32>, vector<16xf32>
    } {sc.loop_unroll_factor = 4 : i64, sc.parallel_access}
    %dma_start3A_95 = arith.constant 10240 : i32
    %dma_start3A_96 = tpu.memref_slice %arg2[%mul3A_2, %dma_start3A_95] : memref<128x32768xf32, #tpu.memory_space<hbm>> -> memref<4x2048xf32, #tpu.memory_space<hbm>>
    %dma_start3A_97 = arith.constant 10240 : i32
    %dma_start3A_98 = tpu.memref_slice %arg2[%mul3A_2, %dma_start3A_97] : memref<128x32768xf32, #tpu.memory_space<hbm>> -> memref<4x2048xf32, #tpu.memory_space<hbm>>
    tpu.enqueue_dma source(%dma_start3A_98 : memref<4x2048xf32, #tpu.memory_space<hbm>>) target(%arg6 : memref<4x2048xf32, #tpu.memory_space<vmem>>) target_semaphore(%arg12 : memref<!tpu.dma_semaphore, #tpu.memory_space<semaphore_mem>>)
    %dma_start3A_99 = arith.constant 10240 : i32
    %dma_start3A_100 = tpu.memref_slice %arg3[%mul3A_2, %dma_start3A_99] : memref<128x32768xf32, #tpu.memory_space<hbm>> -> memref<4x2048xf32, #tpu.memory_space<hbm>>
    %dma_start3A_101 = arith.constant 10240 : i32
    %dma_start3A_102 = tpu.memref_slice %arg3[%mul3A_2, %dma_start3A_101] : memref<128x32768xf32, #tpu.memory_space<hbm>> -> memref<4x2048xf32, #tpu.memory_space<hbm>>
    tpu.enqueue_dma source(%dma_start3A_102 : memref<4x2048xf32, #tpu.memory_space<hbm>>) target(%arg8 : memref<4x2048xf32, #tpu.memory_space<vmem>>) target_semaphore(%arg14 : memref<!tpu.dma_semaphore, #tpu.memory_space<semaphore_mem>>)
    %dma_wait3A_103 = arith.constant 8192 : i32
    %dma_wait3A_104 = tpu.memref_slice %arg2[%mul3A_2, %dma_wait3A_103] : memref<128x32768xf32, #tpu.memory_space<hbm>> -> memref<4x2048xf32, #tpu.memory_space<hbm>>
    %dma_wait3A_105 = arith.constant 8192 : i32
    %dma_wait3A_106 = tpu.memref_slice %arg2[%mul3A_2, %dma_wait3A_105] : memref<128x32768xf32, #tpu.memory_space<hbm>> -> memref<4x2048xf32, #tpu.memory_space<hbm>>
    tpu.wait_dma2 semaphore(%arg11 : memref<!tpu.dma_semaphore, #tpu.memory_space<semaphore_mem>>) src(%dma_wait3A_106 : memref<4x2048xf32, #tpu.memory_space<hbm>>) dst(%arg5 : memref<4x2048xf32, #tpu.memory_space<vmem>>)
    %dma_wait3A_107 = arith.constant 8192 : i32
    %dma_wait3A_108 = tpu.memref_slice %arg3[%mul3A_2, %dma_wait3A_107] : memref<128x32768xf32, #tpu.memory_space<hbm>> -> memref<4x2048xf32, #tpu.memory_space<hbm>>
    %dma_wait3A_109 = arith.constant 8192 : i32
    %dma_wait3A_110 = tpu.memref_slice %arg3[%mul3A_2, %dma_wait3A_109] : memref<128x32768xf32, #tpu.memory_space<hbm>> -> memref<4x2048xf32, #tpu.memory_space<hbm>>
    tpu.wait_dma2 semaphore(%arg13 : memref<!tpu.dma_semaphore, #tpu.memory_space<semaphore_mem>>) src(%dma_wait3A_110 : memref<4x2048xf32, #tpu.memory_space<hbm>>) dst(%arg7 : memref<4x2048xf32, #tpu.memory_space<vmem>>)
    %parallel_loop3A_111 = arith.constant 0 : i32
    %parallel_loop3A_112 = arith.constant 128 : i32
    %parallel_loop3A_113 = arith.constant 1 : i32
    %parallel_loop3A_114:12 = scf.for %parallel_loop3A_1834 = %parallel_loop3A_111 to %parallel_loop3A_112 step %parallel_loop3A_113 iter_args(%parallel_loop3A_1835 = %parallel_loop3A_94#0, %parallel_loop3A_1836 = %parallel_loop3A_94#1, %parallel_loop3A_1837 = %parallel_loop3A_94#2, %parallel_loop3A_1838 = %parallel_loop3A_94#3, %parallel_loop3A_1839 = %parallel_loop3A_94#4, %parallel_loop3A_1840 = %parallel_loop3A_94#5, %parallel_loop3A_1841 = %parallel_loop3A_94#6, %parallel_loop3A_1842 = %parallel_loop3A_94#7, %parallel_loop3A_1843 = %parallel_loop3A_94#8, %parallel_loop3A_1844 = %parallel_loop3A_94#9, %parallel_loop3A_1845 = %parallel_loop3A_94#10, %parallel_loop3A_1846 = %parallel_loop3A_94#11) -> (vector<16xf32>, vector<16xf32>, vector<16xf32>, vector<16xf32>, vector<16xf32>, vector<16xf32>, vector<16xf32>, vector<16xf32>, vector<16xf32>, vector<16xf32>, vector<16xf32>, vector<16xf32>)  : i32 {
      %parallel_loop3A_1847 = arith.constant 16 : i32
      %parallel_loop3A_1848 = arith.muli %parallel_loop3A_1834, %parallel_loop3A_1847 : i32
      %parallel_loop3A_1849 = tpu.assume_multiple %parallel_loop3A_1848, 16 : i32
      %parallel_loop3A_1850 = arith.constant 0 : i32
      %parallel_loop3A_1851 = arith.index_cast %parallel_loop3A_1850 : i32 to index
      %parallel_loop3A_1852 = arith.index_cast %parallel_loop3A_1849 : i32 to index
      %parallel_loop3A_1853 = tpu.vector_load %arg5[%parallel_loop3A_1851, %parallel_loop3A_1852] {strides = array<i32>} : memref<4x2048xf32, #tpu.memory_space<vmem>>, vector<1x16xf32>,
      %parallel_loop3A_1854 = vector.shape_cast %parallel_loop3A_1853 : vector<1x16xf32> to vector<16xf32>
      %parallel_loop3A_1855 = arith.constant 0 : i32
      %parallel_loop3A_1856 = arith.index_cast %parallel_loop3A_1855 : i32 to index
      %parallel_loop3A_1857 = arith.index_cast %parallel_loop3A_1849 : i32 to index
      %parallel_loop3A_1858 = tpu.vector_load %arg7[%parallel_loop3A_1856, %parallel_loop3A_1857] {strides = array<i32>} : memref<4x2048xf32, #tpu.memory_space<vmem>>, vector<1x16xf32>,
      %parallel_loop3A_1859 = vector.shape_cast %parallel_loop3A_1858 : vector<1x16xf32> to vector<16xf32>
      %parallel_loop3A_1860 = arith.constant 0.000000e+00 : f32
      %parallel_loop3A_1861 = vector.broadcast %parallel_loop3A_1860 : f32 to vector<16xf32>
      %parallel_loop3A_1862 = arith.cmpf oeq, %parallel_loop3A_1859, %parallel_loop3A_1861 : vector<16xf32>
      %parallel_loop3A_1863 = arith.select %parallel_loop3A_1862, %parallel_loop3A_1854, %broadcast_in_dim3A_14 : vector<16xi1>, vector<16xf32>
      %parallel_loop3A_1864 = arith.maximumf %parallel_loop3A_1835, %parallel_loop3A_1863 : vector<16xf32>
      %parallel_loop3A_1865 = arith.minimumf %parallel_loop3A_1835, %parallel_loop3A_1863 : vector<16xf32>
      %parallel_loop3A_1866 = arith.maximumf %parallel_loop3A_1836, %parallel_loop3A_1865 : vector<16xf32>
      %parallel_loop3A_1867 = arith.minimumf %parallel_loop3A_1836, %parallel_loop3A_1865 : vector<16xf32>
      %parallel_loop3A_1868 = arith.maximumf %parallel_loop3A_1837, %parallel_loop3A_1867 : vector<16xf32>
      %parallel_loop3A_1869 = arith.constant 1 : i32
      %parallel_loop3A_1870 = arith.index_cast %parallel_loop3A_1869 : i32 to index
      %parallel_loop3A_1871 = arith.index_cast %parallel_loop3A_1849 : i32 to index
      %parallel_loop3A_1872 = tpu.vector_load %arg5[%parallel_loop3A_1870, %parallel_loop3A_1871] {strides = array<i32>} : memref<4x2048xf32, #tpu.memory_space<vmem>>, vector<1x16xf32>,
      %parallel_loop3A_1873 = vector.shape_cast %parallel_loop3A_1872 : vector<1x16xf32> to vector<16xf32>
      %parallel_loop3A_1874 = arith.constant 1 : i32
      %parallel_loop3A_1875 = arith.index_cast %parallel_loop3A_1874 : i32 to index
      %parallel_loop3A_1876 = arith.index_cast %parallel_loop3A_1849 : i32 to index
      %parallel_loop3A_1877 = tpu.vector_load %arg7[%parallel_loop3A_1875, %parallel_loop3A_1876] {strides = array<i32>} : memref<4x2048xf32, #tpu.memory_space<vmem>>, vector<1x16xf32>,
      %parallel_loop3A_1878 = vector.shape_cast %parallel_loop3A_1877 : vector<1x16xf32> to vector<16xf32>
      %parallel_loop3A_1879 = arith.constant 0.000000e+00 : f32
      %parallel_loop3A_1880 = vector.broadcast %parallel_loop3A_1879 : f32 to vector<16xf32>
      %parallel_loop3A_1881 = arith.cmpf oeq, %parallel_loop3A_1878, %parallel_loop3A_1880 : vector<16xf32>
      %parallel_loop3A_1882 = arith.select %parallel_loop3A_1881, %parallel_loop3A_1873, %broadcast_in_dim3A_14 : vector<16xi1>, vector<16xf32>
      %parallel_loop3A_1883 = arith.maximumf %parallel_loop3A_1838, %parallel_loop3A_1882 : vector<16xf32>
      %parallel_loop3A_1884 = arith.minimumf %parallel_loop3A_1838, %parallel_loop3A_1882 : vector<16xf32>
      %parallel_loop3A_1885 = arith.maximumf %parallel_loop3A_1839, %parallel_loop3A_1884 : vector<16xf32>
      %parallel_loop3A_1886 = arith.minimumf %parallel_loop3A_1839, %parallel_loop3A_1884 : vector<16xf32>
      %parallel_loop3A_1887 = arith.maximumf %parallel_loop3A_1840, %parallel_loop3A_1886 : vector<16xf32>
      %parallel_loop3A_1888 = arith.constant 2 : i32
      %parallel_loop3A_1889 = arith.index_cast %parallel_loop3A_1888 : i32 to index
      %parallel_loop3A_1890 = arith.index_cast %parallel_loop3A_1849 : i32 to index
      %parallel_loop3A_1891 = tpu.vector_load %arg5[%parallel_loop3A_1889, %parallel_loop3A_1890] {strides = array<i32>} : memref<4x2048xf32, #tpu.memory_space<vmem>>, vector<1x16xf32>,
      %parallel_loop3A_1892 = vector.shape_cast %parallel_loop3A_1891 : vector<1x16xf32> to vector<16xf32>
      %parallel_loop3A_1893 = arith.constant 2 : i32
      %parallel_loop3A_1894 = arith.index_cast %parallel_loop3A_1893 : i32 to index
      %parallel_loop3A_1895 = arith.index_cast %parallel_loop3A_1849 : i32 to index
      %parallel_loop3A_1896 = tpu.vector_load %arg7[%parallel_loop3A_1894, %parallel_loop3A_1895] {strides = array<i32>} : memref<4x2048xf32, #tpu.memory_space<vmem>>, vector<1x16xf32>,
      %parallel_loop3A_1897 = vector.shape_cast %parallel_loop3A_1896 : vector<1x16xf32> to vector<16xf32>
      %parallel_loop3A_1898 = arith.constant 0.000000e+00 : f32
      %parallel_loop3A_1899 = vector.broadcast %parallel_loop3A_1898 : f32 to vector<16xf32>
      %parallel_loop3A_1900 = arith.cmpf oeq, %parallel_loop3A_1897, %parallel_loop3A_1899 : vector<16xf32>
      %parallel_loop3A_1901 = arith.select %parallel_loop3A_1900, %parallel_loop3A_1892, %broadcast_in_dim3A_14 : vector<16xi1>, vector<16xf32>
      %parallel_loop3A_1902 = arith.maximumf %parallel_loop3A_1841, %parallel_loop3A_1901 : vector<16xf32>
      %parallel_loop3A_1903 = arith.minimumf %parallel_loop3A_1841, %parallel_loop3A_1901 : vector<16xf32>
      %parallel_loop3A_1904 = arith.maximumf %parallel_loop3A_1842, %parallel_loop3A_1903 : vector<16xf32>
      %parallel_loop3A_1905 = arith.minimumf %parallel_loop3A_1842, %parallel_loop3A_1903 : vector<16xf32>
      %parallel_loop3A_1906 = arith.maximumf %parallel_loop3A_1843, %parallel_loop3A_1905 : vector<16xf32>
      %parallel_loop3A_1907 = arith.constant 3 : i32
      %parallel_loop3A_1908 = arith.index_cast %parallel_loop3A_1907 : i32 to index
      %parallel_loop3A_1909 = arith.index_cast %parallel_loop3A_1849 : i32 to index
      %parallel_loop3A_1910 = tpu.vector_load %arg5[%parallel_loop3A_1908, %parallel_loop3A_1909] {strides = array<i32>} : memref<4x2048xf32, #tpu.memory_space<vmem>>, vector<1x16xf32>,
      %parallel_loop3A_1911 = vector.shape_cast %parallel_loop3A_1910 : vector<1x16xf32> to vector<16xf32>
      %parallel_loop3A_1912 = arith.constant 3 : i32
      %parallel_loop3A_1913 = arith.index_cast %parallel_loop3A_1912 : i32 to index
      %parallel_loop3A_1914 = arith.index_cast %parallel_loop3A_1849 : i32 to index
      %parallel_loop3A_1915 = tpu.vector_load %arg7[%parallel_loop3A_1913, %parallel_loop3A_1914] {strides = array<i32>} : memref<4x2048xf32, #tpu.memory_space<vmem>>, vector<1x16xf32>,
      %parallel_loop3A_1916 = vector.shape_cast %parallel_loop3A_1915 : vector<1x16xf32> to vector<16xf32>
      %parallel_loop3A_1917 = arith.constant 0.000000e+00 : f32
      %parallel_loop3A_1918 = vector.broadcast %parallel_loop3A_1917 : f32 to vector<16xf32>
      %parallel_loop3A_1919 = arith.cmpf oeq, %parallel_loop3A_1916, %parallel_loop3A_1918 : vector<16xf32>
      %parallel_loop3A_1920 = arith.select %parallel_loop3A_1919, %parallel_loop3A_1911, %broadcast_in_dim3A_14 : vector<16xi1>, vector<16xf32>
      %parallel_loop3A_1921 = arith.maximumf %parallel_loop3A_1844, %parallel_loop3A_1920 : vector<16xf32>
      %parallel_loop3A_1922 = arith.minimumf %parallel_loop3A_1844, %parallel_loop3A_1920 : vector<16xf32>
      %parallel_loop3A_1923 = arith.maximumf %parallel_loop3A_1845, %parallel_loop3A_1922 : vector<16xf32>
      %parallel_loop3A_1924 = arith.minimumf %parallel_loop3A_1845, %parallel_loop3A_1922 : vector<16xf32>
      %parallel_loop3A_1925 = arith.maximumf %parallel_loop3A_1846, %parallel_loop3A_1924 : vector<16xf32>
      scf.yield %parallel_loop3A_1864, %parallel_loop3A_1866, %parallel_loop3A_1868, %parallel_loop3A_1883, %parallel_loop3A_1885, %parallel_loop3A_1887, %parallel_loop3A_1902, %parallel_loop3A_1904, %parallel_loop3A_1906, %parallel_loop3A_1921, %parallel_loop3A_1923, %parallel_loop3A_1925 : vector<16xf32>, vector<16xf32>, vector<16xf32>, vector<16xf32>, vector<16xf32>, vector<16xf32>, vector<16xf32>, vector<16xf32>, vector<16xf32>, vector<16xf32>, vector<16xf32>, vector<16xf32>
    } {sc.loop_unroll_factor = 4 : i64, sc.parallel_access}
    %dma_wait3A_115 = arith.constant 10240 : i32
    %dma_wait3A_116 = tpu.memref_slice %arg2[%mul3A_2, %dma_wait3A_115] : memref<128x32768xf32, #tpu.memory_space<hbm>> -> memref<4x2048xf32, #tpu.memory_space<hbm>>
    %dma_wait3A_117 = arith.constant 10240 : i32
    %dma_wait3A_118 = tpu.memref_slice %arg2[%mul3A_2, %dma_wait3A_117] : memref<128x32768xf32, #tpu.memory_space<hbm>> -> memref<4x2048xf32, #tpu.memory_space<hbm>>
    tpu.wait_dma2 semaphore(%arg12 : memref<!tpu.dma_semaphore, #tpu.memory_space<semaphore_mem>>) src(%dma_wait3A_118 : memref<4x2048xf32, #tpu.memory_space<hbm>>) dst(%arg6 : memref<4x2048xf32, #tpu.memory_space<vmem>>)
    %dma_wait3A_119 = arith.constant 10240 : i32
    %dma_wait3A_120 = tpu.memref_slice %arg3[%mul3A_2, %dma_wait3A_119] : memref<128x32768xf32, #tpu.memory_space<hbm>> -> memref<4x2048xf32, #tpu.memory_space<hbm>>
    %dma_wait3A_121 = arith.constant 10240 : i32
    %dma_wait3A_122 = tpu.memref_slice %arg3[%mul3A_2, %dma_wait3A_121] : memref<128x32768xf32, #tpu.memory_space<hbm>> -> memref<4x2048xf32, #tpu.memory_space<hbm>>
    tpu.wait_dma2 semaphore(%arg14 : memref<!tpu.dma_semaphore, #tpu.memory_space<semaphore_mem>>) src(%dma_wait3A_122 : memref<4x2048xf32, #tpu.memory_space<hbm>>) dst(%arg8 : memref<4x2048xf32, #tpu.memory_space<vmem>>)
    %parallel_loop3A_123 = arith.constant 0 : i32
    %parallel_loop3A_124 = arith.constant 128 : i32
    %parallel_loop3A_125 = arith.constant 1 : i32
    %parallel_loop3A_126:12 = scf.for %parallel_loop3A_1834 = %parallel_loop3A_123 to %parallel_loop3A_124 step %parallel_loop3A_125 iter_args(%parallel_loop3A_1835 = %parallel_loop3A_114#0, %parallel_loop3A_1836 = %parallel_loop3A_114#1, %parallel_loop3A_1837 = %parallel_loop3A_114#2, %parallel_loop3A_1838 = %parallel_loop3A_114#3, %parallel_loop3A_1839 = %parallel_loop3A_114#4, %parallel_loop3A_1840 = %parallel_loop3A_114#5, %parallel_loop3A_1841 = %parallel_loop3A_114#6, %parallel_loop3A_1842 = %parallel_loop3A_114#7, %parallel_loop3A_1843 = %parallel_loop3A_114#8, %parallel_loop3A_1844 = %parallel_loop3A_114#9, %parallel_loop3A_1845 = %parallel_loop3A_114#10, %parallel_loop3A_1846 = %parallel_loop3A_114#11) -> (vector<16xf32>, vector<16xf32>, vector<16xf32>, vector<16xf32>, vector<16xf32>, vector<16xf32>, vector<16xf32>, vector<16xf32>, vector<16xf32>, vector<16xf32>, vector<16xf32>, vector<16xf32>)  : i32 {
      %parallel_loop3A_1847 = arith.constant 16 : i32
      %parallel_loop3A_1848 = arith.muli %parallel_loop3A_1834, %parallel_loop3A_1847 : i32
      %parallel_loop3A_1849 = tpu.assume_multiple %parallel_loop3A_1848, 16 : i32
      %parallel_loop3A_1850 = arith.constant 0 : i32
      %parallel_loop3A_1851 = arith.index_cast %parallel_loop3A_1850 : i32 to index
      %parallel_loop3A_1852 = arith.index_cast %parallel_loop3A_1849 : i32 to index
      %parallel_loop3A_1853 = tpu.vector_load %arg6[%parallel_loop3A_1851, %parallel_loop3A_1852] {strides = array<i32>} : memref<4x2048xf32, #tpu.memory_space<vmem>>, vector<1x16xf32>,
      %parallel_loop3A_1854 = vector.shape_cast %parallel_loop3A_1853 : vector<1x16xf32> to vector<16xf32>
      %parallel_loop3A_1855 = arith.constant 0 : i32
      %parallel_loop3A_1856 = arith.index_cast %parallel_loop3A_1855 : i32 to index
      %parallel_loop3A_1857 = arith.index_cast %parallel_loop3A_1849 : i32 to index
      %parallel_loop3A_1858 = tpu.vector_load %arg8[%parallel_loop3A_1856, %parallel_loop3A_1857] {strides = array<i32>} : memref<4x2048xf32, #tpu.memory_space<vmem>>, vector<1x16xf32>,
      %parallel_loop3A_1859 = vector.shape_cast %parallel_loop3A_1858 : vector<1x16xf32> to vector<16xf32>
      %parallel_loop3A_1860 = arith.constant 0.000000e+00 : f32
      %parallel_loop3A_1861 = vector.broadcast %parallel_loop3A_1860 : f32 to vector<16xf32>
      %parallel_loop3A_1862 = arith.cmpf oeq, %parallel_loop3A_1859, %parallel_loop3A_1861 : vector<16xf32>
      %parallel_loop3A_1863 = arith.select %parallel_loop3A_1862, %parallel_loop3A_1854, %broadcast_in_dim3A_14 : vector<16xi1>, vector<16xf32>
      %parallel_loop3A_1864 = arith.maximumf %parallel_loop3A_1835, %parallel_loop3A_1863 : vector<16xf32>
      %parallel_loop3A_1865 = arith.minimumf %parallel_loop3A_1835, %parallel_loop3A_1863 : vector<16xf32>
      %parallel_loop3A_1866 = arith.maximumf %parallel_loop3A_1836, %parallel_loop3A_1865 : vector<16xf32>
      %parallel_loop3A_1867 = arith.minimumf %parallel_loop3A_1836, %parallel_loop3A_1865 : vector<16xf32>
      %parallel_loop3A_1868 = arith.maximumf %parallel_loop3A_1837, %parallel_loop3A_1867 : vector<16xf32>
      %parallel_loop3A_1869 = arith.constant 1 : i32
      %parallel_loop3A_1870 = arith.index_cast %parallel_loop3A_1869 : i32 to index
      %parallel_loop3A_1871 = arith.index_cast %parallel_loop3A_1849 : i32 to index
      %parallel_loop3A_1872 = tpu.vector_load %arg6[%parallel_loop3A_1870, %parallel_loop3A_1871] {strides = array<i32>} : memref<4x2048xf32, #tpu.memory_space<vmem>>, vector<1x16xf32>,
      %parallel_loop3A_1873 = vector.shape_cast %parallel_loop3A_1872 : vector<1x16xf32> to vector<16xf32>
      %parallel_loop3A_1874 = arith.constant 1 : i32
      %parallel_loop3A_1875 = arith.index_cast %parallel_loop3A_1874 : i32 to index
      %parallel_loop3A_1876 = arith.index_cast %parallel_loop3A_1849 : i32 to index
      %parallel_loop3A_1877 = tpu.vector_load %arg8[%parallel_loop3A_1875, %parallel_loop3A_1876] {strides = array<i32>} : memref<4x2048xf32, #tpu.memory_space<vmem>>, vector<1x16xf32>,
      %parallel_loop3A_1878 = vector.shape_cast %parallel_loop3A_1877 : vector<1x16xf32> to vector<16xf32>
      %parallel_loop3A_1879 = arith.constant 0.000000e+00 : f32
      %parallel_loop3A_1880 = vector.broadcast %parallel_loop3A_1879 : f32 to vector<16xf32>
      %parallel_loop3A_1881 = arith.cmpf oeq, %parallel_loop3A_1878, %parallel_loop3A_1880 : vector<16xf32>
      %parallel_loop3A_1882 = arith.select %parallel_loop3A_1881, %parallel_loop3A_1873, %broadcast_in_dim3A_14 : vector<16xi1>, vector<16xf32>
      %parallel_loop3A_1883 = arith.maximumf %parallel_loop3A_1838, %parallel_loop3A_1882 : vector<16xf32>
      %parallel_loop3A_1884 = arith.minimumf %parallel_loop3A_1838, %parallel_loop3A_1882 : vector<16xf32>
      %parallel_loop3A_1885 = arith.maximumf %parallel_loop3A_1839, %parallel_loop3A_1884 : vector<16xf32>
      %parallel_loop3A_1886 = arith.minimumf %parallel_loop3A_1839, %parallel_loop3A_1884 : vector<16xf32>
      %parallel_loop3A_1887 = arith.maximumf %parallel_loop3A_1840, %parallel_loop3A_1886 : vector<16xf32>
      %parallel_loop3A_1888 = arith.constant 2 : i32
      %parallel_loop3A_1889 = arith.index_cast %parallel_loop3A_1888 : i32 to index
      %parallel_loop3A_1890 = arith.index_cast %parallel_loop3A_1849 : i32 to index
      %parallel_loop3A_1891 = tpu.vector_load %arg6[%parallel_loop3A_1889, %parallel_loop3A_1890] {strides = array<i32>} : memref<4x2048xf32, #tpu.memory_space<vmem>>, vector<1x16xf32>,
      %parallel_loop3A_1892 = vector.shape_cast %parallel_loop3A_1891 : vector<1x16xf32> to vector<16xf32>
      %parallel_loop3A_1893 = arith.constant 2 : i32
      %parallel_loop3A_1894 = arith.index_cast %parallel_loop3A_1893 : i32 to index
      %parallel_loop3A_1895 = arith.index_cast %parallel_loop3A_1849 : i32 to index
      %parallel_loop3A_1896 = tpu.vector_load %arg8[%parallel_loop3A_1894, %parallel_loop3A_1895] {strides = array<i32>} : memref<4x2048xf32, #tpu.memory_space<vmem>>, vector<1x16xf32>,
      %parallel_loop3A_1897 = vector.shape_cast %parallel_loop3A_1896 : vector<1x16xf32> to vector<16xf32>
      %parallel_loop3A_1898 = arith.constant 0.000000e+00 : f32
      %parallel_loop3A_1899 = vector.broadcast %parallel_loop3A_1898 : f32 to vector<16xf32>
      %parallel_loop3A_1900 = arith.cmpf oeq, %parallel_loop3A_1897, %parallel_loop3A_1899 : vector<16xf32>
      %parallel_loop3A_1901 = arith.select %parallel_loop3A_1900, %parallel_loop3A_1892, %broadcast_in_dim3A_14 : vector<16xi1>, vector<16xf32>
      %parallel_loop3A_1902 = arith.maximumf %parallel_loop3A_1841, %parallel_loop3A_1901 : vector<16xf32>
      %parallel_loop3A_1903 = arith.minimumf %parallel_loop3A_1841, %parallel_loop3A_1901 : vector<16xf32>
      %parallel_loop3A_1904 = arith.maximumf %parallel_loop3A_1842, %parallel_loop3A_1903 : vector<16xf32>
      %parallel_loop3A_1905 = arith.minimumf %parallel_loop3A_1842, %parallel_loop3A_1903 : vector<16xf32>
      %parallel_loop3A_1906 = arith.maximumf %parallel_loop3A_1843, %parallel_loop3A_1905 : vector<16xf32>
      %parallel_loop3A_1907 = arith.constant 3 : i32
      %parallel_loop3A_1908 = arith.index_cast %parallel_loop3A_1907 : i32 to index
      %parallel_loop3A_1909 = arith.index_cast %parallel_loop3A_1849 : i32 to index
      %parallel_loop3A_1910 = tpu.vector_load %arg6[%parallel_loop3A_1908, %parallel_loop3A_1909] {strides = array<i32>} : memref<4x2048xf32, #tpu.memory_space<vmem>>, vector<1x16xf32>,
      %parallel_loop3A_1911 = vector.shape_cast %parallel_loop3A_1910 : vector<1x16xf32> to vector<16xf32>
      %parallel_loop3A_1912 = arith.constant 3 : i32
      %parallel_loop3A_1913 = arith.index_cast %parallel_loop3A_1912 : i32 to index
      %parallel_loop3A_1914 = arith.index_cast %parallel_loop3A_1849 : i32 to index
      %parallel_loop3A_1915 = tpu.vector_load %arg8[%parallel_loop3A_1913, %parallel_loop3A_1914] {strides = array<i32>} : memref<4x2048xf32, #tpu.memory_space<vmem>>, vector<1x16xf32>,
      %parallel_loop3A_1916 = vector.shape_cast %parallel_loop3A_1915 : vector<1x16xf32> to vector<16xf32>
      %parallel_loop3A_1917 = arith.constant 0.000000e+00 : f32
      %parallel_loop3A_1918 = vector.broadcast %parallel_loop3A_1917 : f32 to vector<16xf32>
      %parallel_loop3A_1919 = arith.cmpf oeq, %parallel_loop3A_1916, %parallel_loop3A_1918 : vector<16xf32>
      %parallel_loop3A_1920 = arith.select %parallel_loop3A_1919, %parallel_loop3A_1911, %broadcast_in_dim3A_14 : vector<16xi1>, vector<16xf32>
      %parallel_loop3A_1921 = arith.maximumf %parallel_loop3A_1844, %parallel_loop3A_1920 : vector<16xf32>
      %parallel_loop3A_1922 = arith.minimumf %parallel_loop3A_1844, %parallel_loop3A_1920 : vector<16xf32>
      %parallel_loop3A_1923 = arith.maximumf %parallel_loop3A_1845, %parallel_loop3A_1922 : vector<16xf32>
      %parallel_loop3A_1924 = arith.minimumf %parallel_loop3A_1845, %parallel_loop3A_1922 : vector<16xf32>
      %parallel_loop3A_1925 = arith.maximumf %parallel_loop3A_1846, %parallel_loop3A_1924 : vector<16xf32>
      scf.yield %parallel_loop3A_1864, %parallel_loop3A_1866, %parallel_loop3A_1868, %parallel_loop3A_1883, %parallel_loop3A_1885, %parallel_loop3A_1887, %parallel_loop3A_1902, %parallel_loop3A_1904, %parallel_loop3A_1906, %parallel_loop3A_1921, %parallel_loop3A_1923, %parallel_loop3A_1925 : vector<16xf32>, vector<16xf32>, vector<16xf32>, vector<16xf32>, vector<16xf32>, vector<16xf32>, vector<16xf32>, vector<16xf32>, vector<16xf32>, vector<16xf32>, vector<16xf32>, vector<16xf32>
    } {sc.loop_unroll_factor = 4 : i64, sc.parallel_access}
    %dma_wait3A_127 = arith.constant 0 : i32
    %dma_wait3A_128 = tpu.memref_slice %arg2[%mul3A_2, %dma_wait3A_127] : memref<128x32768xf32, #tpu.memory_space<hbm>> -> memref<4x128xf32, #tpu.memory_space<hbm>>
    %dma_wait3A_129 = arith.constant 0 : i32
    %dma_wait3A_130 = tpu.memref_slice %arg2[%mul3A_2, %dma_wait3A_129] : memref<128x32768xf32, #tpu.memory_space<hbm>> -> memref<4x128xf32, #tpu.memory_space<hbm>>
    tpu.wait_dma2 semaphore(%arg15 : memref<!tpu.dma_semaphore, #tpu.memory_space<semaphore_mem>>) src(%dma_wait3A_130 : memref<4x128xf32, #tpu.memory_space<hbm>>) dst(%arg9 : memref<4x128xf32, #tpu.memory_space<vmem>>)
    %iota3A = tpu.iota {dimensions = array<i32: 0>} : vector<16xi32>
    %broadcast_in_dim3A_131 = arith.constant 16 : i32
    %broadcast_in_dim3A_132 = vector.broadcast %broadcast_in_dim3A_131 : i32 to vector<16xi32>
    %broadcast_in_dim3A_133 = arith.constant 0.000000e+00 : f32
    %broadcast_in_dim3A_134 = vector.broadcast %broadcast_in_dim3A_133 : f32 to vector<16xf32>
    %jit3A = arith.constant 16 : i32
    %div3A = arith.divsi %mul3A_2, %jit3A : i32
    %sign3A = arith.constant 0 : i32
    %sign3A_135 = arith.cmpi sgt, %mul3A_2, %sign3A : i32
    %sign3A_136 = arith.extui %sign3A_135 : i1 to i32
    %sign3A_137 = arith.constant 0 : i32
    %sign3A_138 = arith.cmpi slt, %mul3A_2, %sign3A_137 : i32
    %sign3A_139 = arith.extui %sign3A_138 : i1 to i32
    %sign3A_140 = arith.subi %sign3A_136, %sign3A_139 : i32
    %sign3A_141 = arith.constant 0 : i32
    %sign3A_142 = arith.cmpi sgt, %jit3A, %sign3A_141 : i32
    %sign3A_143 = arith.extui %sign3A_142 : i1 to i32
    %sign3A_144 = arith.constant 0 : i32
    %sign3A_145 = arith.cmpi slt, %jit3A, %sign3A_144 : i32
    %sign3A_146 = arith.extui %sign3A_145 : i1 to i32
    %sign3A_147 = arith.subi %sign3A_143, %sign3A_146 : i32
    %ne3A = arith.cmpi ne, %sign3A_140, %sign3A_147 : i32
    %rem3A = arith.remsi %mul3A_2, %jit3A : i32
    %ne3A_148 = arith.constant 0 : i32
    %ne3A_149 = arith.cmpi ne, %rem3A, %ne3A_148 : i32
    %and3A = arith.andi %ne3A, %ne3A_149 : i1
    %sub3A = arith.constant 1 : i32
    %sub3A_150 = arith.subi %div3A, %sub3A : i32
    %select_n3A = arith.select %and3A, %sub3A_150, %div3A : i32
    %mul3A_151 = arith.constant 16 : i32
    %mul3A_152 = arith.muli %select_n3A, %mul3A_151 : i32
    %multiple_of3A = tpu.assume_multiple %mul3A_152, 16 : i32
    %get3A = arith.constant 0 : i32
    %get3A_153 = arith.index_cast %get3A : i32 to index
    %get3A_154 = arith.index_cast %multiple_of3A : i32 to index
    %get3A_155 = tpu.vector_load %arg9[%get3A_153, %get3A_154] {strides = array<i32>} : memref<4x128xf32, #tpu.memory_space<vmem>>, vector<1x16xf32>,
    %get3A_156 = vector.shape_cast %get3A_155 : vector<1x16xf32> to vector<16xf32>
    %add3A_157 = arith.constant 0 : i32
    %add3A_158 = arith.addi %mul3A_2, %add3A_157 : i32
    %jit3A_159 = arith.constant 16 : i32
    %eq3A = arith.constant 0 : i32
    %eq3A_160 = arith.cmpi eq, %jit3A_159, %eq3A : i32
    %jit3A_161 = arith.constant 1 : i32
    %select_n3A_162 = arith.select %eq3A_160, %jit3A_161, %jit3A_159 : i32
    %rem3A_163 = arith.remsi %add3A_158, %select_n3A_162 : i32
    %ne3A_164 = arith.constant 0 : i32
    %ne3A_165 = arith.cmpi ne, %rem3A_163, %ne3A_164 : i32
    %lt3A = arith.constant 0 : i32
    %lt3A_166 = arith.cmpi slt, %rem3A_163, %lt3A : i32
    %lt3A_167 = arith.constant 0 : i32
    %lt3A_168 = arith.cmpi slt, %select_n3A_162, %lt3A_167 : i32
    %ne3A_169 = arith.xori %lt3A_166, %lt3A_168 : i1
    %and3A_170 = arith.andi %ne3A_169, %ne3A_165 : i1
    %add3A_171 = arith.addi %rem3A_163, %select_n3A_162 : i32
    %select_n3A_172 = arith.select %and3A_170, %add3A_171, %rem3A_163 : i32
    %eq3A_173 = vector.broadcast %select_n3A_172 : i32 to vector<16xi32>
    %eq3A_174 = arith.cmpi eq, %iota3A, %eq3A_173 : vector<16xi32>
    %jit3A_175 = arith.constant 0.000000e+00 : f32
    %broadcast_in_dim3A_176 = vector.broadcast %jit3A_175 : f32 to vector<16xf32>
    %select_n3A_177 = arith.select %eq3A_174, %get3A_156, %broadcast_in_dim3A_176 : vector<16xi1>, vector<16xf32>
    %xor3A = arith.constant 8 : i32
    %xor3A_178 = vector.broadcast %xor3A : i32 to vector<16xi32>
    %xor3A_179 = arith.xori %iota3A, %xor3A_178 : vector<16xi32>
    %lt3A_180 = arith.constant 0 : i32
    %lt3A_181 = vector.broadcast %lt3A_180 : i32 to vector<16xi32>
    %lt3A_182 = arith.cmpi slt, %xor3A_179, %lt3A_181 : vector<16xi32>
    %add3A_183 = arith.constant 16 : i32
    %add3A_184 = vector.broadcast %add3A_183 : i32 to vector<16xi32>
    %add3A_185 = arith.addi %xor3A_179, %add3A_184 : vector<16xi32>
    %select_n3A_186 = arith.select %lt3A_182, %add3A_185, %xor3A_179 : vector<16xi1>, vector<16xi32>
    %broadcast_in_dim3A_187 = vector.shape_cast %select_n3A_186 : vector<16xi32> to vector<16x1xi32>
    %gather3A = vector.shape_cast %broadcast_in_dim3A_187 : vector<16x1xi32> to vector<16xi32>
    %gather3A_188 = tpu.dynamic_gather %select_n3A_177[%gather3A] in [0] : vector<16xf32>, vector<16xi32> -> vector<16xf32>
    %add3A_189 = arith.addf %select_n3A_177, %gather3A_188 : vector<16xf32>
    %xor3A_190 = arith.constant 4 : i32
    %xor3A_191 = vector.broadcast %xor3A_190 : i32 to vector<16xi32>
    %xor3A_192 = arith.xori %iota3A, %xor3A_191 : vector<16xi32>
    %lt3A_193 = arith.constant 0 : i32
    %lt3A_194 = vector.broadcast %lt3A_193 : i32 to vector<16xi32>
    %lt3A_195 = arith.cmpi slt, %xor3A_192, %lt3A_194 : vector<16xi32>
    %add3A_196 = arith.constant 16 : i32
    %add3A_197 = vector.broadcast %add3A_196 : i32 to vector<16xi32>
    %add3A_198 = arith.addi %xor3A_192, %add3A_197 : vector<16xi32>
    %select_n3A_199 = arith.select %lt3A_195, %add3A_198, %xor3A_192 : vector<16xi1>, vector<16xi32>
    %broadcast_in_dim3A_200 = vector.shape_cast %select_n3A_199 : vector<16xi32> to vector<16x1xi32>
    %gather3A_201 = vector.shape_cast %broadcast_in_dim3A_200 : vector<16x1xi32> to vector<16xi32>
    %gather3A_202 = tpu.dynamic_gather %add3A_189[%gather3A_201] in [0] : vector<16xf32>, vector<16xi32> -> vector<16xf32>
    %add3A_203 = arith.addf %add3A_189, %gather3A_202 : vector<16xf32>
    %xor3A_204 = arith.constant 2 : i32
    %xor3A_205 = vector.broadcast %xor3A_204 : i32 to vector<16xi32>
    %xor3A_206 = arith.xori %iota3A, %xor3A_205 : vector<16xi32>
    %lt3A_207 = arith.constant 0 : i32
    %lt3A_208 = vector.broadcast %lt3A_207 : i32 to vector<16xi32>
    %lt3A_209 = arith.cmpi slt, %xor3A_206, %lt3A_208 : vector<16xi32>
    %add3A_210 = arith.constant 16 : i32
    %add3A_211 = vector.broadcast %add3A_210 : i32 to vector<16xi32>
    %add3A_212 = arith.addi %xor3A_206, %add3A_211 : vector<16xi32>
    %select_n3A_213 = arith.select %lt3A_209, %add3A_212, %xor3A_206 : vector<16xi1>, vector<16xi32>
    %broadcast_in_dim3A_214 = vector.shape_cast %select_n3A_213 : vector<16xi32> to vector<16x1xi32>
    %gather3A_215 = vector.shape_cast %broadcast_in_dim3A_214 : vector<16x1xi32> to vector<16xi32>
    %gather3A_216 = tpu.dynamic_gather %add3A_203[%gather3A_215] in [0] : vector<16xf32>, vector<16xi32> -> vector<16xf32>
    %add3A_217 = arith.addf %add3A_203, %gather3A_216 : vector<16xf32>
    %xor3A_218 = arith.constant 1 : i32
    %xor3A_219 = vector.broadcast %xor3A_218 : i32 to vector<16xi32>
    %xor3A_220 = arith.xori %iota3A, %xor3A_219 : vector<16xi32>
    %lt3A_221 = arith.constant 0 : i32
    %lt3A_222 = vector.broadcast %lt3A_221 : i32 to vector<16xi32>
    %lt3A_223 = arith.cmpi slt, %xor3A_220, %lt3A_222 : vector<16xi32>
    %add3A_224 = arith.constant 16 : i32
    %add3A_225 = vector.broadcast %add3A_224 : i32 to vector<16xi32>
    %add3A_226 = arith.addi %xor3A_220, %add3A_225 : vector<16xi32>
    %select_n3A_227 = arith.select %lt3A_223, %add3A_226, %xor3A_220 : vector<16xi1>, vector<16xi32>
    %broadcast_in_dim3A_228 = vector.shape_cast %select_n3A_227 : vector<16xi32> to vector<16x1xi32>
    %gather3A_229 = vector.shape_cast %broadcast_in_dim3A_228 : vector<16x1xi32> to vector<16xi32>
    %gather3A_230 = tpu.dynamic_gather %add3A_217[%gather3A_229] in [0] : vector<16xf32>, vector<16xi32> -> vector<16xf32>
    %add3A_231 = arith.addf %add3A_217, %gather3A_230 : vector<16xf32>
    %xor3A_232 = arith.constant 8 : i32
    %xor3A_233 = vector.broadcast %xor3A_232 : i32 to vector<16xi32>
    %xor3A_234 = arith.xori %iota3A, %xor3A_233 : vector<16xi32>
    %lt3A_235 = arith.constant 0 : i32
    %lt3A_236 = vector.broadcast %lt3A_235 : i32 to vector<16xi32>
    %lt3A_237 = arith.cmpi slt, %xor3A_234, %lt3A_236 : vector<16xi32>
    %add3A_238 = arith.constant 16 : i32
    %add3A_239 = vector.broadcast %add3A_238 : i32 to vector<16xi32>
    %add3A_240 = arith.addi %xor3A_234, %add3A_239 : vector<16xi32>
    %select_n3A_241 = arith.select %lt3A_237, %add3A_240, %xor3A_234 : vector<16xi1>, vector<16xi32>
    %broadcast_in_dim3A_242 = vector.shape_cast %select_n3A_241 : vector<16xi32> to vector<16x1xi32>
    %gather3A_243 = vector.shape_cast %broadcast_in_dim3A_242 : vector<16x1xi32> to vector<16xi32>
    %gather3A_244 = tpu.dynamic_gather %parallel_loop3A_126#0[%gather3A_243] in [0] : vector<16xf32>, vector<16xi32> -> vector<16xf32>
    %max3A = arith.maximumf %parallel_loop3A_126#0, %gather3A_244 : vector<16xf32>
    %xor3A_245 = arith.constant 4 : i32
    %xor3A_246 = vector.broadcast %xor3A_245 : i32 to vector<16xi32>
    %xor3A_247 = arith.xori %iota3A, %xor3A_246 : vector<16xi32>
    %lt3A_248 = arith.constant 0 : i32
    %lt3A_249 = vector.broadcast %lt3A_248 : i32 to vector<16xi32>
    %lt3A_250 = arith.cmpi slt, %xor3A_247, %lt3A_249 : vector<16xi32>
    %add3A_251 = arith.constant 16 : i32
    %add3A_252 = vector.broadcast %add3A_251 : i32 to vector<16xi32>
    %add3A_253 = arith.addi %xor3A_247, %add3A_252 : vector<16xi32>
    %select_n3A_254 = arith.select %lt3A_250, %add3A_253, %xor3A_247 : vector<16xi1>, vector<16xi32>
    %broadcast_in_dim3A_255 = vector.shape_cast %select_n3A_254 : vector<16xi32> to vector<16x1xi32>
    %gather3A_256 = vector.shape_cast %broadcast_in_dim3A_255 : vector<16x1xi32> to vector<16xi32>
    %gather3A_257 = tpu.dynamic_gather %max3A[%gather3A_256] in [0] : vector<16xf32>, vector<16xi32> -> vector<16xf32>
    %max3A_258 = arith.maximumf %max3A, %gather3A_257 : vector<16xf32>
    %xor3A_259 = arith.constant 2 : i32
    %xor3A_260 = vector.broadcast %xor3A_259 : i32 to vector<16xi32>
    %xor3A_261 = arith.xori %iota3A, %xor3A_260 : vector<16xi32>
    %lt3A_262 = arith.constant 0 : i32
    %lt3A_263 = vector.broadcast %lt3A_262 : i32 to vector<16xi32>
    %lt3A_264 = arith.cmpi slt, %xor3A_261, %lt3A_263 : vector<16xi32>
    %add3A_265 = arith.constant 16 : i32
    %add3A_266 = vector.broadcast %add3A_265 : i32 to vector<16xi32>
    %add3A_267 = arith.addi %xor3A_261, %add3A_266 : vector<16xi32>
    %select_n3A_268 = arith.select %lt3A_264, %add3A_267, %xor3A_261 : vector<16xi1>, vector<16xi32>
    %broadcast_in_dim3A_269 = vector.shape_cast %select_n3A_268 : vector<16xi32> to vector<16x1xi32>
    %gather3A_270 = vector.shape_cast %broadcast_in_dim3A_269 : vector<16x1xi32> to vector<16xi32>
    %gather3A_271 = tpu.dynamic_gather %max3A_258[%gather3A_270] in [0] : vector<16xf32>, vector<16xi32> -> vector<16xf32>
    %max3A_272 = arith.maximumf %max3A_258, %gather3A_271 : vector<16xf32>
    %xor3A_273 = arith.constant 1 : i32
    %xor3A_274 = vector.broadcast %xor3A_273 : i32 to vector<16xi32>
    %xor3A_275 = arith.xori %iota3A, %xor3A_274 : vector<16xi32>
    %lt3A_276 = arith.constant 0 : i32
    %lt3A_277 = vector.broadcast %lt3A_276 : i32 to vector<16xi32>
    %lt3A_278 = arith.cmpi slt, %xor3A_275, %lt3A_277 : vector<16xi32>
    %add3A_279 = arith.constant 16 : i32
    %add3A_280 = vector.broadcast %add3A_279 : i32 to vector<16xi32>
    %add3A_281 = arith.addi %xor3A_275, %add3A_280 : vector<16xi32>
    %select_n3A_282 = arith.select %lt3A_278, %add3A_281, %xor3A_275 : vector<16xi1>, vector<16xi32>
    %broadcast_in_dim3A_283 = vector.shape_cast %select_n3A_282 : vector<16xi32> to vector<16x1xi32>
    %gather3A_284 = vector.shape_cast %broadcast_in_dim3A_283 : vector<16x1xi32> to vector<16xi32>
    %gather3A_285 = tpu.dynamic_gather %max3A_272[%gather3A_284] in [0] : vector<16xf32>, vector<16xi32> -> vector<16xf32>
    %max3A_286 = arith.maximumf %max3A_272, %gather3A_285 : vector<16xf32>
    %eq3A_287 = arith.cmpf oeq, %parallel_loop3A_126#0, %max3A_286 : vector<16xf32>
    %select_n3A_288 = arith.select %eq3A_287, %iota3A, %broadcast_in_dim3A_132 : vector<16xi1>, vector<16xi32>
    %xor3A_289 = arith.constant 8 : i32
    %xor3A_290 = vector.broadcast %xor3A_289 : i32 to vector<16xi32>
    %xor3A_291 = arith.xori %iota3A, %xor3A_290 : vector<16xi32>
    %lt3A_292 = arith.constant 0 : i32
    %lt3A_293 = vector.broadcast %lt3A_292 : i32 to vector<16xi32>
    %lt3A_294 = arith.cmpi slt, %xor3A_291, %lt3A_293 : vector<16xi32>
    %add3A_295 = arith.constant 16 : i32
    %add3A_296 = vector.broadcast %add3A_295 : i32 to vector<16xi32>
    %add3A_297 = arith.addi %xor3A_291, %add3A_296 : vector<16xi32>
    %select_n3A_298 = arith.select %lt3A_294, %add3A_297, %xor3A_291 : vector<16xi1>, vector<16xi32>
    %broadcast_in_dim3A_299 = vector.shape_cast %select_n3A_298 : vector<16xi32> to vector<16x1xi32>
    %gather3A_300 = vector.shape_cast %broadcast_in_dim3A_299 : vector<16x1xi32> to vector<16xi32>
    %gather3A_301 = tpu.dynamic_gather %select_n3A_288[%gather3A_300] in [0] : vector<16xi32>, vector<16xi32> -> vector<16xi32>
    %min3A = arith.minsi %select_n3A_288, %gather3A_301 : vector<16xi32>
    %xor3A_302 = arith.constant 4 : i32
    %xor3A_303 = vector.broadcast %xor3A_302 : i32 to vector<16xi32>
    %xor3A_304 = arith.xori %iota3A, %xor3A_303 : vector<16xi32>
    %lt3A_305 = arith.constant 0 : i32
    %lt3A_306 = vector.broadcast %lt3A_305 : i32 to vector<16xi32>
    %lt3A_307 = arith.cmpi slt, %xor3A_304, %lt3A_306 : vector<16xi32>
    %add3A_308 = arith.constant 16 : i32
    %add3A_309 = vector.broadcast %add3A_308 : i32 to vector<16xi32>
    %add3A_310 = arith.addi %xor3A_304, %add3A_309 : vector<16xi32>
    %select_n3A_311 = arith.select %lt3A_307, %add3A_310, %xor3A_304 : vector<16xi1>, vector<16xi32>
    %broadcast_in_dim3A_312 = vector.shape_cast %select_n3A_311 : vector<16xi32> to vector<16x1xi32>
    %gather3A_313 = vector.shape_cast %broadcast_in_dim3A_312 : vector<16x1xi32> to vector<16xi32>
    %gather3A_314 = tpu.dynamic_gather %min3A[%gather3A_313] in [0] : vector<16xi32>, vector<16xi32> -> vector<16xi32>
    %min3A_315 = arith.minsi %min3A, %gather3A_314 : vector<16xi32>
    %xor3A_316 = arith.constant 2 : i32
    %xor3A_317 = vector.broadcast %xor3A_316 : i32 to vector<16xi32>
    %xor3A_318 = arith.xori %iota3A, %xor3A_317 : vector<16xi32>
    %lt3A_319 = arith.constant 0 : i32
    %lt3A_320 = vector.broadcast %lt3A_319 : i32 to vector<16xi32>
    %lt3A_321 = arith.cmpi slt, %xor3A_318, %lt3A_320 : vector<16xi32>
    %add3A_322 = arith.constant 16 : i32
    %add3A_323 = vector.broadcast %add3A_322 : i32 to vector<16xi32>
    %add3A_324 = arith.addi %xor3A_318, %add3A_323 : vector<16xi32>
    %select_n3A_325 = arith.select %lt3A_321, %add3A_324, %xor3A_318 : vector<16xi1>, vector<16xi32>
    %broadcast_in_dim3A_326 = vector.shape_cast %select_n3A_325 : vector<16xi32> to vector<16x1xi32>
    %gather3A_327 = vector.shape_cast %broadcast_in_dim3A_326 : vector<16x1xi32> to vector<16xi32>
    %gather3A_328 = tpu.dynamic_gather %min3A_315[%gather3A_327] in [0] : vector<16xi32>, vector<16xi32> -> vector<16xi32>
    %min3A_329 = arith.minsi %min3A_315, %gather3A_328 : vector<16xi32>
    %xor3A_330 = arith.constant 1 : i32
    %xor3A_331 = vector.broadcast %xor3A_330 : i32 to vector<16xi32>
    %xor3A_332 = arith.xori %iota3A, %xor3A_331 : vector<16xi32>
    %lt3A_333 = arith.constant 0 : i32
    %lt3A_334 = vector.broadcast %lt3A_333 : i32 to vector<16xi32>
    %lt3A_335 = arith.cmpi slt, %xor3A_332, %lt3A_334 : vector<16xi32>
    %add3A_336 = arith.constant 16 : i32
    %add3A_337 = vector.broadcast %add3A_336 : i32 to vector<16xi32>
    %add3A_338 = arith.addi %xor3A_332, %add3A_337 : vector<16xi32>
    %select_n3A_339 = arith.select %lt3A_335, %add3A_338, %xor3A_332 : vector<16xi1>, vector<16xi32>
    %broadcast_in_dim3A_340 = vector.shape_cast %select_n3A_339 : vector<16xi32> to vector<16x1xi32>
    %gather3A_341 = vector.shape_cast %broadcast_in_dim3A_340 : vector<16x1xi32> to vector<16xi32>
    %gather3A_342 = tpu.dynamic_gather %min3A_329[%gather3A_341] in [0] : vector<16xi32>, vector<16xi32> -> vector<16xi32>
    %min3A_343 = arith.minsi %min3A_329, %gather3A_342 : vector<16xi32>
    %eq3A_344 = arith.cmpi eq, %iota3A, %min3A_343 : vector<16xi32>
    %select_n3A_345 = arith.select %eq3A_344, %parallel_loop3A_126#1, %parallel_loop3A_126#0 : vector<16xi1>, vector<16xf32>
    %select_n3A_346 = arith.select %eq3A_344, %parallel_loop3A_126#2, %parallel_loop3A_126#1 : vector<16xi1>, vector<16xf32>
    %broadcast_in_dim3A_347 = arith.constant -3.000000e+38 : f32
    %broadcast_in_dim3A_348 = vector.broadcast %broadcast_in_dim3A_347 : f32 to vector<16xf32>
    %select_n3A_349 = arith.select %eq3A_344, %broadcast_in_dim3A_348, %parallel_loop3A_126#2 : vector<16xi1>, vector<16xf32>
    %xor3A_350 = arith.constant 8 : i32
    %xor3A_351 = vector.broadcast %xor3A_350 : i32 to vector<16xi32>
    %xor3A_352 = arith.xori %iota3A, %xor3A_351 : vector<16xi32>
    %lt3A_353 = arith.constant 0 : i32
    %lt3A_354 = vector.broadcast %lt3A_353 : i32 to vector<16xi32>
    %lt3A_355 = arith.cmpi slt, %xor3A_352, %lt3A_354 : vector<16xi32>
    %add3A_356 = arith.constant 16 : i32
    %add3A_357 = vector.broadcast %add3A_356 : i32 to vector<16xi32>
    %add3A_358 = arith.addi %xor3A_352, %add3A_357 : vector<16xi32>
    %select_n3A_359 = arith.select %lt3A_355, %add3A_358, %xor3A_352 : vector<16xi1>, vector<16xi32>
    %broadcast_in_dim3A_360 = vector.shape_cast %select_n3A_359 : vector<16xi32> to vector<16x1xi32>
    %gather3A_361 = vector.shape_cast %broadcast_in_dim3A_360 : vector<16x1xi32> to vector<16xi32>
    %gather3A_362 = tpu.dynamic_gather %select_n3A_345[%gather3A_361] in [0] : vector<16xf32>, vector<16xi32> -> vector<16xf32>
    %max3A_363 = arith.maximumf %select_n3A_345, %gather3A_362 : vector<16xf32>
    %xor3A_364 = arith.constant 4 : i32
    %xor3A_365 = vector.broadcast %xor3A_364 : i32 to vector<16xi32>
    %xor3A_366 = arith.xori %iota3A, %xor3A_365 : vector<16xi32>
    %lt3A_367 = arith.constant 0 : i32
    %lt3A_368 = vector.broadcast %lt3A_367 : i32 to vector<16xi32>
    %lt3A_369 = arith.cmpi slt, %xor3A_366, %lt3A_368 : vector<16xi32>
    %add3A_370 = arith.constant 16 : i32
    %add3A_371 = vector.broadcast %add3A_370 : i32 to vector<16xi32>
    %add3A_372 = arith.addi %xor3A_366, %add3A_371 : vector<16xi32>
    %select_n3A_373 = arith.select %lt3A_369, %add3A_372, %xor3A_366 : vector<16xi1>, vector<16xi32>
    %broadcast_in_dim3A_374 = vector.shape_cast %select_n3A_373 : vector<16xi32> to vector<16x1xi32>
    %gather3A_375 = vector.shape_cast %broadcast_in_dim3A_374 : vector<16x1xi32> to vector<16xi32>
    %gather3A_376 = tpu.dynamic_gather %max3A_363[%gather3A_375] in [0] : vector<16xf32>, vector<16xi32> -> vector<16xf32>
    %max3A_377 = arith.maximumf %max3A_363, %gather3A_376 : vector<16xf32>
    %xor3A_378 = arith.constant 2 : i32
    %xor3A_379 = vector.broadcast %xor3A_378 : i32 to vector<16xi32>
    %xor3A_380 = arith.xori %iota3A, %xor3A_379 : vector<16xi32>
    %lt3A_381 = arith.constant 0 : i32
    %lt3A_382 = vector.broadcast %lt3A_381 : i32 to vector<16xi32>
    %lt3A_383 = arith.cmpi slt, %xor3A_380, %lt3A_382 : vector<16xi32>
    %add3A_384 = arith.constant 16 : i32
    %add3A_385 = vector.broadcast %add3A_384 : i32 to vector<16xi32>
    %add3A_386 = arith.addi %xor3A_380, %add3A_385 : vector<16xi32>
    %select_n3A_387 = arith.select %lt3A_383, %add3A_386, %xor3A_380 : vector<16xi1>, vector<16xi32>
    %broadcast_in_dim3A_388 = vector.shape_cast %select_n3A_387 : vector<16xi32> to vector<16x1xi32>
    %gather3A_389 = vector.shape_cast %broadcast_in_dim3A_388 : vector<16x1xi32> to vector<16xi32>
    %gather3A_390 = tpu.dynamic_gather %max3A_377[%gather3A_389] in [0] : vector<16xf32>, vector<16xi32> -> vector<16xf32>
    %max3A_391 = arith.maximumf %max3A_377, %gather3A_390 : vector<16xf32>
    %xor3A_392 = arith.constant 1 : i32
    %xor3A_393 = vector.broadcast %xor3A_392 : i32 to vector<16xi32>
    %xor3A_394 = arith.xori %iota3A, %xor3A_393 : vector<16xi32>
    %lt3A_395 = arith.constant 0 : i32
    %lt3A_396 = vector.broadcast %lt3A_395 : i32 to vector<16xi32>
    %lt3A_397 = arith.cmpi slt, %xor3A_394, %lt3A_396 : vector<16xi32>
    %add3A_398 = arith.constant 16 : i32
    %add3A_399 = vector.broadcast %add3A_398 : i32 to vector<16xi32>
    %add3A_400 = arith.addi %xor3A_394, %add3A_399 : vector<16xi32>
    %select_n3A_401 = arith.select %lt3A_397, %add3A_400, %xor3A_394 : vector<16xi1>, vector<16xi32>
    %broadcast_in_dim3A_402 = vector.shape_cast %select_n3A_401 : vector<16xi32> to vector<16x1xi32>
    %gather3A_403 = vector.shape_cast %broadcast_in_dim3A_402 : vector<16x1xi32> to vector<16xi32>
    %gather3A_404 = tpu.dynamic_gather %max3A_391[%gather3A_403] in [0] : vector<16xf32>, vector<16xi32> -> vector<16xf32>
    %max3A_405 = arith.maximumf %max3A_391, %gather3A_404 : vector<16xf32>
    %eq3A_406 = arith.cmpf oeq, %select_n3A_345, %max3A_405 : vector<16xf32>
    %select_n3A_407 = arith.select %eq3A_406, %iota3A, %broadcast_in_dim3A_132 : vector<16xi1>, vector<16xi32>
    %xor3A_408 = arith.constant 8 : i32
    %xor3A_409 = vector.broadcast %xor3A_408 : i32 to vector<16xi32>
    %xor3A_410 = arith.xori %iota3A, %xor3A_409 : vector<16xi32>
    %lt3A_411 = arith.constant 0 : i32
    %lt3A_412 = vector.broadcast %lt3A_411 : i32 to vector<16xi32>
    %lt3A_413 = arith.cmpi slt, %xor3A_410, %lt3A_412 : vector<16xi32>
    %add3A_414 = arith.constant 16 : i32
    %add3A_415 = vector.broadcast %add3A_414 : i32 to vector<16xi32>
    %add3A_416 = arith.addi %xor3A_410, %add3A_415 : vector<16xi32>
    %select_n3A_417 = arith.select %lt3A_413, %add3A_416, %xor3A_410 : vector<16xi1>, vector<16xi32>
    %broadcast_in_dim3A_418 = vector.shape_cast %select_n3A_417 : vector<16xi32> to vector<16x1xi32>
    %gather3A_419 = vector.shape_cast %broadcast_in_dim3A_418 : vector<16x1xi32> to vector<16xi32>
    %gather3A_420 = tpu.dynamic_gather %select_n3A_407[%gather3A_419] in [0] : vector<16xi32>, vector<16xi32> -> vector<16xi32>
    %min3A_421 = arith.minsi %select_n3A_407, %gather3A_420 : vector<16xi32>
    %xor3A_422 = arith.constant 4 : i32
    %xor3A_423 = vector.broadcast %xor3A_422 : i32 to vector<16xi32>
    %xor3A_424 = arith.xori %iota3A, %xor3A_423 : vector<16xi32>
    %lt3A_425 = arith.constant 0 : i32
    %lt3A_426 = vector.broadcast %lt3A_425 : i32 to vector<16xi32>
    %lt3A_427 = arith.cmpi slt, %xor3A_424, %lt3A_426 : vector<16xi32>
    %add3A_428 = arith.constant 16 : i32
    %add3A_429 = vector.broadcast %add3A_428 : i32 to vector<16xi32>
    %add3A_430 = arith.addi %xor3A_424, %add3A_429 : vector<16xi32>
    %select_n3A_431 = arith.select %lt3A_427, %add3A_430, %xor3A_424 : vector<16xi1>, vector<16xi32>
    %broadcast_in_dim3A_432 = vector.shape_cast %select_n3A_431 : vector<16xi32> to vector<16x1xi32>
    %gather3A_433 = vector.shape_cast %broadcast_in_dim3A_432 : vector<16x1xi32> to vector<16xi32>
    %gather3A_434 = tpu.dynamic_gather %min3A_421[%gather3A_433] in [0] : vector<16xi32>, vector<16xi32> -> vector<16xi32>
    %min3A_435 = arith.minsi %min3A_421, %gather3A_434 : vector<16xi32>
    %xor3A_436 = arith.constant 2 : i32
    %xor3A_437 = vector.broadcast %xor3A_436 : i32 to vector<16xi32>
    %xor3A_438 = arith.xori %iota3A, %xor3A_437 : vector<16xi32>
    %lt3A_439 = arith.constant 0 : i32
    %lt3A_440 = vector.broadcast %lt3A_439 : i32 to vector<16xi32>
    %lt3A_441 = arith.cmpi slt, %xor3A_438, %lt3A_440 : vector<16xi32>
    %add3A_442 = arith.constant 16 : i32
    %add3A_443 = vector.broadcast %add3A_442 : i32 to vector<16xi32>
    %add3A_444 = arith.addi %xor3A_438, %add3A_443 : vector<16xi32>
    %select_n3A_445 = arith.select %lt3A_441, %add3A_444, %xor3A_438 : vector<16xi1>, vector<16xi32>
    %broadcast_in_dim3A_446 = vector.shape_cast %select_n3A_445 : vector<16xi32> to vector<16x1xi32>
    %gather3A_447 = vector.shape_cast %broadcast_in_dim3A_446 : vector<16x1xi32> to vector<16xi32>
    %gather3A_448 = tpu.dynamic_gather %min3A_435[%gather3A_447] in [0] : vector<16xi32>, vector<16xi32> -> vector<16xi32>
    %min3A_449 = arith.minsi %min3A_435, %gather3A_448 : vector<16xi32>
    %xor3A_450 = arith.constant 1 : i32
    %xor3A_451 = vector.broadcast %xor3A_450 : i32 to vector<16xi32>
    %xor3A_452 = arith.xori %iota3A, %xor3A_451 : vector<16xi32>
    %lt3A_453 = arith.constant 0 : i32
    %lt3A_454 = vector.broadcast %lt3A_453 : i32 to vector<16xi32>
    %lt3A_455 = arith.cmpi slt, %xor3A_452, %lt3A_454 : vector<16xi32>
    %add3A_456 = arith.constant 16 : i32
    %add3A_457 = vector.broadcast %add3A_456 : i32 to vector<16xi32>
    %add3A_458 = arith.addi %xor3A_452, %add3A_457 : vector<16xi32>
    %select_n3A_459 = arith.select %lt3A_455, %add3A_458, %xor3A_452 : vector<16xi1>, vector<16xi32>
    %broadcast_in_dim3A_460 = vector.shape_cast %select_n3A_459 : vector<16xi32> to vector<16x1xi32>
    %gather3A_461 = vector.shape_cast %broadcast_in_dim3A_460 : vector<16x1xi32> to vector<16xi32>
    %gather3A_462 = tpu.dynamic_gather %min3A_449[%gather3A_461] in [0] : vector<16xi32>, vector<16xi32> -> vector<16xi32>
    %min3A_463 = arith.minsi %min3A_449, %gather3A_462 : vector<16xi32>
    %eq3A_464 = arith.cmpi eq, %iota3A, %min3A_463 : vector<16xi32>
    %select_n3A_465 = arith.select %eq3A_464, %select_n3A_346, %select_n3A_345 : vector<16xi1>, vector<16xf32>
    %select_n3A_466 = arith.select %eq3A_464, %select_n3A_349, %select_n3A_346 : vector<16xi1>, vector<16xf32>
    %broadcast_in_dim3A_467 = arith.constant -3.000000e+38 : f32
    %broadcast_in_dim3A_468 = vector.broadcast %broadcast_in_dim3A_467 : f32 to vector<16xf32>
    %select_n3A_469 = arith.select %eq3A_464, %broadcast_in_dim3A_468, %select_n3A_349 : vector<16xi1>, vector<16xf32>
    %xor3A_470 = arith.constant 8 : i32
    %xor3A_471 = vector.broadcast %xor3A_470 : i32 to vector<16xi32>
    %xor3A_472 = arith.xori %iota3A, %xor3A_471 : vector<16xi32>
    %lt3A_473 = arith.constant 0 : i32
    %lt3A_474 = vector.broadcast %lt3A_473 : i32 to vector<16xi32>
    %lt3A_475 = arith.cmpi slt, %xor3A_472, %lt3A_474 : vector<16xi32>
    %add3A_476 = arith.constant 16 : i32
    %add3A_477 = vector.broadcast %add3A_476 : i32 to vector<16xi32>
    %add3A_478 = arith.addi %xor3A_472, %add3A_477 : vector<16xi32>
    %select_n3A_479 = arith.select %lt3A_475, %add3A_478, %xor3A_472 : vector<16xi1>, vector<16xi32>
    %broadcast_in_dim3A_480 = vector.shape_cast %select_n3A_479 : vector<16xi32> to vector<16x1xi32>
    %gather3A_481 = vector.shape_cast %broadcast_in_dim3A_480 : vector<16x1xi32> to vector<16xi32>
    %gather3A_482 = tpu.dynamic_gather %select_n3A_465[%gather3A_481] in [0] : vector<16xf32>, vector<16xi32> -> vector<16xf32>
    %max3A_483 = arith.maximumf %select_n3A_465, %gather3A_482 : vector<16xf32>
    %xor3A_484 = arith.constant 4 : i32
    %xor3A_485 = vector.broadcast %xor3A_484 : i32 to vector<16xi32>
    %xor3A_486 = arith.xori %iota3A, %xor3A_485 : vector<16xi32>
    %lt3A_487 = arith.constant 0 : i32
    %lt3A_488 = vector.broadcast %lt3A_487 : i32 to vector<16xi32>
    %lt3A_489 = arith.cmpi slt, %xor3A_486, %lt3A_488 : vector<16xi32>
    %add3A_490 = arith.constant 16 : i32
    %add3A_491 = vector.broadcast %add3A_490 : i32 to vector<16xi32>
    %add3A_492 = arith.addi %xor3A_486, %add3A_491 : vector<16xi32>
    %select_n3A_493 = arith.select %lt3A_489, %add3A_492, %xor3A_486 : vector<16xi1>, vector<16xi32>
    %broadcast_in_dim3A_494 = vector.shape_cast %select_n3A_493 : vector<16xi32> to vector<16x1xi32>
    %gather3A_495 = vector.shape_cast %broadcast_in_dim3A_494 : vector<16x1xi32> to vector<16xi32>
    %gather3A_496 = tpu.dynamic_gather %max3A_483[%gather3A_495] in [0] : vector<16xf32>, vector<16xi32> -> vector<16xf32>
    %max3A_497 = arith.maximumf %max3A_483, %gather3A_496 : vector<16xf32>
    %xor3A_498 = arith.constant 2 : i32
    %xor3A_499 = vector.broadcast %xor3A_498 : i32 to vector<16xi32>
    %xor3A_500 = arith.xori %iota3A, %xor3A_499 : vector<16xi32>
    %lt3A_501 = arith.constant 0 : i32
    %lt3A_502 = vector.broadcast %lt3A_501 : i32 to vector<16xi32>
    %lt3A_503 = arith.cmpi slt, %xor3A_500, %lt3A_502 : vector<16xi32>
    %add3A_504 = arith.constant 16 : i32
    %add3A_505 = vector.broadcast %add3A_504 : i32 to vector<16xi32>
    %add3A_506 = arith.addi %xor3A_500, %add3A_505 : vector<16xi32>
    %select_n3A_507 = arith.select %lt3A_503, %add3A_506, %xor3A_500 : vector<16xi1>, vector<16xi32>
    %broadcast_in_dim3A_508 = vector.shape_cast %select_n3A_507 : vector<16xi32> to vector<16x1xi32>
    %gather3A_509 = vector.shape_cast %broadcast_in_dim3A_508 : vector<16x1xi32> to vector<16xi32>
    %gather3A_510 = tpu.dynamic_gather %max3A_497[%gather3A_509] in [0] : vector<16xf32>, vector<16xi32> -> vector<16xf32>
    %max3A_511 = arith.maximumf %max3A_497, %gather3A_510 : vector<16xf32>
    %xor3A_512 = arith.constant 1 : i32
    %xor3A_513 = vector.broadcast %xor3A_512 : i32 to vector<16xi32>
    %xor3A_514 = arith.xori %iota3A, %xor3A_513 : vector<16xi32>
    %lt3A_515 = arith.constant 0 : i32
    %lt3A_516 = vector.broadcast %lt3A_515 : i32 to vector<16xi32>
    %lt3A_517 = arith.cmpi slt, %xor3A_514, %lt3A_516 : vector<16xi32>
    %add3A_518 = arith.constant 16 : i32
    %add3A_519 = vector.broadcast %add3A_518 : i32 to vector<16xi32>
    %add3A_520 = arith.addi %xor3A_514, %add3A_519 : vector<16xi32>
    %select_n3A_521 = arith.select %lt3A_517, %add3A_520, %xor3A_514 : vector<16xi1>, vector<16xi32>
    %broadcast_in_dim3A_522 = vector.shape_cast %select_n3A_521 : vector<16xi32> to vector<16x1xi32>
    %gather3A_523 = vector.shape_cast %broadcast_in_dim3A_522 : vector<16x1xi32> to vector<16xi32>
    %gather3A_524 = tpu.dynamic_gather %max3A_511[%gather3A_523] in [0] : vector<16xf32>, vector<16xi32> -> vector<16xf32>
    %max3A_525 = arith.maximumf %max3A_511, %gather3A_524 : vector<16xf32>
    %eq3A_526 = arith.constant 0 : i32
    %eq3A_527 = vector.broadcast %eq3A_526 : i32 to vector<16xi32>
    %eq3A_528 = arith.cmpi eq, %iota3A, %eq3A_527 : vector<16xi32>
    %eq3A_529 = arith.constant 1 : i32
    %eq3A_530 = vector.broadcast %eq3A_529 : i32 to vector<16xi32>
    %eq3A_531 = arith.cmpi eq, %iota3A, %eq3A_530 : vector<16xi32>
    %eq3A_532 = arith.constant 2 : i32
    %eq3A_533 = vector.broadcast %eq3A_532 : i32 to vector<16xi32>
    %eq3A_534 = arith.cmpi eq, %iota3A, %eq3A_533 : vector<16xi32>
    %eq3A_535 = arith.constant 3 : i32
    %eq3A_536 = vector.broadcast %eq3A_535 : i32 to vector<16xi32>
    %eq3A_537 = arith.cmpi eq, %iota3A, %eq3A_536 : vector<16xi32>
    %select_n3A_538 = arith.select %eq3A_537, %add3A_231, %broadcast_in_dim3A_134 : vector<16xi1>, vector<16xf32>
    %select_n3A_539 = arith.select %eq3A_534, %max3A_525, %select_n3A_538 : vector<16xi1>, vector<16xf32>
    %select_n3A_540 = arith.select %eq3A_531, %max3A_405, %select_n3A_539 : vector<16xi1>, vector<16xf32>
    %select_n3A_541 = arith.select %eq3A_528, %max3A_286, %select_n3A_540 : vector<16xi1>, vector<16xf32>
    %swap3A = arith.constant 0 : i32
    %swap3A_542 = arith.index_cast %swap3A : i32 to index
    %swap3A_543 = arith.constant 0 : index
    %swap3A_544 = tpu.vector_load %arg10[%swap3A_542, %swap3A_543] {strides = array<i32>} : memref<4x16xf32, #tpu.memory_space<vmem>>, vector<1x16xf32>,
    %swap3A_545 = vector.shape_cast %swap3A_544 : vector<1x16xf32> to vector<16xf32>
    %swap3A_546 = vector.shape_cast %select_n3A_541 : vector<16xf32> to vector<1x16xf32>
    tpu.vector_store %arg10[%swap3A_542, %swap3A_543], %swap3A_546 {strides = array<i32>} : memref<4x16xf32, #tpu.memory_space<vmem>>, vector<1x16xf32>,
    %jit3A_547 = arith.constant 16 : i32
    %div3A_548 = arith.divsi %mul3A_2, %jit3A_547 : i32
    %sign3A_549 = arith.constant 0 : i32
    %sign3A_550 = arith.cmpi sgt, %mul3A_2, %sign3A_549 : i32
    %sign3A_551 = arith.extui %sign3A_550 : i1 to i32
    %sign3A_552 = arith.constant 0 : i32
    %sign3A_553 = arith.cmpi slt, %mul3A_2, %sign3A_552 : i32
    %sign3A_554 = arith.extui %sign3A_553 : i1 to i32
    %sign3A_555 = arith.subi %sign3A_551, %sign3A_554 : i32
    %sign3A_556 = arith.constant 0 : i32
    %sign3A_557 = arith.cmpi sgt, %jit3A_547, %sign3A_556 : i32
    %sign3A_558 = arith.extui %sign3A_557 : i1 to i32
    %sign3A_559 = arith.constant 0 : i32
    %sign3A_560 = arith.cmpi slt, %jit3A_547, %sign3A_559 : i32
    %sign3A_561 = arith.extui %sign3A_560 : i1 to i32
    %sign3A_562 = arith.subi %sign3A_558, %sign3A_561 : i32
    %ne3A_563 = arith.cmpi ne, %sign3A_555, %sign3A_562 : i32
    %rem3A_564 = arith.remsi %mul3A_2, %jit3A_547 : i32
    %ne3A_565 = arith.constant 0 : i32
    %ne3A_566 = arith.cmpi ne, %rem3A_564, %ne3A_565 : i32
    %and3A_567 = arith.andi %ne3A_563, %ne3A_566 : i1
    %sub3A_568 = arith.constant 1 : i32
    %sub3A_569 = arith.subi %div3A_548, %sub3A_568 : i32
    %select_n3A_570 = arith.select %and3A_567, %sub3A_569, %div3A_548 : i32
    %mul3A_571 = arith.constant 16 : i32
    %mul3A_572 = arith.muli %select_n3A_570, %mul3A_571 : i32
    %multiple_of3A_573 = tpu.assume_multiple %mul3A_572, 16 : i32
    %get3A_574 = arith.constant 1 : i32
    %get3A_575 = arith.index_cast %get3A_574 : i32 to index
    %get3A_576 = arith.index_cast %multiple_of3A_573 : i32 to index
    %get3A_577 = tpu.vector_load %arg9[%get3A_575, %get3A_576] {strides = array<i32>} : memref<4x128xf32, #tpu.memory_space<vmem>>, vector<1x16xf32>,
    %get3A_578 = vector.shape_cast %get3A_577 : vector<1x16xf32> to vector<16xf32>
    %add3A_579 = arith.constant 1 : i32
    %add3A_580 = arith.addi %mul3A_2, %add3A_579 : i32
    %jit3A_581 = arith.constant 16 : i32
    %eq3A_582 = arith.constant 0 : i32
    %eq3A_583 = arith.cmpi eq, %jit3A_581, %eq3A_582 : i32
    %jit3A_584 = arith.constant 1 : i32
    %select_n3A_585 = arith.select %eq3A_583, %jit3A_584, %jit3A_581 : i32
    %rem3A_586 = arith.remsi %add3A_580, %select_n3A_585 : i32
    %ne3A_587 = arith.constant 0 : i32
    %ne3A_588 = arith.cmpi ne, %rem3A_586, %ne3A_587 : i32
    %lt3A_589 = arith.constant 0 : i32
    %lt3A_590 = arith.cmpi slt, %rem3A_586, %lt3A_589 : i32
    %lt3A_591 = arith.constant 0 : i32
    %lt3A_592 = arith.cmpi slt, %select_n3A_585, %lt3A_591 : i32
    %ne3A_593 = arith.xori %lt3A_590, %lt3A_592 : i1
    %and3A_594 = arith.andi %ne3A_593, %ne3A_588 : i1
    %add3A_595 = arith.addi %rem3A_586, %select_n3A_585 : i32
    %select_n3A_596 = arith.select %and3A_594, %add3A_595, %rem3A_586 : i32
    %eq3A_597 = vector.broadcast %select_n3A_596 : i32 to vector<16xi32>
    %eq3A_598 = arith.cmpi eq, %iota3A, %eq3A_597 : vector<16xi32>
    %jit3A_599 = arith.constant 0.000000e+00 : f32
    %broadcast_in_dim3A_600 = vector.broadcast %jit3A_599 : f32 to vector<16xf32>
    %select_n3A_601 = arith.select %eq3A_598, %get3A_578, %broadcast_in_dim3A_600 : vector<16xi1>, vector<16xf32>
    %xor3A_602 = arith.constant 8 : i32
    %xor3A_603 = vector.broadcast %xor3A_602 : i32 to vector<16xi32>
    %xor3A_604 = arith.xori %iota3A, %xor3A_603 : vector<16xi32>
    %lt3A_605 = arith.constant 0 : i32
    %lt3A_606 = vector.broadcast %lt3A_605 : i32 to vector<16xi32>
    %lt3A_607 = arith.cmpi slt, %xor3A_604, %lt3A_606 : vector<16xi32>
    %add3A_608 = arith.constant 16 : i32
    %add3A_609 = vector.broadcast %add3A_608 : i32 to vector<16xi32>
    %add3A_610 = arith.addi %xor3A_604, %add3A_609 : vector<16xi32>
    %select_n3A_611 = arith.select %lt3A_607, %add3A_610, %xor3A_604 : vector<16xi1>, vector<16xi32>
    %broadcast_in_dim3A_612 = vector.shape_cast %select_n3A_611 : vector<16xi32> to vector<16x1xi32>
    %gather3A_613 = vector.shape_cast %broadcast_in_dim3A_612 : vector<16x1xi32> to vector<16xi32>
    %gather3A_614 = tpu.dynamic_gather %select_n3A_601[%gather3A_613] in [0] : vector<16xf32>, vector<16xi32> -> vector<16xf32>
    %add3A_615 = arith.addf %select_n3A_601, %gather3A_614 : vector<16xf32>
    %xor3A_616 = arith.constant 4 : i32
    %xor3A_617 = vector.broadcast %xor3A_616 : i32 to vector<16xi32>
    %xor3A_618 = arith.xori %iota3A, %xor3A_617 : vector<16xi32>
    %lt3A_619 = arith.constant 0 : i32
    %lt3A_620 = vector.broadcast %lt3A_619 : i32 to vector<16xi32>
    %lt3A_621 = arith.cmpi slt, %xor3A_618, %lt3A_620 : vector<16xi32>
    %add3A_622 = arith.constant 16 : i32
    %add3A_623 = vector.broadcast %add3A_622 : i32 to vector<16xi32>
    %add3A_624 = arith.addi %xor3A_618, %add3A_623 : vector<16xi32>
    %select_n3A_625 = arith.select %lt3A_621, %add3A_624, %xor3A_618 : vector<16xi1>, vector<16xi32>
    %broadcast_in_dim3A_626 = vector.shape_cast %select_n3A_625 : vector<16xi32> to vector<16x1xi32>
    %gather3A_627 = vector.shape_cast %broadcast_in_dim3A_626 : vector<16x1xi32> to vector<16xi32>
    %gather3A_628 = tpu.dynamic_gather %add3A_615[%gather3A_627] in [0] : vector<16xf32>, vector<16xi32> -> vector<16xf32>
    %add3A_629 = arith.addf %add3A_615, %gather3A_628 : vector<16xf32>
    %xor3A_630 = arith.constant 2 : i32
    %xor3A_631 = vector.broadcast %xor3A_630 : i32 to vector<16xi32>
    %xor3A_632 = arith.xori %iota3A, %xor3A_631 : vector<16xi32>
    %lt3A_633 = arith.constant 0 : i32
    %lt3A_634 = vector.broadcast %lt3A_633 : i32 to vector<16xi32>
    %lt3A_635 = arith.cmpi slt, %xor3A_632, %lt3A_634 : vector<16xi32>
    %add3A_636 = arith.constant 16 : i32
    %add3A_637 = vector.broadcast %add3A_636 : i32 to vector<16xi32>
    %add3A_638 = arith.addi %xor3A_632, %add3A_637 : vector<16xi32>
    %select_n3A_639 = arith.select %lt3A_635, %add3A_638, %xor3A_632 : vector<16xi1>, vector<16xi32>
    %broadcast_in_dim3A_640 = vector.shape_cast %select_n3A_639 : vector<16xi32> to vector<16x1xi32>
    %gather3A_641 = vector.shape_cast %broadcast_in_dim3A_640 : vector<16x1xi32> to vector<16xi32>
    %gather3A_642 = tpu.dynamic_gather %add3A_629[%gather3A_641] in [0] : vector<16xf32>, vector<16xi32> -> vector<16xf32>
    %add3A_643 = arith.addf %add3A_629, %gather3A_642 : vector<16xf32>
    %xor3A_644 = arith.constant 1 : i32
    %xor3A_645 = vector.broadcast %xor3A_644 : i32 to vector<16xi32>
    %xor3A_646 = arith.xori %iota3A, %xor3A_645 : vector<16xi32>
    %lt3A_647 = arith.constant 0 : i32
    %lt3A_648 = vector.broadcast %lt3A_647 : i32 to vector<16xi32>
    %lt3A_649 = arith.cmpi slt, %xor3A_646, %lt3A_648 : vector<16xi32>
    %add3A_650 = arith.constant 16 : i32
    %add3A_651 = vector.broadcast %add3A_650 : i32 to vector<16xi32>
    %add3A_652 = arith.addi %xor3A_646, %add3A_651 : vector<16xi32>
    %select_n3A_653 = arith.select %lt3A_649, %add3A_652, %xor3A_646 : vector<16xi1>, vector<16xi32>
    %broadcast_in_dim3A_654 = vector.shape_cast %select_n3A_653 : vector<16xi32> to vector<16x1xi32>
    %gather3A_655 = vector.shape_cast %broadcast_in_dim3A_654 : vector<16x1xi32> to vector<16xi32>
    %gather3A_656 = tpu.dynamic_gather %add3A_643[%gather3A_655] in [0] : vector<16xf32>, vector<16xi32> -> vector<16xf32>
    %add3A_657 = arith.addf %add3A_643, %gather3A_656 : vector<16xf32>
    %xor3A_658 = arith.constant 8 : i32
    %xor3A_659 = vector.broadcast %xor3A_658 : i32 to vector<16xi32>
    %xor3A_660 = arith.xori %iota3A, %xor3A_659 : vector<16xi32>
    %lt3A_661 = arith.constant 0 : i32
    %lt3A_662 = vector.broadcast %lt3A_661 : i32 to vector<16xi32>
    %lt3A_663 = arith.cmpi slt, %xor3A_660, %lt3A_662 : vector<16xi32>
    %add3A_664 = arith.constant 16 : i32
    %add3A_665 = vector.broadcast %add3A_664 : i32 to vector<16xi32>
    %add3A_666 = arith.addi %xor3A_660, %add3A_665 : vector<16xi32>
    %select_n3A_667 = arith.select %lt3A_663, %add3A_666, %xor3A_660 : vector<16xi1>, vector<16xi32>
    %broadcast_in_dim3A_668 = vector.shape_cast %select_n3A_667 : vector<16xi32> to vector<16x1xi32>
    %gather3A_669 = vector.shape_cast %broadcast_in_dim3A_668 : vector<16x1xi32> to vector<16xi32>
    %gather3A_670 = tpu.dynamic_gather %parallel_loop3A_126#3[%gather3A_669] in [0] : vector<16xf32>, vector<16xi32> -> vector<16xf32>
    %max3A_671 = arith.maximumf %parallel_loop3A_126#3, %gather3A_670 : vector<16xf32>
    %xor3A_672 = arith.constant 4 : i32
    %xor3A_673 = vector.broadcast %xor3A_672 : i32 to vector<16xi32>
    %xor3A_674 = arith.xori %iota3A, %xor3A_673 : vector<16xi32>
    %lt3A_675 = arith.constant 0 : i32
    %lt3A_676 = vector.broadcast %lt3A_675 : i32 to vector<16xi32>
    %lt3A_677 = arith.cmpi slt, %xor3A_674, %lt3A_676 : vector<16xi32>
    %add3A_678 = arith.constant 16 : i32
    %add3A_679 = vector.broadcast %add3A_678 : i32 to vector<16xi32>
    %add3A_680 = arith.addi %xor3A_674, %add3A_679 : vector<16xi32>
    %select_n3A_681 = arith.select %lt3A_677, %add3A_680, %xor3A_674 : vector<16xi1>, vector<16xi32>
    %broadcast_in_dim3A_682 = vector.shape_cast %select_n3A_681 : vector<16xi32> to vector<16x1xi32>
    %gather3A_683 = vector.shape_cast %broadcast_in_dim3A_682 : vector<16x1xi32> to vector<16xi32>
    %gather3A_684 = tpu.dynamic_gather %max3A_671[%gather3A_683] in [0] : vector<16xf32>, vector<16xi32> -> vector<16xf32>
    %max3A_685 = arith.maximumf %max3A_671, %gather3A_684 : vector<16xf32>
    %xor3A_686 = arith.constant 2 : i32
    %xor3A_687 = vector.broadcast %xor3A_686 : i32 to vector<16xi32>
    %xor3A_688 = arith.xori %iota3A, %xor3A_687 : vector<16xi32>
    %lt3A_689 = arith.constant 0 : i32
    %lt3A_690 = vector.broadcast %lt3A_689 : i32 to vector<16xi32>
    %lt3A_691 = arith.cmpi slt, %xor3A_688, %lt3A_690 : vector<16xi32>
    %add3A_692 = arith.constant 16 : i32
    %add3A_693 = vector.broadcast %add3A_692 : i32 to vector<16xi32>
    %add3A_694 = arith.addi %xor3A_688, %add3A_693 : vector<16xi32>
    %select_n3A_695 = arith.select %lt3A_691, %add3A_694, %xor3A_688 : vector<16xi1>, vector<16xi32>
    %broadcast_in_dim3A_696 = vector.shape_cast %select_n3A_695 : vector<16xi32> to vector<16x1xi32>
    %gather3A_697 = vector.shape_cast %broadcast_in_dim3A_696 : vector<16x1xi32> to vector<16xi32>
    %gather3A_698 = tpu.dynamic_gather %max3A_685[%gather3A_697] in [0] : vector<16xf32>, vector<16xi32> -> vector<16xf32>
    %max3A_699 = arith.maximumf %max3A_685, %gather3A_698 : vector<16xf32>
    %xor3A_700 = arith.constant 1 : i32
    %xor3A_701 = vector.broadcast %xor3A_700 : i32 to vector<16xi32>
    %xor3A_702 = arith.xori %iota3A, %xor3A_701 : vector<16xi32>
    %lt3A_703 = arith.constant 0 : i32
    %lt3A_704 = vector.broadcast %lt3A_703 : i32 to vector<16xi32>
    %lt3A_705 = arith.cmpi slt, %xor3A_702, %lt3A_704 : vector<16xi32>
    %add3A_706 = arith.constant 16 : i32
    %add3A_707 = vector.broadcast %add3A_706 : i32 to vector<16xi32>
    %add3A_708 = arith.addi %xor3A_702, %add3A_707 : vector<16xi32>
    %select_n3A_709 = arith.select %lt3A_705, %add3A_708, %xor3A_702 : vector<16xi1>, vector<16xi32>
    %broadcast_in_dim3A_710 = vector.shape_cast %select_n3A_709 : vector<16xi32> to vector<16x1xi32>
    %gather3A_711 = vector.shape_cast %broadcast_in_dim3A_710 : vector<16x1xi32> to vector<16xi32>
    %gather3A_712 = tpu.dynamic_gather %max3A_699[%gather3A_711] in [0] : vector<16xf32>, vector<16xi32> -> vector<16xf32>
    %max3A_713 = arith.maximumf %max3A_699, %gather3A_712 : vector<16xf32>
    %eq3A_714 = arith.cmpf oeq, %parallel_loop3A_126#3, %max3A_713 : vector<16xf32>
    %select_n3A_715 = arith.select %eq3A_714, %iota3A, %broadcast_in_dim3A_132 : vector<16xi1>, vector<16xi32>
    %xor3A_716 = arith.constant 8 : i32
    %xor3A_717 = vector.broadcast %xor3A_716 : i32 to vector<16xi32>
    %xor3A_718 = arith.xori %iota3A, %xor3A_717 : vector<16xi32>
    %lt3A_719 = arith.constant 0 : i32
    %lt3A_720 = vector.broadcast %lt3A_719 : i32 to vector<16xi32>
    %lt3A_721 = arith.cmpi slt, %xor3A_718, %lt3A_720 : vector<16xi32>
    %add3A_722 = arith.constant 16 : i32
    %add3A_723 = vector.broadcast %add3A_722 : i32 to vector<16xi32>
    %add3A_724 = arith.addi %xor3A_718, %add3A_723 : vector<16xi32>
    %select_n3A_725 = arith.select %lt3A_721, %add3A_724, %xor3A_718 : vector<16xi1>, vector<16xi32>
    %broadcast_in_dim3A_726 = vector.shape_cast %select_n3A_725 : vector<16xi32> to vector<16x1xi32>
    %gather3A_727 = vector.shape_cast %broadcast_in_dim3A_726 : vector<16x1xi32> to vector<16xi32>
    %gather3A_728 = tpu.dynamic_gather %select_n3A_715[%gather3A_727] in [0] : vector<16xi32>, vector<16xi32> -> vector<16xi32>
    %min3A_729 = arith.minsi %select_n3A_715, %gather3A_728 : vector<16xi32>
    %xor3A_730 = arith.constant 4 : i32
    %xor3A_731 = vector.broadcast %xor3A_730 : i32 to vector<16xi32>
    %xor3A_732 = arith.xori %iota3A, %xor3A_731 : vector<16xi32>
    %lt3A_733 = arith.constant 0 : i32
    %lt3A_734 = vector.broadcast %lt3A_733 : i32 to vector<16xi32>
    %lt3A_735 = arith.cmpi slt, %xor3A_732, %lt3A_734 : vector<16xi32>
    %add3A_736 = arith.constant 16 : i32
    %add3A_737 = vector.broadcast %add3A_736 : i32 to vector<16xi32>
    %add3A_738 = arith.addi %xor3A_732, %add3A_737 : vector<16xi32>
    %select_n3A_739 = arith.select %lt3A_735, %add3A_738, %xor3A_732 : vector<16xi1>, vector<16xi32>
    %broadcast_in_dim3A_740 = vector.shape_cast %select_n3A_739 : vector<16xi32> to vector<16x1xi32>
    %gather3A_741 = vector.shape_cast %broadcast_in_dim3A_740 : vector<16x1xi32> to vector<16xi32>
    %gather3A_742 = tpu.dynamic_gather %min3A_729[%gather3A_741] in [0] : vector<16xi32>, vector<16xi32> -> vector<16xi32>
    %min3A_743 = arith.minsi %min3A_729, %gather3A_742 : vector<16xi32>
    %xor3A_744 = arith.constant 2 : i32
    %xor3A_745 = vector.broadcast %xor3A_744 : i32 to vector<16xi32>
    %xor3A_746 = arith.xori %iota3A, %xor3A_745 : vector<16xi32>
    %lt3A_747 = arith.constant 0 : i32
    %lt3A_748 = vector.broadcast %lt3A_747 : i32 to vector<16xi32>
    %lt3A_749 = arith.cmpi slt, %xor3A_746, %lt3A_748 : vector<16xi32>
    %add3A_750 = arith.constant 16 : i32
    %add3A_751 = vector.broadcast %add3A_750 : i32 to vector<16xi32>
    %add3A_752 = arith.addi %xor3A_746, %add3A_751 : vector<16xi32>
    %select_n3A_753 = arith.select %lt3A_749, %add3A_752, %xor3A_746 : vector<16xi1>, vector<16xi32>
    %broadcast_in_dim3A_754 = vector.shape_cast %select_n3A_753 : vector<16xi32> to vector<16x1xi32>
    %gather3A_755 = vector.shape_cast %broadcast_in_dim3A_754 : vector<16x1xi32> to vector<16xi32>
    %gather3A_756 = tpu.dynamic_gather %min3A_743[%gather3A_755] in [0] : vector<16xi32>, vector<16xi32> -> vector<16xi32>
    %min3A_757 = arith.minsi %min3A_743, %gather3A_756 : vector<16xi32>
    %xor3A_758 = arith.constant 1 : i32
    %xor3A_759 = vector.broadcast %xor3A_758 : i32 to vector<16xi32>
    %xor3A_760 = arith.xori %iota3A, %xor3A_759 : vector<16xi32>
    %lt3A_761 = arith.constant 0 : i32
    %lt3A_762 = vector.broadcast %lt3A_761 : i32 to vector<16xi32>
    %lt3A_763 = arith.cmpi slt, %xor3A_760, %lt3A_762 : vector<16xi32>
    %add3A_764 = arith.constant 16 : i32
    %add3A_765 = vector.broadcast %add3A_764 : i32 to vector<16xi32>
    %add3A_766 = arith.addi %xor3A_760, %add3A_765 : vector<16xi32>
    %select_n3A_767 = arith.select %lt3A_763, %add3A_766, %xor3A_760 : vector<16xi1>, vector<16xi32>
    %broadcast_in_dim3A_768 = vector.shape_cast %select_n3A_767 : vector<16xi32> to vector<16x1xi32>
    %gather3A_769 = vector.shape_cast %broadcast_in_dim3A_768 : vector<16x1xi32> to vector<16xi32>
    %gather3A_770 = tpu.dynamic_gather %min3A_757[%gather3A_769] in [0] : vector<16xi32>, vector<16xi32> -> vector<16xi32>
    %min3A_771 = arith.minsi %min3A_757, %gather3A_770 : vector<16xi32>
    %eq3A_772 = arith.cmpi eq, %iota3A, %min3A_771 : vector<16xi32>
    %select_n3A_773 = arith.select %eq3A_772, %parallel_loop3A_126#4, %parallel_loop3A_126#3 : vector<16xi1>, vector<16xf32>
    %select_n3A_774 = arith.select %eq3A_772, %parallel_loop3A_126#5, %parallel_loop3A_126#4 : vector<16xi1>, vector<16xf32>
    %broadcast_in_dim3A_775 = arith.constant -3.000000e+38 : f32
    %broadcast_in_dim3A_776 = vector.broadcast %broadcast_in_dim3A_775 : f32 to vector<16xf32>
    %select_n3A_777 = arith.select %eq3A_772, %broadcast_in_dim3A_776, %parallel_loop3A_126#5 : vector<16xi1>, vector<16xf32>
    %xor3A_778 = arith.constant 8 : i32
    %xor3A_779 = vector.broadcast %xor3A_778 : i32 to vector<16xi32>
    %xor3A_780 = arith.xori %iota3A, %xor3A_779 : vector<16xi32>
    %lt3A_781 = arith.constant 0 : i32
    %lt3A_782 = vector.broadcast %lt3A_781 : i32 to vector<16xi32>
    %lt3A_783 = arith.cmpi slt, %xor3A_780, %lt3A_782 : vector<16xi32>
    %add3A_784 = arith.constant 16 : i32
    %add3A_785 = vector.broadcast %add3A_784 : i32 to vector<16xi32>
    %add3A_786 = arith.addi %xor3A_780, %add3A_785 : vector<16xi32>
    %select_n3A_787 = arith.select %lt3A_783, %add3A_786, %xor3A_780 : vector<16xi1>, vector<16xi32>
    %broadcast_in_dim3A_788 = vector.shape_cast %select_n3A_787 : vector<16xi32> to vector<16x1xi32>
    %gather3A_789 = vector.shape_cast %broadcast_in_dim3A_788 : vector<16x1xi32> to vector<16xi32>
    %gather3A_790 = tpu.dynamic_gather %select_n3A_773[%gather3A_789] in [0] : vector<16xf32>, vector<16xi32> -> vector<16xf32>
    %max3A_791 = arith.maximumf %select_n3A_773, %gather3A_790 : vector<16xf32>
    %xor3A_792 = arith.constant 4 : i32
    %xor3A_793 = vector.broadcast %xor3A_792 : i32 to vector<16xi32>
    %xor3A_794 = arith.xori %iota3A, %xor3A_793 : vector<16xi32>
    %lt3A_795 = arith.constant 0 : i32
    %lt3A_796 = vector.broadcast %lt3A_795 : i32 to vector<16xi32>
    %lt3A_797 = arith.cmpi slt, %xor3A_794, %lt3A_796 : vector<16xi32>
    %add3A_798 = arith.constant 16 : i32
    %add3A_799 = vector.broadcast %add3A_798 : i32 to vector<16xi32>
    %add3A_800 = arith.addi %xor3A_794, %add3A_799 : vector<16xi32>
    %select_n3A_801 = arith.select %lt3A_797, %add3A_800, %xor3A_794 : vector<16xi1>, vector<16xi32>
    %broadcast_in_dim3A_802 = vector.shape_cast %select_n3A_801 : vector<16xi32> to vector<16x1xi32>
    %gather3A_803 = vector.shape_cast %broadcast_in_dim3A_802 : vector<16x1xi32> to vector<16xi32>
    %gather3A_804 = tpu.dynamic_gather %max3A_791[%gather3A_803] in [0] : vector<16xf32>, vector<16xi32> -> vector<16xf32>
    %max3A_805 = arith.maximumf %max3A_791, %gather3A_804 : vector<16xf32>
    %xor3A_806 = arith.constant 2 : i32
    %xor3A_807 = vector.broadcast %xor3A_806 : i32 to vector<16xi32>
    %xor3A_808 = arith.xori %iota3A, %xor3A_807 : vector<16xi32>
    %lt3A_809 = arith.constant 0 : i32
    %lt3A_810 = vector.broadcast %lt3A_809 : i32 to vector<16xi32>
    %lt3A_811 = arith.cmpi slt, %xor3A_808, %lt3A_810 : vector<16xi32>
    %add3A_812 = arith.constant 16 : i32
    %add3A_813 = vector.broadcast %add3A_812 : i32 to vector<16xi32>
    %add3A_814 = arith.addi %xor3A_808, %add3A_813 : vector<16xi32>
    %select_n3A_815 = arith.select %lt3A_811, %add3A_814, %xor3A_808 : vector<16xi1>, vector<16xi32>
    %broadcast_in_dim3A_816 = vector.shape_cast %select_n3A_815 : vector<16xi32> to vector<16x1xi32>
    %gather3A_817 = vector.shape_cast %broadcast_in_dim3A_816 : vector<16x1xi32> to vector<16xi32>
    %gather3A_818 = tpu.dynamic_gather %max3A_805[%gather3A_817] in [0] : vector<16xf32>, vector<16xi32> -> vector<16xf32>
    %max3A_819 = arith.maximumf %max3A_805, %gather3A_818 : vector<16xf32>
    %xor3A_820 = arith.constant 1 : i32
    %xor3A_821 = vector.broadcast %xor3A_820 : i32 to vector<16xi32>
    %xor3A_822 = arith.xori %iota3A, %xor3A_821 : vector<16xi32>
    %lt3A_823 = arith.constant 0 : i32
    %lt3A_824 = vector.broadcast %lt3A_823 : i32 to vector<16xi32>
    %lt3A_825 = arith.cmpi slt, %xor3A_822, %lt3A_824 : vector<16xi32>
    %add3A_826 = arith.constant 16 : i32
    %add3A_827 = vector.broadcast %add3A_826 : i32 to vector<16xi32>
    %add3A_828 = arith.addi %xor3A_822, %add3A_827 : vector<16xi32>
    %select_n3A_829 = arith.select %lt3A_825, %add3A_828, %xor3A_822 : vector<16xi1>, vector<16xi32>
    %broadcast_in_dim3A_830 = vector.shape_cast %select_n3A_829 : vector<16xi32> to vector<16x1xi32>
    %gather3A_831 = vector.shape_cast %broadcast_in_dim3A_830 : vector<16x1xi32> to vector<16xi32>
    %gather3A_832 = tpu.dynamic_gather %max3A_819[%gather3A_831] in [0] : vector<16xf32>, vector<16xi32> -> vector<16xf32>
    %max3A_833 = arith.maximumf %max3A_819, %gather3A_832 : vector<16xf32>
    %eq3A_834 = arith.cmpf oeq, %select_n3A_773, %max3A_833 : vector<16xf32>
    %select_n3A_835 = arith.select %eq3A_834, %iota3A, %broadcast_in_dim3A_132 : vector<16xi1>, vector<16xi32>
    %xor3A_836 = arith.constant 8 : i32
    %xor3A_837 = vector.broadcast %xor3A_836 : i32 to vector<16xi32>
    %xor3A_838 = arith.xori %iota3A, %xor3A_837 : vector<16xi32>
    %lt3A_839 = arith.constant 0 : i32
    %lt3A_840 = vector.broadcast %lt3A_839 : i32 to vector<16xi32>
    %lt3A_841 = arith.cmpi slt, %xor3A_838, %lt3A_840 : vector<16xi32>
    %add3A_842 = arith.constant 16 : i32
    %add3A_843 = vector.broadcast %add3A_842 : i32 to vector<16xi32>
    %add3A_844 = arith.addi %xor3A_838, %add3A_843 : vector<16xi32>
    %select_n3A_845 = arith.select %lt3A_841, %add3A_844, %xor3A_838 : vector<16xi1>, vector<16xi32>
    %broadcast_in_dim3A_846 = vector.shape_cast %select_n3A_845 : vector<16xi32> to vector<16x1xi32>
    %gather3A_847 = vector.shape_cast %broadcast_in_dim3A_846 : vector<16x1xi32> to vector<16xi32>
    %gather3A_848 = tpu.dynamic_gather %select_n3A_835[%gather3A_847] in [0] : vector<16xi32>, vector<16xi32> -> vector<16xi32>
    %min3A_849 = arith.minsi %select_n3A_835, %gather3A_848 : vector<16xi32>
    %xor3A_850 = arith.constant 4 : i32
    %xor3A_851 = vector.broadcast %xor3A_850 : i32 to vector<16xi32>
    %xor3A_852 = arith.xori %iota3A, %xor3A_851 : vector<16xi32>
    %lt3A_853 = arith.constant 0 : i32
    %lt3A_854 = vector.broadcast %lt3A_853 : i32 to vector<16xi32>
    %lt3A_855 = arith.cmpi slt, %xor3A_852, %lt3A_854 : vector<16xi32>
    %add3A_856 = arith.constant 16 : i32
    %add3A_857 = vector.broadcast %add3A_856 : i32 to vector<16xi32>
    %add3A_858 = arith.addi %xor3A_852, %add3A_857 : vector<16xi32>
    %select_n3A_859 = arith.select %lt3A_855, %add3A_858, %xor3A_852 : vector<16xi1>, vector<16xi32>
    %broadcast_in_dim3A_860 = vector.shape_cast %select_n3A_859 : vector<16xi32> to vector<16x1xi32>
    %gather3A_861 = vector.shape_cast %broadcast_in_dim3A_860 : vector<16x1xi32> to vector<16xi32>
    %gather3A_862 = tpu.dynamic_gather %min3A_849[%gather3A_861] in [0] : vector<16xi32>, vector<16xi32> -> vector<16xi32>
    %min3A_863 = arith.minsi %min3A_849, %gather3A_862 : vector<16xi32>
    %xor3A_864 = arith.constant 2 : i32
    %xor3A_865 = vector.broadcast %xor3A_864 : i32 to vector<16xi32>
    %xor3A_866 = arith.xori %iota3A, %xor3A_865 : vector<16xi32>
    %lt3A_867 = arith.constant 0 : i32
    %lt3A_868 = vector.broadcast %lt3A_867 : i32 to vector<16xi32>
    %lt3A_869 = arith.cmpi slt, %xor3A_866, %lt3A_868 : vector<16xi32>
    %add3A_870 = arith.constant 16 : i32
    %add3A_871 = vector.broadcast %add3A_870 : i32 to vector<16xi32>
    %add3A_872 = arith.addi %xor3A_866, %add3A_871 : vector<16xi32>
    %select_n3A_873 = arith.select %lt3A_869, %add3A_872, %xor3A_866 : vector<16xi1>, vector<16xi32>
    %broadcast_in_dim3A_874 = vector.shape_cast %select_n3A_873 : vector<16xi32> to vector<16x1xi32>
    %gather3A_875 = vector.shape_cast %broadcast_in_dim3A_874 : vector<16x1xi32> to vector<16xi32>
    %gather3A_876 = tpu.dynamic_gather %min3A_863[%gather3A_875] in [0] : vector<16xi32>, vector<16xi32> -> vector<16xi32>
    %min3A_877 = arith.minsi %min3A_863, %gather3A_876 : vector<16xi32>
    %xor3A_878 = arith.constant 1 : i32
    %xor3A_879 = vector.broadcast %xor3A_878 : i32 to vector<16xi32>
    %xor3A_880 = arith.xori %iota3A, %xor3A_879 : vector<16xi32>
    %lt3A_881 = arith.constant 0 : i32
    %lt3A_882 = vector.broadcast %lt3A_881 : i32 to vector<16xi32>
    %lt3A_883 = arith.cmpi slt, %xor3A_880, %lt3A_882 : vector<16xi32>
    %add3A_884 = arith.constant 16 : i32
    %add3A_885 = vector.broadcast %add3A_884 : i32 to vector<16xi32>
    %add3A_886 = arith.addi %xor3A_880, %add3A_885 : vector<16xi32>
    %select_n3A_887 = arith.select %lt3A_883, %add3A_886, %xor3A_880 : vector<16xi1>, vector<16xi32>
    %broadcast_in_dim3A_888 = vector.shape_cast %select_n3A_887 : vector<16xi32> to vector<16x1xi32>
    %gather3A_889 = vector.shape_cast %broadcast_in_dim3A_888 : vector<16x1xi32> to vector<16xi32>
    %gather3A_890 = tpu.dynamic_gather %min3A_877[%gather3A_889] in [0] : vector<16xi32>, vector<16xi32> -> vector<16xi32>
    %min3A_891 = arith.minsi %min3A_877, %gather3A_890 : vector<16xi32>
    %eq3A_892 = arith.cmpi eq, %iota3A, %min3A_891 : vector<16xi32>
    %select_n3A_893 = arith.select %eq3A_892, %select_n3A_774, %select_n3A_773 : vector<16xi1>, vector<16xf32>
    %select_n3A_894 = arith.select %eq3A_892, %select_n3A_777, %select_n3A_774 : vector<16xi1>, vector<16xf32>
    %broadcast_in_dim3A_895 = arith.constant -3.000000e+38 : f32
    %broadcast_in_dim3A_896 = vector.broadcast %broadcast_in_dim3A_895 : f32 to vector<16xf32>
    %select_n3A_897 = arith.select %eq3A_892, %broadcast_in_dim3A_896, %select_n3A_777 : vector<16xi1>, vector<16xf32>
    %xor3A_898 = arith.constant 8 : i32
    %xor3A_899 = vector.broadcast %xor3A_898 : i32 to vector<16xi32>
    %xor3A_900 = arith.xori %iota3A, %xor3A_899 : vector<16xi32>
    %lt3A_901 = arith.constant 0 : i32
    %lt3A_902 = vector.broadcast %lt3A_901 : i32 to vector<16xi32>
    %lt3A_903 = arith.cmpi slt, %xor3A_900, %lt3A_902 : vector<16xi32>
    %add3A_904 = arith.constant 16 : i32
    %add3A_905 = vector.broadcast %add3A_904 : i32 to vector<16xi32>
    %add3A_906 = arith.addi %xor3A_900, %add3A_905 : vector<16xi32>
    %select_n3A_907 = arith.select %lt3A_903, %add3A_906, %xor3A_900 : vector<16xi1>, vector<16xi32>
    %broadcast_in_dim3A_908 = vector.shape_cast %select_n3A_907 : vector<16xi32> to vector<16x1xi32>
    %gather3A_909 = vector.shape_cast %broadcast_in_dim3A_908 : vector<16x1xi32> to vector<16xi32>
    %gather3A_910 = tpu.dynamic_gather %select_n3A_893[%gather3A_909] in [0] : vector<16xf32>, vector<16xi32> -> vector<16xf32>
    %max3A_911 = arith.maximumf %select_n3A_893, %gather3A_910 : vector<16xf32>
    %xor3A_912 = arith.constant 4 : i32
    %xor3A_913 = vector.broadcast %xor3A_912 : i32 to vector<16xi32>
    %xor3A_914 = arith.xori %iota3A, %xor3A_913 : vector<16xi32>
    %lt3A_915 = arith.constant 0 : i32
    %lt3A_916 = vector.broadcast %lt3A_915 : i32 to vector<16xi32>
    %lt3A_917 = arith.cmpi slt, %xor3A_914, %lt3A_916 : vector<16xi32>
    %add3A_918 = arith.constant 16 : i32
    %add3A_919 = vector.broadcast %add3A_918 : i32 to vector<16xi32>
    %add3A_920 = arith.addi %xor3A_914, %add3A_919 : vector<16xi32>
    %select_n3A_921 = arith.select %lt3A_917, %add3A_920, %xor3A_914 : vector<16xi1>, vector<16xi32>
    %broadcast_in_dim3A_922 = vector.shape_cast %select_n3A_921 : vector<16xi32> to vector<16x1xi32>
    %gather3A_923 = vector.shape_cast %broadcast_in_dim3A_922 : vector<16x1xi32> to vector<16xi32>
    %gather3A_924 = tpu.dynamic_gather %max3A_911[%gather3A_923] in [0] : vector<16xf32>, vector<16xi32> -> vector<16xf32>
    %max3A_925 = arith.maximumf %max3A_911, %gather3A_924 : vector<16xf32>
    %xor3A_926 = arith.constant 2 : i32
    %xor3A_927 = vector.broadcast %xor3A_926 : i32 to vector<16xi32>
    %xor3A_928 = arith.xori %iota3A, %xor3A_927 : vector<16xi32>
    %lt3A_929 = arith.constant 0 : i32
    %lt3A_930 = vector.broadcast %lt3A_929 : i32 to vector<16xi32>
    %lt3A_931 = arith.cmpi slt, %xor3A_928, %lt3A_930 : vector<16xi32>
    %add3A_932 = arith.constant 16 : i32
    %add3A_933 = vector.broadcast %add3A_932 : i32 to vector<16xi32>
    %add3A_934 = arith.addi %xor3A_928, %add3A_933 : vector<16xi32>
    %select_n3A_935 = arith.select %lt3A_931, %add3A_934, %xor3A_928 : vector<16xi1>, vector<16xi32>
    %broadcast_in_dim3A_936 = vector.shape_cast %select_n3A_935 : vector<16xi32> to vector<16x1xi32>
    %gather3A_937 = vector.shape_cast %broadcast_in_dim3A_936 : vector<16x1xi32> to vector<16xi32>
    %gather3A_938 = tpu.dynamic_gather %max3A_925[%gather3A_937] in [0] : vector<16xf32>, vector<16xi32> -> vector<16xf32>
    %max3A_939 = arith.maximumf %max3A_925, %gather3A_938 : vector<16xf32>
    %xor3A_940 = arith.constant 1 : i32
    %xor3A_941 = vector.broadcast %xor3A_940 : i32 to vector<16xi32>
    %xor3A_942 = arith.xori %iota3A, %xor3A_941 : vector<16xi32>
    %lt3A_943 = arith.constant 0 : i32
    %lt3A_944 = vector.broadcast %lt3A_943 : i32 to vector<16xi32>
    %lt3A_945 = arith.cmpi slt, %xor3A_942, %lt3A_944 : vector<16xi32>
    %add3A_946 = arith.constant 16 : i32
    %add3A_947 = vector.broadcast %add3A_946 : i32 to vector<16xi32>
    %add3A_948 = arith.addi %xor3A_942, %add3A_947 : vector<16xi32>
    %select_n3A_949 = arith.select %lt3A_945, %add3A_948, %xor3A_942 : vector<16xi1>, vector<16xi32>
    %broadcast_in_dim3A_950 = vector.shape_cast %select_n3A_949 : vector<16xi32> to vector<16x1xi32>
    %gather3A_951 = vector.shape_cast %broadcast_in_dim3A_950 : vector<16x1xi32> to vector<16xi32>
    %gather3A_952 = tpu.dynamic_gather %max3A_939[%gather3A_951] in [0] : vector<16xf32>, vector<16xi32> -> vector<16xf32>
    %max3A_953 = arith.maximumf %max3A_939, %gather3A_952 : vector<16xf32>
    %eq3A_954 = arith.constant 0 : i32
    %eq3A_955 = vector.broadcast %eq3A_954 : i32 to vector<16xi32>
    %eq3A_956 = arith.cmpi eq, %iota3A, %eq3A_955 : vector<16xi32>
    %eq3A_957 = arith.constant 1 : i32
    %eq3A_958 = vector.broadcast %eq3A_957 : i32 to vector<16xi32>
    %eq3A_959 = arith.cmpi eq, %iota3A, %eq3A_958 : vector<16xi32>
    %eq3A_960 = arith.constant 2 : i32
    %eq3A_961 = vector.broadcast %eq3A_960 : i32 to vector<16xi32>
    %eq3A_962 = arith.cmpi eq, %iota3A, %eq3A_961 : vector<16xi32>
    %eq3A_963 = arith.constant 3 : i32
    %eq3A_964 = vector.broadcast %eq3A_963 : i32 to vector<16xi32>
    %eq3A_965 = arith.cmpi eq, %iota3A, %eq3A_964 : vector<16xi32>
    %select_n3A_966 = arith.select %eq3A_965, %add3A_657, %broadcast_in_dim3A_134 : vector<16xi1>, vector<16xf32>
    %select_n3A_967 = arith.select %eq3A_962, %max3A_953, %select_n3A_966 : vector<16xi1>, vector<16xf32>
    %select_n3A_968 = arith.select %eq3A_959, %max3A_833, %select_n3A_967 : vector<16xi1>, vector<16xf32>
    %select_n3A_969 = arith.select %eq3A_956, %max3A_713, %select_n3A_968 : vector<16xi1>, vector<16xf32>
    %swap3A_970 = arith.constant 1 : i32
    %swap3A_971 = arith.index_cast %swap3A_970 : i32 to index
    %swap3A_972 = arith.constant 0 : index
    %swap3A_973 = tpu.vector_load %arg10[%swap3A_971, %swap3A_972] {strides = array<i32>} : memref<4x16xf32, #tpu.memory_space<vmem>>, vector<1x16xf32>,
    %swap3A_974 = vector.shape_cast %swap3A_973 : vector<1x16xf32> to vector<16xf32>
    %swap3A_975 = vector.shape_cast %select_n3A_969 : vector<16xf32> to vector<1x16xf32>
    tpu.vector_store %arg10[%swap3A_971, %swap3A_972], %swap3A_975 {strides = array<i32>} : memref<4x16xf32, #tpu.memory_space<vmem>>, vector<1x16xf32>,
    %jit3A_976 = arith.constant 16 : i32
    %div3A_977 = arith.divsi %mul3A_2, %jit3A_976 : i32
    %sign3A_978 = arith.constant 0 : i32
    %sign3A_979 = arith.cmpi sgt, %mul3A_2, %sign3A_978 : i32
    %sign3A_980 = arith.extui %sign3A_979 : i1 to i32
    %sign3A_981 = arith.constant 0 : i32
    %sign3A_982 = arith.cmpi slt, %mul3A_2, %sign3A_981 : i32
    %sign3A_983 = arith.extui %sign3A_982 : i1 to i32
    %sign3A_984 = arith.subi %sign3A_980, %sign3A_983 : i32
    %sign3A_985 = arith.constant 0 : i32
    %sign3A_986 = arith.cmpi sgt, %jit3A_976, %sign3A_985 : i32
    %sign3A_987 = arith.extui %sign3A_986 : i1 to i32
    %sign3A_988 = arith.constant 0 : i32
    %sign3A_989 = arith.cmpi slt, %jit3A_976, %sign3A_988 : i32
    %sign3A_990 = arith.extui %sign3A_989 : i1 to i32
    %sign3A_991 = arith.subi %sign3A_987, %sign3A_990 : i32
    %ne3A_992 = arith.cmpi ne, %sign3A_984, %sign3A_991 : i32
    %rem3A_993 = arith.remsi %mul3A_2, %jit3A_976 : i32
    %ne3A_994 = arith.constant 0 : i32
    %ne3A_995 = arith.cmpi ne, %rem3A_993, %ne3A_994 : i32
    %and3A_996 = arith.andi %ne3A_992, %ne3A_995 : i1
    %sub3A_997 = arith.constant 1 : i32
    %sub3A_998 = arith.subi %div3A_977, %sub3A_997 : i32
    %select_n3A_999 = arith.select %and3A_996, %sub3A_998, %div3A_977 : i32
    %mul3A_1000 = arith.constant 16 : i32
    %mul3A_1001 = arith.muli %select_n3A_999, %mul3A_1000 : i32
    %multiple_of3A_1002 = tpu.assume_multiple %mul3A_1001, 16 : i32
    %get3A_1003 = arith.constant 2 : i32
    %get3A_1004 = arith.index_cast %get3A_1003 : i32 to index
    %get3A_1005 = arith.index_cast %multiple_of3A_1002 : i32 to index
    %get3A_1006 = tpu.vector_load %arg9[%get3A_1004, %get3A_1005] {strides = array<i32>} : memref<4x128xf32, #tpu.memory_space<vmem>>, vector<1x16xf32>,
    %get3A_1007 = vector.shape_cast %get3A_1006 : vector<1x16xf32> to vector<16xf32>
    %add3A_1008 = arith.constant 2 : i32
    %add3A_1009 = arith.addi %mul3A_2, %add3A_1008 : i32
    %jit3A_1010 = arith.constant 16 : i32
    %eq3A_1011 = arith.constant 0 : i32
    %eq3A_1012 = arith.cmpi eq, %jit3A_1010, %eq3A_1011 : i32
    %jit3A_1013 = arith.constant 1 : i32
    %select_n3A_1014 = arith.select %eq3A_1012, %jit3A_1013, %jit3A_1010 : i32
    %rem3A_1015 = arith.remsi %add3A_1009, %select_n3A_1014 : i32
    %ne3A_1016 = arith.constant 0 : i32
    %ne3A_1017 = arith.cmpi ne, %rem3A_1015, %ne3A_1016 : i32
    %lt3A_1018 = arith.constant 0 : i32
    %lt3A_1019 = arith.cmpi slt, %rem3A_1015, %lt3A_1018 : i32
    %lt3A_1020 = arith.constant 0 : i32
    %lt3A_1021 = arith.cmpi slt, %select_n3A_1014, %lt3A_1020 : i32
    %ne3A_1022 = arith.xori %lt3A_1019, %lt3A_1021 : i1
    %and3A_1023 = arith.andi %ne3A_1022, %ne3A_1017 : i1
    %add3A_1024 = arith.addi %rem3A_1015, %select_n3A_1014 : i32
    %select_n3A_1025 = arith.select %and3A_1023, %add3A_1024, %rem3A_1015 : i32
    %eq3A_1026 = vector.broadcast %select_n3A_1025 : i32 to vector<16xi32>
    %eq3A_1027 = arith.cmpi eq, %iota3A, %eq3A_1026 : vector<16xi32>
    %jit3A_1028 = arith.constant 0.000000e+00 : f32
    %broadcast_in_dim3A_1029 = vector.broadcast %jit3A_1028 : f32 to vector<16xf32>
    %select_n3A_1030 = arith.select %eq3A_1027, %get3A_1007, %broadcast_in_dim3A_1029 : vector<16xi1>, vector<16xf32>
    %xor3A_1031 = arith.constant 8 : i32
    %xor3A_1032 = vector.broadcast %xor3A_1031 : i32 to vector<16xi32>
    %xor3A_1033 = arith.xori %iota3A, %xor3A_1032 : vector<16xi32>
    %lt3A_1034 = arith.constant 0 : i32
    %lt3A_1035 = vector.broadcast %lt3A_1034 : i32 to vector<16xi32>
    %lt3A_1036 = arith.cmpi slt, %xor3A_1033, %lt3A_1035 : vector<16xi32>
    %add3A_1037 = arith.constant 16 : i32
    %add3A_1038 = vector.broadcast %add3A_1037 : i32 to vector<16xi32>
    %add3A_1039 = arith.addi %xor3A_1033, %add3A_1038 : vector<16xi32>
    %select_n3A_1040 = arith.select %lt3A_1036, %add3A_1039, %xor3A_1033 : vector<16xi1>, vector<16xi32>
    %broadcast_in_dim3A_1041 = vector.shape_cast %select_n3A_1040 : vector<16xi32> to vector<16x1xi32>
    %gather3A_1042 = vector.shape_cast %broadcast_in_dim3A_1041 : vector<16x1xi32> to vector<16xi32>
    %gather3A_1043 = tpu.dynamic_gather %select_n3A_1030[%gather3A_1042] in [0] : vector<16xf32>, vector<16xi32> -> vector<16xf32>
    %add3A_1044 = arith.addf %select_n3A_1030, %gather3A_1043 : vector<16xf32>
    %xor3A_1045 = arith.constant 4 : i32
    %xor3A_1046 = vector.broadcast %xor3A_1045 : i32 to vector<16xi32>
    %xor3A_1047 = arith.xori %iota3A, %xor3A_1046 : vector<16xi32>
    %lt3A_1048 = arith.constant 0 : i32
    %lt3A_1049 = vector.broadcast %lt3A_1048 : i32 to vector<16xi32>
    %lt3A_1050 = arith.cmpi slt, %xor3A_1047, %lt3A_1049 : vector<16xi32>
    %add3A_1051 = arith.constant 16 : i32
    %add3A_1052 = vector.broadcast %add3A_1051 : i32 to vector<16xi32>
    %add3A_1053 = arith.addi %xor3A_1047, %add3A_1052 : vector<16xi32>
    %select_n3A_1054 = arith.select %lt3A_1050, %add3A_1053, %xor3A_1047 : vector<16xi1>, vector<16xi32>
    %broadcast_in_dim3A_1055 = vector.shape_cast %select_n3A_1054 : vector<16xi32> to vector<16x1xi32>
    %gather3A_1056 = vector.shape_cast %broadcast_in_dim3A_1055 : vector<16x1xi32> to vector<16xi32>
    %gather3A_1057 = tpu.dynamic_gather %add3A_1044[%gather3A_1056] in [0] : vector<16xf32>, vector<16xi32> -> vector<16xf32>
    %add3A_1058 = arith.addf %add3A_1044, %gather3A_1057 : vector<16xf32>
    %xor3A_1059 = arith.constant 2 : i32
    %xor3A_1060 = vector.broadcast %xor3A_1059 : i32 to vector<16xi32>
    %xor3A_1061 = arith.xori %iota3A, %xor3A_1060 : vector<16xi32>
    %lt3A_1062 = arith.constant 0 : i32
    %lt3A_1063 = vector.broadcast %lt3A_1062 : i32 to vector<16xi32>
    %lt3A_1064 = arith.cmpi slt, %xor3A_1061, %lt3A_1063 : vector<16xi32>
    %add3A_1065 = arith.constant 16 : i32
    %add3A_1066 = vector.broadcast %add3A_1065 : i32 to vector<16xi32>
    %add3A_1067 = arith.addi %xor3A_1061, %add3A_1066 : vector<16xi32>
    %select_n3A_1068 = arith.select %lt3A_1064, %add3A_1067, %xor3A_1061 : vector<16xi1>, vector<16xi32>
    %broadcast_in_dim3A_1069 = vector.shape_cast %select_n3A_1068 : vector<16xi32> to vector<16x1xi32>
    %gather3A_1070 = vector.shape_cast %broadcast_in_dim3A_1069 : vector<16x1xi32> to vector<16xi32>
    %gather3A_1071 = tpu.dynamic_gather %add3A_1058[%gather3A_1070] in [0] : vector<16xf32>, vector<16xi32> -> vector<16xf32>
    %add3A_1072 = arith.addf %add3A_1058, %gather3A_1071 : vector<16xf32>
    %xor3A_1073 = arith.constant 1 : i32
    %xor3A_1074 = vector.broadcast %xor3A_1073 : i32 to vector<16xi32>
    %xor3A_1075 = arith.xori %iota3A, %xor3A_1074 : vector<16xi32>
    %lt3A_1076 = arith.constant 0 : i32
    %lt3A_1077 = vector.broadcast %lt3A_1076 : i32 to vector<16xi32>
    %lt3A_1078 = arith.cmpi slt, %xor3A_1075, %lt3A_1077 : vector<16xi32>
    %add3A_1079 = arith.constant 16 : i32
    %add3A_1080 = vector.broadcast %add3A_1079 : i32 to vector<16xi32>
    %add3A_1081 = arith.addi %xor3A_1075, %add3A_1080 : vector<16xi32>
    %select_n3A_1082 = arith.select %lt3A_1078, %add3A_1081, %xor3A_1075 : vector<16xi1>, vector<16xi32>
    %broadcast_in_dim3A_1083 = vector.shape_cast %select_n3A_1082 : vector<16xi32> to vector<16x1xi32>
    %gather3A_1084 = vector.shape_cast %broadcast_in_dim3A_1083 : vector<16x1xi32> to vector<16xi32>
    %gather3A_1085 = tpu.dynamic_gather %add3A_1072[%gather3A_1084] in [0] : vector<16xf32>, vector<16xi32> -> vector<16xf32>
    %add3A_1086 = arith.addf %add3A_1072, %gather3A_1085 : vector<16xf32>
    %xor3A_1087 = arith.constant 8 : i32
    %xor3A_1088 = vector.broadcast %xor3A_1087 : i32 to vector<16xi32>
    %xor3A_1089 = arith.xori %iota3A, %xor3A_1088 : vector<16xi32>
    %lt3A_1090 = arith.constant 0 : i32
    %lt3A_1091 = vector.broadcast %lt3A_1090 : i32 to vector<16xi32>
    %lt3A_1092 = arith.cmpi slt, %xor3A_1089, %lt3A_1091 : vector<16xi32>
    %add3A_1093 = arith.constant 16 : i32
    %add3A_1094 = vector.broadcast %add3A_1093 : i32 to vector<16xi32>
    %add3A_1095 = arith.addi %xor3A_1089, %add3A_1094 : vector<16xi32>
    %select_n3A_1096 = arith.select %lt3A_1092, %add3A_1095, %xor3A_1089 : vector<16xi1>, vector<16xi32>
    %broadcast_in_dim3A_1097 = vector.shape_cast %select_n3A_1096 : vector<16xi32> to vector<16x1xi32>
    %gather3A_1098 = vector.shape_cast %broadcast_in_dim3A_1097 : vector<16x1xi32> to vector<16xi32>
    %gather3A_1099 = tpu.dynamic_gather %parallel_loop3A_126#6[%gather3A_1098] in [0] : vector<16xf32>, vector<16xi32> -> vector<16xf32>
    %max3A_1100 = arith.maximumf %parallel_loop3A_126#6, %gather3A_1099 : vector<16xf32>
    %xor3A_1101 = arith.constant 4 : i32
    %xor3A_1102 = vector.broadcast %xor3A_1101 : i32 to vector<16xi32>
    %xor3A_1103 = arith.xori %iota3A, %xor3A_1102 : vector<16xi32>
    %lt3A_1104 = arith.constant 0 : i32
    %lt3A_1105 = vector.broadcast %lt3A_1104 : i32 to vector<16xi32>
    %lt3A_1106 = arith.cmpi slt, %xor3A_1103, %lt3A_1105 : vector<16xi32>
    %add3A_1107 = arith.constant 16 : i32
    %add3A_1108 = vector.broadcast %add3A_1107 : i32 to vector<16xi32>
    %add3A_1109 = arith.addi %xor3A_1103, %add3A_1108 : vector<16xi32>
    %select_n3A_1110 = arith.select %lt3A_1106, %add3A_1109, %xor3A_1103 : vector<16xi1>, vector<16xi32>
    %broadcast_in_dim3A_1111 = vector.shape_cast %select_n3A_1110 : vector<16xi32> to vector<16x1xi32>
    %gather3A_1112 = vector.shape_cast %broadcast_in_dim3A_1111 : vector<16x1xi32> to vector<16xi32>
    %gather3A_1113 = tpu.dynamic_gather %max3A_1100[%gather3A_1112] in [0] : vector<16xf32>, vector<16xi32> -> vector<16xf32>
    %max3A_1114 = arith.maximumf %max3A_1100, %gather3A_1113 : vector<16xf32>
    %xor3A_1115 = arith.constant 2 : i32
    %xor3A_1116 = vector.broadcast %xor3A_1115 : i32 to vector<16xi32>
    %xor3A_1117 = arith.xori %iota3A, %xor3A_1116 : vector<16xi32>
    %lt3A_1118 = arith.constant 0 : i32
    %lt3A_1119 = vector.broadcast %lt3A_1118 : i32 to vector<16xi32>
    %lt3A_1120 = arith.cmpi slt, %xor3A_1117, %lt3A_1119 : vector<16xi32>
    %add3A_1121 = arith.constant 16 : i32
    %add3A_1122 = vector.broadcast %add3A_1121 : i32 to vector<16xi32>
    %add3A_1123 = arith.addi %xor3A_1117, %add3A_1122 : vector<16xi32>
    %select_n3A_1124 = arith.select %lt3A_1120, %add3A_1123, %xor3A_1117 : vector<16xi1>, vector<16xi32>
    %broadcast_in_dim3A_1125 = vector.shape_cast %select_n3A_1124 : vector<16xi32> to vector<16x1xi32>
    %gather3A_1126 = vector.shape_cast %broadcast_in_dim3A_1125 : vector<16x1xi32> to vector<16xi32>
    %gather3A_1127 = tpu.dynamic_gather %max3A_1114[%gather3A_1126] in [0] : vector<16xf32>, vector<16xi32> -> vector<16xf32>
    %max3A_1128 = arith.maximumf %max3A_1114, %gather3A_1127 : vector<16xf32>
    %xor3A_1129 = arith.constant 1 : i32
    %xor3A_1130 = vector.broadcast %xor3A_1129 : i32 to vector<16xi32>
    %xor3A_1131 = arith.xori %iota3A, %xor3A_1130 : vector<16xi32>
    %lt3A_1132 = arith.constant 0 : i32
    %lt3A_1133 = vector.broadcast %lt3A_1132 : i32 to vector<16xi32>
    %lt3A_1134 = arith.cmpi slt, %xor3A_1131, %lt3A_1133 : vector<16xi32>
    %add3A_1135 = arith.constant 16 : i32
    %add3A_1136 = vector.broadcast %add3A_1135 : i32 to vector<16xi32>
    %add3A_1137 = arith.addi %xor3A_1131, %add3A_1136 : vector<16xi32>
    %select_n3A_1138 = arith.select %lt3A_1134, %add3A_1137, %xor3A_1131 : vector<16xi1>, vector<16xi32>
    %broadcast_in_dim3A_1139 = vector.shape_cast %select_n3A_1138 : vector<16xi32> to vector<16x1xi32>
    %gather3A_1140 = vector.shape_cast %broadcast_in_dim3A_1139 : vector<16x1xi32> to vector<16xi32>
    %gather3A_1141 = tpu.dynamic_gather %max3A_1128[%gather3A_1140] in [0] : vector<16xf32>, vector<16xi32> -> vector<16xf32>
    %max3A_1142 = arith.maximumf %max3A_1128, %gather3A_1141 : vector<16xf32>
    %eq3A_1143 = arith.cmpf oeq, %parallel_loop3A_126#6, %max3A_1142 : vector<16xf32>
    %select_n3A_1144 = arith.select %eq3A_1143, %iota3A, %broadcast_in_dim3A_132 : vector<16xi1>, vector<16xi32>
    %xor3A_1145 = arith.constant 8 : i32
    %xor3A_1146 = vector.broadcast %xor3A_1145 : i32 to vector<16xi32>
    %xor3A_1147 = arith.xori %iota3A, %xor3A_1146 : vector<16xi32>
    %lt3A_1148 = arith.constant 0 : i32
    %lt3A_1149 = vector.broadcast %lt3A_1148 : i32 to vector<16xi32>
    %lt3A_1150 = arith.cmpi slt, %xor3A_1147, %lt3A_1149 : vector<16xi32>
    %add3A_1151 = arith.constant 16 : i32
    %add3A_1152 = vector.broadcast %add3A_1151 : i32 to vector<16xi32>
    %add3A_1153 = arith.addi %xor3A_1147, %add3A_1152 : vector<16xi32>
    %select_n3A_1154 = arith.select %lt3A_1150, %add3A_1153, %xor3A_1147 : vector<16xi1>, vector<16xi32>
    %broadcast_in_dim3A_1155 = vector.shape_cast %select_n3A_1154 : vector<16xi32> to vector<16x1xi32>
    %gather3A_1156 = vector.shape_cast %broadcast_in_dim3A_1155 : vector<16x1xi32> to vector<16xi32>
    %gather3A_1157 = tpu.dynamic_gather %select_n3A_1144[%gather3A_1156] in [0] : vector<16xi32>, vector<16xi32> -> vector<16xi32>
    %min3A_1158 = arith.minsi %select_n3A_1144, %gather3A_1157 : vector<16xi32>
    %xor3A_1159 = arith.constant 4 : i32
    %xor3A_1160 = vector.broadcast %xor3A_1159 : i32 to vector<16xi32>
    %xor3A_1161 = arith.xori %iota3A, %xor3A_1160 : vector<16xi32>
    %lt3A_1162 = arith.constant 0 : i32
    %lt3A_1163 = vector.broadcast %lt3A_1162 : i32 to vector<16xi32>
    %lt3A_1164 = arith.cmpi slt, %xor3A_1161, %lt3A_1163 : vector<16xi32>
    %add3A_1165 = arith.constant 16 : i32
    %add3A_1166 = vector.broadcast %add3A_1165 : i32 to vector<16xi32>
    %add3A_1167 = arith.addi %xor3A_1161, %add3A_1166 : vector<16xi32>
    %select_n3A_1168 = arith.select %lt3A_1164, %add3A_1167, %xor3A_1161 : vector<16xi1>, vector<16xi32>
    %broadcast_in_dim3A_1169 = vector.shape_cast %select_n3A_1168 : vector<16xi32> to vector<16x1xi32>
    %gather3A_1170 = vector.shape_cast %broadcast_in_dim3A_1169 : vector<16x1xi32> to vector<16xi32>
    %gather3A_1171 = tpu.dynamic_gather %min3A_1158[%gather3A_1170] in [0] : vector<16xi32>, vector<16xi32> -> vector<16xi32>
    %min3A_1172 = arith.minsi %min3A_1158, %gather3A_1171 : vector<16xi32>
    %xor3A_1173 = arith.constant 2 : i32
    %xor3A_1174 = vector.broadcast %xor3A_1173 : i32 to vector<16xi32>
    %xor3A_1175 = arith.xori %iota3A, %xor3A_1174 : vector<16xi32>
    %lt3A_1176 = arith.constant 0 : i32
    %lt3A_1177 = vector.broadcast %lt3A_1176 : i32 to vector<16xi32>
    %lt3A_1178 = arith.cmpi slt, %xor3A_1175, %lt3A_1177 : vector<16xi32>
    %add3A_1179 = arith.constant 16 : i32
    %add3A_1180 = vector.broadcast %add3A_1179 : i32 to vector<16xi32>
    %add3A_1181 = arith.addi %xor3A_1175, %add3A_1180 : vector<16xi32>
    %select_n3A_1182 = arith.select %lt3A_1178, %add3A_1181, %xor3A_1175 : vector<16xi1>, vector<16xi32>
    %broadcast_in_dim3A_1183 = vector.shape_cast %select_n3A_1182 : vector<16xi32> to vector<16x1xi32>
    %gather3A_1184 = vector.shape_cast %broadcast_in_dim3A_1183 : vector<16x1xi32> to vector<16xi32>
    %gather3A_1185 = tpu.dynamic_gather %min3A_1172[%gather3A_1184] in [0] : vector<16xi32>, vector<16xi32> -> vector<16xi32>
    %min3A_1186 = arith.minsi %min3A_1172, %gather3A_1185 : vector<16xi32>
    %xor3A_1187 = arith.constant 1 : i32
    %xor3A_1188 = vector.broadcast %xor3A_1187 : i32 to vector<16xi32>
    %xor3A_1189 = arith.xori %iota3A, %xor3A_1188 : vector<16xi32>
    %lt3A_1190 = arith.constant 0 : i32
    %lt3A_1191 = vector.broadcast %lt3A_1190 : i32 to vector<16xi32>
    %lt3A_1192 = arith.cmpi slt, %xor3A_1189, %lt3A_1191 : vector<16xi32>
    %add3A_1193 = arith.constant 16 : i32
    %add3A_1194 = vector.broadcast %add3A_1193 : i32 to vector<16xi32>
    %add3A_1195 = arith.addi %xor3A_1189, %add3A_1194 : vector<16xi32>
    %select_n3A_1196 = arith.select %lt3A_1192, %add3A_1195, %xor3A_1189 : vector<16xi1>, vector<16xi32>
    %broadcast_in_dim3A_1197 = vector.shape_cast %select_n3A_1196 : vector<16xi32> to vector<16x1xi32>
    %gather3A_1198 = vector.shape_cast %broadcast_in_dim3A_1197 : vector<16x1xi32> to vector<16xi32>
    %gather3A_1199 = tpu.dynamic_gather %min3A_1186[%gather3A_1198] in [0] : vector<16xi32>, vector<16xi32> -> vector<16xi32>
    %min3A_1200 = arith.minsi %min3A_1186, %gather3A_1199 : vector<16xi32>
    %eq3A_1201 = arith.cmpi eq, %iota3A, %min3A_1200 : vector<16xi32>
    %select_n3A_1202 = arith.select %eq3A_1201, %parallel_loop3A_126#7, %parallel_loop3A_126#6 : vector<16xi1>, vector<16xf32>
    %select_n3A_1203 = arith.select %eq3A_1201, %parallel_loop3A_126#8, %parallel_loop3A_126#7 : vector<16xi1>, vector<16xf32>
    %broadcast_in_dim3A_1204 = arith.constant -3.000000e+38 : f32
    %broadcast_in_dim3A_1205 = vector.broadcast %broadcast_in_dim3A_1204 : f32 to vector<16xf32>
    %select_n3A_1206 = arith.select %eq3A_1201, %broadcast_in_dim3A_1205, %parallel_loop3A_126#8 : vector<16xi1>, vector<16xf32>
    %xor3A_1207 = arith.constant 8 : i32
    %xor3A_1208 = vector.broadcast %xor3A_1207 : i32 to vector<16xi32>
    %xor3A_1209 = arith.xori %iota3A, %xor3A_1208 : vector<16xi32>
    %lt3A_1210 = arith.constant 0 : i32
    %lt3A_1211 = vector.broadcast %lt3A_1210 : i32 to vector<16xi32>
    %lt3A_1212 = arith.cmpi slt, %xor3A_1209, %lt3A_1211 : vector<16xi32>
    %add3A_1213 = arith.constant 16 : i32
    %add3A_1214 = vector.broadcast %add3A_1213 : i32 to vector<16xi32>
    %add3A_1215 = arith.addi %xor3A_1209, %add3A_1214 : vector<16xi32>
    %select_n3A_1216 = arith.select %lt3A_1212, %add3A_1215, %xor3A_1209 : vector<16xi1>, vector<16xi32>
    %broadcast_in_dim3A_1217 = vector.shape_cast %select_n3A_1216 : vector<16xi32> to vector<16x1xi32>
    %gather3A_1218 = vector.shape_cast %broadcast_in_dim3A_1217 : vector<16x1xi32> to vector<16xi32>
    %gather3A_1219 = tpu.dynamic_gather %select_n3A_1202[%gather3A_1218] in [0] : vector<16xf32>, vector<16xi32> -> vector<16xf32>
    %max3A_1220 = arith.maximumf %select_n3A_1202, %gather3A_1219 : vector<16xf32>
    %xor3A_1221 = arith.constant 4 : i32
    %xor3A_1222 = vector.broadcast %xor3A_1221 : i32 to vector<16xi32>
    %xor3A_1223 = arith.xori %iota3A, %xor3A_1222 : vector<16xi32>
    %lt3A_1224 = arith.constant 0 : i32
    %lt3A_1225 = vector.broadcast %lt3A_1224 : i32 to vector<16xi32>
    %lt3A_1226 = arith.cmpi slt, %xor3A_1223, %lt3A_1225 : vector<16xi32>
    %add3A_1227 = arith.constant 16 : i32
    %add3A_1228 = vector.broadcast %add3A_1227 : i32 to vector<16xi32>
    %add3A_1229 = arith.addi %xor3A_1223, %add3A_1228 : vector<16xi32>
    %select_n3A_1230 = arith.select %lt3A_1226, %add3A_1229, %xor3A_1223 : vector<16xi1>, vector<16xi32>
    %broadcast_in_dim3A_1231 = vector.shape_cast %select_n3A_1230 : vector<16xi32> to vector<16x1xi32>
    %gather3A_1232 = vector.shape_cast %broadcast_in_dim3A_1231 : vector<16x1xi32> to vector<16xi32>
    %gather3A_1233 = tpu.dynamic_gather %max3A_1220[%gather3A_1232] in [0] : vector<16xf32>, vector<16xi32> -> vector<16xf32>
    %max3A_1234 = arith.maximumf %max3A_1220, %gather3A_1233 : vector<16xf32>
    %xor3A_1235 = arith.constant 2 : i32
    %xor3A_1236 = vector.broadcast %xor3A_1235 : i32 to vector<16xi32>
    %xor3A_1237 = arith.xori %iota3A, %xor3A_1236 : vector<16xi32>
    %lt3A_1238 = arith.constant 0 : i32
    %lt3A_1239 = vector.broadcast %lt3A_1238 : i32 to vector<16xi32>
    %lt3A_1240 = arith.cmpi slt, %xor3A_1237, %lt3A_1239 : vector<16xi32>
    %add3A_1241 = arith.constant 16 : i32
    %add3A_1242 = vector.broadcast %add3A_1241 : i32 to vector<16xi32>
    %add3A_1243 = arith.addi %xor3A_1237, %add3A_1242 : vector<16xi32>
    %select_n3A_1244 = arith.select %lt3A_1240, %add3A_1243, %xor3A_1237 : vector<16xi1>, vector<16xi32>
    %broadcast_in_dim3A_1245 = vector.shape_cast %select_n3A_1244 : vector<16xi32> to vector<16x1xi32>
    %gather3A_1246 = vector.shape_cast %broadcast_in_dim3A_1245 : vector<16x1xi32> to vector<16xi32>
    %gather3A_1247 = tpu.dynamic_gather %max3A_1234[%gather3A_1246] in [0] : vector<16xf32>, vector<16xi32> -> vector<16xf32>
    %max3A_1248 = arith.maximumf %max3A_1234, %gather3A_1247 : vector<16xf32>
    %xor3A_1249 = arith.constant 1 : i32
    %xor3A_1250 = vector.broadcast %xor3A_1249 : i32 to vector<16xi32>
    %xor3A_1251 = arith.xori %iota3A, %xor3A_1250 : vector<16xi32>
    %lt3A_1252 = arith.constant 0 : i32
    %lt3A_1253 = vector.broadcast %lt3A_1252 : i32 to vector<16xi32>
    %lt3A_1254 = arith.cmpi slt, %xor3A_1251, %lt3A_1253 : vector<16xi32>
    %add3A_1255 = arith.constant 16 : i32
    %add3A_1256 = vector.broadcast %add3A_1255 : i32 to vector<16xi32>
    %add3A_1257 = arith.addi %xor3A_1251, %add3A_1256 : vector<16xi32>
    %select_n3A_1258 = arith.select %lt3A_1254, %add3A_1257, %xor3A_1251 : vector<16xi1>, vector<16xi32>
    %broadcast_in_dim3A_1259 = vector.shape_cast %select_n3A_1258 : vector<16xi32> to vector<16x1xi32>
    %gather3A_1260 = vector.shape_cast %broadcast_in_dim3A_1259 : vector<16x1xi32> to vector<16xi32>
    %gather3A_1261 = tpu.dynamic_gather %max3A_1248[%gather3A_1260] in [0] : vector<16xf32>, vector<16xi32> -> vector<16xf32>
    %max3A_1262 = arith.maximumf %max3A_1248, %gather3A_1261 : vector<16xf32>
    %eq3A_1263 = arith.cmpf oeq, %select_n3A_1202, %max3A_1262 : vector<16xf32>
    %select_n3A_1264 = arith.select %eq3A_1263, %iota3A, %broadcast_in_dim3A_132 : vector<16xi1>, vector<16xi32>
    %xor3A_1265 = arith.constant 8 : i32
    %xor3A_1266 = vector.broadcast %xor3A_1265 : i32 to vector<16xi32>
    %xor3A_1267 = arith.xori %iota3A, %xor3A_1266 : vector<16xi32>
    %lt3A_1268 = arith.constant 0 : i32
    %lt3A_1269 = vector.broadcast %lt3A_1268 : i32 to vector<16xi32>
    %lt3A_1270 = arith.cmpi slt, %xor3A_1267, %lt3A_1269 : vector<16xi32>
    %add3A_1271 = arith.constant 16 : i32
    %add3A_1272 = vector.broadcast %add3A_1271 : i32 to vector<16xi32>
    %add3A_1273 = arith.addi %xor3A_1267, %add3A_1272 : vector<16xi32>
    %select_n3A_1274 = arith.select %lt3A_1270, %add3A_1273, %xor3A_1267 : vector<16xi1>, vector<16xi32>
    %broadcast_in_dim3A_1275 = vector.shape_cast %select_n3A_1274 : vector<16xi32> to vector<16x1xi32>
    %gather3A_1276 = vector.shape_cast %broadcast_in_dim3A_1275 : vector<16x1xi32> to vector<16xi32>
    %gather3A_1277 = tpu.dynamic_gather %select_n3A_1264[%gather3A_1276] in [0] : vector<16xi32>, vector<16xi32> -> vector<16xi32>
    %min3A_1278 = arith.minsi %select_n3A_1264, %gather3A_1277 : vector<16xi32>
    %xor3A_1279 = arith.constant 4 : i32
    %xor3A_1280 = vector.broadcast %xor3A_1279 : i32 to vector<16xi32>
    %xor3A_1281 = arith.xori %iota3A, %xor3A_1280 : vector<16xi32>
    %lt3A_1282 = arith.constant 0 : i32
    %lt3A_1283 = vector.broadcast %lt3A_1282 : i32 to vector<16xi32>
    %lt3A_1284 = arith.cmpi slt, %xor3A_1281, %lt3A_1283 : vector<16xi32>
    %add3A_1285 = arith.constant 16 : i32
    %add3A_1286 = vector.broadcast %add3A_1285 : i32 to vector<16xi32>
    %add3A_1287 = arith.addi %xor3A_1281, %add3A_1286 : vector<16xi32>
    %select_n3A_1288 = arith.select %lt3A_1284, %add3A_1287, %xor3A_1281 : vector<16xi1>, vector<16xi32>
    %broadcast_in_dim3A_1289 = vector.shape_cast %select_n3A_1288 : vector<16xi32> to vector<16x1xi32>
    %gather3A_1290 = vector.shape_cast %broadcast_in_dim3A_1289 : vector<16x1xi32> to vector<16xi32>
    %gather3A_1291 = tpu.dynamic_gather %min3A_1278[%gather3A_1290] in [0] : vector<16xi32>, vector<16xi32> -> vector<16xi32>
    %min3A_1292 = arith.minsi %min3A_1278, %gather3A_1291 : vector<16xi32>
    %xor3A_1293 = arith.constant 2 : i32
    %xor3A_1294 = vector.broadcast %xor3A_1293 : i32 to vector<16xi32>
    %xor3A_1295 = arith.xori %iota3A, %xor3A_1294 : vector<16xi32>
    %lt3A_1296 = arith.constant 0 : i32
    %lt3A_1297 = vector.broadcast %lt3A_1296 : i32 to vector<16xi32>
    %lt3A_1298 = arith.cmpi slt, %xor3A_1295, %lt3A_1297 : vector<16xi32>
    %add3A_1299 = arith.constant 16 : i32
    %add3A_1300 = vector.broadcast %add3A_1299 : i32 to vector<16xi32>
    %add3A_1301 = arith.addi %xor3A_1295, %add3A_1300 : vector<16xi32>
    %select_n3A_1302 = arith.select %lt3A_1298, %add3A_1301, %xor3A_1295 : vector<16xi1>, vector<16xi32>
    %broadcast_in_dim3A_1303 = vector.shape_cast %select_n3A_1302 : vector<16xi32> to vector<16x1xi32>
    %gather3A_1304 = vector.shape_cast %broadcast_in_dim3A_1303 : vector<16x1xi32> to vector<16xi32>
    %gather3A_1305 = tpu.dynamic_gather %min3A_1292[%gather3A_1304] in [0] : vector<16xi32>, vector<16xi32> -> vector<16xi32>
    %min3A_1306 = arith.minsi %min3A_1292, %gather3A_1305 : vector<16xi32>
    %xor3A_1307 = arith.constant 1 : i32
    %xor3A_1308 = vector.broadcast %xor3A_1307 : i32 to vector<16xi32>
    %xor3A_1309 = arith.xori %iota3A, %xor3A_1308 : vector<16xi32>
    %lt3A_1310 = arith.constant 0 : i32
    %lt3A_1311 = vector.broadcast %lt3A_1310 : i32 to vector<16xi32>
    %lt3A_1312 = arith.cmpi slt, %xor3A_1309, %lt3A_1311 : vector<16xi32>
    %add3A_1313 = arith.constant 16 : i32
    %add3A_1314 = vector.broadcast %add3A_1313 : i32 to vector<16xi32>
    %add3A_1315 = arith.addi %xor3A_1309, %add3A_1314 : vector<16xi32>
    %select_n3A_1316 = arith.select %lt3A_1312, %add3A_1315, %xor3A_1309 : vector<16xi1>, vector<16xi32>
    %broadcast_in_dim3A_1317 = vector.shape_cast %select_n3A_1316 : vector<16xi32> to vector<16x1xi32>
    %gather3A_1318 = vector.shape_cast %broadcast_in_dim3A_1317 : vector<16x1xi32> to vector<16xi32>
    %gather3A_1319 = tpu.dynamic_gather %min3A_1306[%gather3A_1318] in [0] : vector<16xi32>, vector<16xi32> -> vector<16xi32>
    %min3A_1320 = arith.minsi %min3A_1306, %gather3A_1319 : vector<16xi32>
    %eq3A_1321 = arith.cmpi eq, %iota3A, %min3A_1320 : vector<16xi32>
    %select_n3A_1322 = arith.select %eq3A_1321, %select_n3A_1203, %select_n3A_1202 : vector<16xi1>, vector<16xf32>
    %select_n3A_1323 = arith.select %eq3A_1321, %select_n3A_1206, %select_n3A_1203 : vector<16xi1>, vector<16xf32>
    %broadcast_in_dim3A_1324 = arith.constant -3.000000e+38 : f32
    %broadcast_in_dim3A_1325 = vector.broadcast %broadcast_in_dim3A_1324 : f32 to vector<16xf32>
    %select_n3A_1326 = arith.select %eq3A_1321, %broadcast_in_dim3A_1325, %select_n3A_1206 : vector<16xi1>, vector<16xf32>
    %xor3A_1327 = arith.constant 8 : i32
    %xor3A_1328 = vector.broadcast %xor3A_1327 : i32 to vector<16xi32>
    %xor3A_1329 = arith.xori %iota3A, %xor3A_1328 : vector<16xi32>
    %lt3A_1330 = arith.constant 0 : i32
    %lt3A_1331 = vector.broadcast %lt3A_1330 : i32 to vector<16xi32>
    %lt3A_1332 = arith.cmpi slt, %xor3A_1329, %lt3A_1331 : vector<16xi32>
    %add3A_1333 = arith.constant 16 : i32
    %add3A_1334 = vector.broadcast %add3A_1333 : i32 to vector<16xi32>
    %add3A_1335 = arith.addi %xor3A_1329, %add3A_1334 : vector<16xi32>
    %select_n3A_1336 = arith.select %lt3A_1332, %add3A_1335, %xor3A_1329 : vector<16xi1>, vector<16xi32>
    %broadcast_in_dim3A_1337 = vector.shape_cast %select_n3A_1336 : vector<16xi32> to vector<16x1xi32>
    %gather3A_1338 = vector.shape_cast %broadcast_in_dim3A_1337 : vector<16x1xi32> to vector<16xi32>
    %gather3A_1339 = tpu.dynamic_gather %select_n3A_1322[%gather3A_1338] in [0] : vector<16xf32>, vector<16xi32> -> vector<16xf32>
    %max3A_1340 = arith.maximumf %select_n3A_1322, %gather3A_1339 : vector<16xf32>
    %xor3A_1341 = arith.constant 4 : i32
    %xor3A_1342 = vector.broadcast %xor3A_1341 : i32 to vector<16xi32>
    %xor3A_1343 = arith.xori %iota3A, %xor3A_1342 : vector<16xi32>
    %lt3A_1344 = arith.constant 0 : i32
    %lt3A_1345 = vector.broadcast %lt3A_1344 : i32 to vector<16xi32>
    %lt3A_1346 = arith.cmpi slt, %xor3A_1343, %lt3A_1345 : vector<16xi32>
    %add3A_1347 = arith.constant 16 : i32
    %add3A_1348 = vector.broadcast %add3A_1347 : i32 to vector<16xi32>
    %add3A_1349 = arith.addi %xor3A_1343, %add3A_1348 : vector<16xi32>
    %select_n3A_1350 = arith.select %lt3A_1346, %add3A_1349, %xor3A_1343 : vector<16xi1>, vector<16xi32>
    %broadcast_in_dim3A_1351 = vector.shape_cast %select_n3A_1350 : vector<16xi32> to vector<16x1xi32>
    %gather3A_1352 = vector.shape_cast %broadcast_in_dim3A_1351 : vector<16x1xi32> to vector<16xi32>
    %gather3A_1353 = tpu.dynamic_gather %max3A_1340[%gather3A_1352] in [0] : vector<16xf32>, vector<16xi32> -> vector<16xf32>
    %max3A_1354 = arith.maximumf %max3A_1340, %gather3A_1353 : vector<16xf32>
    %xor3A_1355 = arith.constant 2 : i32
    %xor3A_1356 = vector.broadcast %xor3A_1355 : i32 to vector<16xi32>
    %xor3A_1357 = arith.xori %iota3A, %xor3A_1356 : vector<16xi32>
    %lt3A_1358 = arith.constant 0 : i32
    %lt3A_1359 = vector.broadcast %lt3A_1358 : i32 to vector<16xi32>
    %lt3A_1360 = arith.cmpi slt, %xor3A_1357, %lt3A_1359 : vector<16xi32>
    %add3A_1361 = arith.constant 16 : i32
    %add3A_1362 = vector.broadcast %add3A_1361 : i32 to vector<16xi32>
    %add3A_1363 = arith.addi %xor3A_1357, %add3A_1362 : vector<16xi32>
    %select_n3A_1364 = arith.select %lt3A_1360, %add3A_1363, %xor3A_1357 : vector<16xi1>, vector<16xi32>
    %broadcast_in_dim3A_1365 = vector.shape_cast %select_n3A_1364 : vector<16xi32> to vector<16x1xi32>
    %gather3A_1366 = vector.shape_cast %broadcast_in_dim3A_1365 : vector<16x1xi32> to vector<16xi32>
    %gather3A_1367 = tpu.dynamic_gather %max3A_1354[%gather3A_1366] in [0] : vector<16xf32>, vector<16xi32> -> vector<16xf32>
    %max3A_1368 = arith.maximumf %max3A_1354, %gather3A_1367 : vector<16xf32>
    %xor3A_1369 = arith.constant 1 : i32
    %xor3A_1370 = vector.broadcast %xor3A_1369 : i32 to vector<16xi32>
    %xor3A_1371 = arith.xori %iota3A, %xor3A_1370 : vector<16xi32>
    %lt3A_1372 = arith.constant 0 : i32
    %lt3A_1373 = vector.broadcast %lt3A_1372 : i32 to vector<16xi32>
    %lt3A_1374 = arith.cmpi slt, %xor3A_1371, %lt3A_1373 : vector<16xi32>
    %add3A_1375 = arith.constant 16 : i32
    %add3A_1376 = vector.broadcast %add3A_1375 : i32 to vector<16xi32>
    %add3A_1377 = arith.addi %xor3A_1371, %add3A_1376 : vector<16xi32>
    %select_n3A_1378 = arith.select %lt3A_1374, %add3A_1377, %xor3A_1371 : vector<16xi1>, vector<16xi32>
    %broadcast_in_dim3A_1379 = vector.shape_cast %select_n3A_1378 : vector<16xi32> to vector<16x1xi32>
    %gather3A_1380 = vector.shape_cast %broadcast_in_dim3A_1379 : vector<16x1xi32> to vector<16xi32>
    %gather3A_1381 = tpu.dynamic_gather %max3A_1368[%gather3A_1380] in [0] : vector<16xf32>, vector<16xi32> -> vector<16xf32>
    %max3A_1382 = arith.maximumf %max3A_1368, %gather3A_1381 : vector<16xf32>
    %eq3A_1383 = arith.constant 0 : i32
    %eq3A_1384 = vector.broadcast %eq3A_1383 : i32 to vector<16xi32>
    %eq3A_1385 = arith.cmpi eq, %iota3A, %eq3A_1384 : vector<16xi32>
    %eq3A_1386 = arith.constant 1 : i32
    %eq3A_1387 = vector.broadcast %eq3A_1386 : i32 to vector<16xi32>
    %eq3A_1388 = arith.cmpi eq, %iota3A, %eq3A_1387 : vector<16xi32>
    %eq3A_1389 = arith.constant 2 : i32
    %eq3A_1390 = vector.broadcast %eq3A_1389 : i32 to vector<16xi32>
    %eq3A_1391 = arith.cmpi eq, %iota3A, %eq3A_1390 : vector<16xi32>
    %eq3A_1392 = arith.constant 3 : i32
    %eq3A_1393 = vector.broadcast %eq3A_1392 : i32 to vector<16xi32>
    %eq3A_1394 = arith.cmpi eq, %iota3A, %eq3A_1393 : vector<16xi32>
    %select_n3A_1395 = arith.select %eq3A_1394, %add3A_1086, %broadcast_in_dim3A_134 : vector<16xi1>, vector<16xf32>
    %select_n3A_1396 = arith.select %eq3A_1391, %max3A_1382, %select_n3A_1395 : vector<16xi1>, vector<16xf32>
    %select_n3A_1397 = arith.select %eq3A_1388, %max3A_1262, %select_n3A_1396 : vector<16xi1>, vector<16xf32>
    %select_n3A_1398 = arith.select %eq3A_1385, %max3A_1142, %select_n3A_1397 : vector<16xi1>, vector<16xf32>
    %swap3A_1399 = arith.constant 2 : i32
    %swap3A_1400 = arith.index_cast %swap3A_1399 : i32 to index
    %swap3A_1401 = arith.constant 0 : index
    %swap3A_1402 = tpu.vector_load %arg10[%swap3A_1400, %swap3A_1401] {strides = array<i32>} : memref<4x16xf32, #tpu.memory_space<vmem>>, vector<1x16xf32>,
    %swap3A_1403 = vector.shape_cast %swap3A_1402 : vector<1x16xf32> to vector<16xf32>
    %swap3A_1404 = vector.shape_cast %select_n3A_1398 : vector<16xf32> to vector<1x16xf32>
    tpu.vector_store %arg10[%swap3A_1400, %swap3A_1401], %swap3A_1404 {strides = array<i32>} : memref<4x16xf32, #tpu.memory_space<vmem>>, vector<1x16xf32>,
    %jit3A_1405 = arith.constant 16 : i32
    %div3A_1406 = arith.divsi %mul3A_2, %jit3A_1405 : i32
    %sign3A_1407 = arith.constant 0 : i32
    %sign3A_1408 = arith.cmpi sgt, %mul3A_2, %sign3A_1407 : i32
    %sign3A_1409 = arith.extui %sign3A_1408 : i1 to i32
    %sign3A_1410 = arith.constant 0 : i32
    %sign3A_1411 = arith.cmpi slt, %mul3A_2, %sign3A_1410 : i32
    %sign3A_1412 = arith.extui %sign3A_1411 : i1 to i32
    %sign3A_1413 = arith.subi %sign3A_1409, %sign3A_1412 : i32
    %sign3A_1414 = arith.constant 0 : i32
    %sign3A_1415 = arith.cmpi sgt, %jit3A_1405, %sign3A_1414 : i32
    %sign3A_1416 = arith.extui %sign3A_1415 : i1 to i32
    %sign3A_1417 = arith.constant 0 : i32
    %sign3A_1418 = arith.cmpi slt, %jit3A_1405, %sign3A_1417 : i32
    %sign3A_1419 = arith.extui %sign3A_1418 : i1 to i32
    %sign3A_1420 = arith.subi %sign3A_1416, %sign3A_1419 : i32
    %ne3A_1421 = arith.cmpi ne, %sign3A_1413, %sign3A_1420 : i32
    %rem3A_1422 = arith.remsi %mul3A_2, %jit3A_1405 : i32
    %ne3A_1423 = arith.constant 0 : i32
    %ne3A_1424 = arith.cmpi ne, %rem3A_1422, %ne3A_1423 : i32
    %and3A_1425 = arith.andi %ne3A_1421, %ne3A_1424 : i1
    %sub3A_1426 = arith.constant 1 : i32
    %sub3A_1427 = arith.subi %div3A_1406, %sub3A_1426 : i32
    %select_n3A_1428 = arith.select %and3A_1425, %sub3A_1427, %div3A_1406 : i32
    %mul3A_1429 = arith.constant 16 : i32
    %mul3A_1430 = arith.muli %select_n3A_1428, %mul3A_1429 : i32
    %multiple_of3A_1431 = tpu.assume_multiple %mul3A_1430, 16 : i32
    %get3A_1432 = arith.constant 3 : i32
    %get3A_1433 = arith.index_cast %get3A_1432 : i32 to index
    %get3A_1434 = arith.index_cast %multiple_of3A_1431 : i32 to index
    %get3A_1435 = tpu.vector_load %arg9[%get3A_1433, %get3A_1434] {strides = array<i32>} : memref<4x128xf32, #tpu.memory_space<vmem>>, vector<1x16xf32>,
    %get3A_1436 = vector.shape_cast %get3A_1435 : vector<1x16xf32> to vector<16xf32>
    %add3A_1437 = arith.constant 3 : i32
    %add3A_1438 = arith.addi %mul3A_2, %add3A_1437 : i32
    %jit3A_1439 = arith.constant 16 : i32
    %eq3A_1440 = arith.constant 0 : i32
    %eq3A_1441 = arith.cmpi eq, %jit3A_1439, %eq3A_1440 : i32
    %jit3A_1442 = arith.constant 1 : i32
    %select_n3A_1443 = arith.select %eq3A_1441, %jit3A_1442, %jit3A_1439 : i32
    %rem3A_1444 = arith.remsi %add3A_1438, %select_n3A_1443 : i32
    %ne3A_1445 = arith.constant 0 : i32
    %ne3A_1446 = arith.cmpi ne, %rem3A_1444, %ne3A_1445 : i32
    %lt3A_1447 = arith.constant 0 : i32
    %lt3A_1448 = arith.cmpi slt, %rem3A_1444, %lt3A_1447 : i32
    %lt3A_1449 = arith.constant 0 : i32
    %lt3A_1450 = arith.cmpi slt, %select_n3A_1443, %lt3A_1449 : i32
    %ne3A_1451 = arith.xori %lt3A_1448, %lt3A_1450 : i1
    %and3A_1452 = arith.andi %ne3A_1451, %ne3A_1446 : i1
    %add3A_1453 = arith.addi %rem3A_1444, %select_n3A_1443 : i32
    %select_n3A_1454 = arith.select %and3A_1452, %add3A_1453, %rem3A_1444 : i32
    %eq3A_1455 = vector.broadcast %select_n3A_1454 : i32 to vector<16xi32>
    %eq3A_1456 = arith.cmpi eq, %iota3A, %eq3A_1455 : vector<16xi32>
    %jit3A_1457 = arith.constant 0.000000e+00 : f32
    %broadcast_in_dim3A_1458 = vector.broadcast %jit3A_1457 : f32 to vector<16xf32>
    %select_n3A_1459 = arith.select %eq3A_1456, %get3A_1436, %broadcast_in_dim3A_1458 : vector<16xi1>, vector<16xf32>
    %xor3A_1460 = arith.constant 8 : i32
    %xor3A_1461 = vector.broadcast %xor3A_1460 : i32 to vector<16xi32>
    %xor3A_1462 = arith.xori %iota3A, %xor3A_1461 : vector<16xi32>
    %lt3A_1463 = arith.constant 0 : i32
    %lt3A_1464 = vector.broadcast %lt3A_1463 : i32 to vector<16xi32>
    %lt3A_1465 = arith.cmpi slt, %xor3A_1462, %lt3A_1464 : vector<16xi32>
    %add3A_1466 = arith.constant 16 : i32
    %add3A_1467 = vector.broadcast %add3A_1466 : i32 to vector<16xi32>
    %add3A_1468 = arith.addi %xor3A_1462, %add3A_1467 : vector<16xi32>
    %select_n3A_1469 = arith.select %lt3A_1465, %add3A_1468, %xor3A_1462 : vector<16xi1>, vector<16xi32>
    %broadcast_in_dim3A_1470 = vector.shape_cast %select_n3A_1469 : vector<16xi32> to vector<16x1xi32>
    %gather3A_1471 = vector.shape_cast %broadcast_in_dim3A_1470 : vector<16x1xi32> to vector<16xi32>
    %gather3A_1472 = tpu.dynamic_gather %select_n3A_1459[%gather3A_1471] in [0] : vector<16xf32>, vector<16xi32> -> vector<16xf32>
    %add3A_1473 = arith.addf %select_n3A_1459, %gather3A_1472 : vector<16xf32>
    %xor3A_1474 = arith.constant 4 : i32
    %xor3A_1475 = vector.broadcast %xor3A_1474 : i32 to vector<16xi32>
    %xor3A_1476 = arith.xori %iota3A, %xor3A_1475 : vector<16xi32>
    %lt3A_1477 = arith.constant 0 : i32
    %lt3A_1478 = vector.broadcast %lt3A_1477 : i32 to vector<16xi32>
    %lt3A_1479 = arith.cmpi slt, %xor3A_1476, %lt3A_1478 : vector<16xi32>
    %add3A_1480 = arith.constant 16 : i32
    %add3A_1481 = vector.broadcast %add3A_1480 : i32 to vector<16xi32>
    %add3A_1482 = arith.addi %xor3A_1476, %add3A_1481 : vector<16xi32>
    %select_n3A_1483 = arith.select %lt3A_1479, %add3A_1482, %xor3A_1476 : vector<16xi1>, vector<16xi32>
    %broadcast_in_dim3A_1484 = vector.shape_cast %select_n3A_1483 : vector<16xi32> to vector<16x1xi32>
    %gather3A_1485 = vector.shape_cast %broadcast_in_dim3A_1484 : vector<16x1xi32> to vector<16xi32>
    %gather3A_1486 = tpu.dynamic_gather %add3A_1473[%gather3A_1485] in [0] : vector<16xf32>, vector<16xi32> -> vector<16xf32>
    %add3A_1487 = arith.addf %add3A_1473, %gather3A_1486 : vector<16xf32>
    %xor3A_1488 = arith.constant 2 : i32
    %xor3A_1489 = vector.broadcast %xor3A_1488 : i32 to vector<16xi32>
    %xor3A_1490 = arith.xori %iota3A, %xor3A_1489 : vector<16xi32>
    %lt3A_1491 = arith.constant 0 : i32
    %lt3A_1492 = vector.broadcast %lt3A_1491 : i32 to vector<16xi32>
    %lt3A_1493 = arith.cmpi slt, %xor3A_1490, %lt3A_1492 : vector<16xi32>
    %add3A_1494 = arith.constant 16 : i32
    %add3A_1495 = vector.broadcast %add3A_1494 : i32 to vector<16xi32>
    %add3A_1496 = arith.addi %xor3A_1490, %add3A_1495 : vector<16xi32>
    %select_n3A_1497 = arith.select %lt3A_1493, %add3A_1496, %xor3A_1490 : vector<16xi1>, vector<16xi32>
    %broadcast_in_dim3A_1498 = vector.shape_cast %select_n3A_1497 : vector<16xi32> to vector<16x1xi32>
    %gather3A_1499 = vector.shape_cast %broadcast_in_dim3A_1498 : vector<16x1xi32> to vector<16xi32>
    %gather3A_1500 = tpu.dynamic_gather %add3A_1487[%gather3A_1499] in [0] : vector<16xf32>, vector<16xi32> -> vector<16xf32>
    %add3A_1501 = arith.addf %add3A_1487, %gather3A_1500 : vector<16xf32>
    %xor3A_1502 = arith.constant 1 : i32
    %xor3A_1503 = vector.broadcast %xor3A_1502 : i32 to vector<16xi32>
    %xor3A_1504 = arith.xori %iota3A, %xor3A_1503 : vector<16xi32>
    %lt3A_1505 = arith.constant 0 : i32
    %lt3A_1506 = vector.broadcast %lt3A_1505 : i32 to vector<16xi32>
    %lt3A_1507 = arith.cmpi slt, %xor3A_1504, %lt3A_1506 : vector<16xi32>
    %add3A_1508 = arith.constant 16 : i32
    %add3A_1509 = vector.broadcast %add3A_1508 : i32 to vector<16xi32>
    %add3A_1510 = arith.addi %xor3A_1504, %add3A_1509 : vector<16xi32>
    %select_n3A_1511 = arith.select %lt3A_1507, %add3A_1510, %xor3A_1504 : vector<16xi1>, vector<16xi32>
    %broadcast_in_dim3A_1512 = vector.shape_cast %select_n3A_1511 : vector<16xi32> to vector<16x1xi32>
    %gather3A_1513 = vector.shape_cast %broadcast_in_dim3A_1512 : vector<16x1xi32> to vector<16xi32>
    %gather3A_1514 = tpu.dynamic_gather %add3A_1501[%gather3A_1513] in [0] : vector<16xf32>, vector<16xi32> -> vector<16xf32>
    %add3A_1515 = arith.addf %add3A_1501, %gather3A_1514 : vector<16xf32>
    %xor3A_1516 = arith.constant 8 : i32
    %xor3A_1517 = vector.broadcast %xor3A_1516 : i32 to vector<16xi32>
    %xor3A_1518 = arith.xori %iota3A, %xor3A_1517 : vector<16xi32>
    %lt3A_1519 = arith.constant 0 : i32
    %lt3A_1520 = vector.broadcast %lt3A_1519 : i32 to vector<16xi32>
    %lt3A_1521 = arith.cmpi slt, %xor3A_1518, %lt3A_1520 : vector<16xi32>
    %add3A_1522 = arith.constant 16 : i32
    %add3A_1523 = vector.broadcast %add3A_1522 : i32 to vector<16xi32>
    %add3A_1524 = arith.addi %xor3A_1518, %add3A_1523 : vector<16xi32>
    %select_n3A_1525 = arith.select %lt3A_1521, %add3A_1524, %xor3A_1518 : vector<16xi1>, vector<16xi32>
    %broadcast_in_dim3A_1526 = vector.shape_cast %select_n3A_1525 : vector<16xi32> to vector<16x1xi32>
    %gather3A_1527 = vector.shape_cast %broadcast_in_dim3A_1526 : vector<16x1xi32> to vector<16xi32>
    %gather3A_1528 = tpu.dynamic_gather %parallel_loop3A_126#9[%gather3A_1527] in [0] : vector<16xf32>, vector<16xi32> -> vector<16xf32>
    %max3A_1529 = arith.maximumf %parallel_loop3A_126#9, %gather3A_1528 : vector<16xf32>
    %xor3A_1530 = arith.constant 4 : i32
    %xor3A_1531 = vector.broadcast %xor3A_1530 : i32 to vector<16xi32>
    %xor3A_1532 = arith.xori %iota3A, %xor3A_1531 : vector<16xi32>
    %lt3A_1533 = arith.constant 0 : i32
    %lt3A_1534 = vector.broadcast %lt3A_1533 : i32 to vector<16xi32>
    %lt3A_1535 = arith.cmpi slt, %xor3A_1532, %lt3A_1534 : vector<16xi32>
    %add3A_1536 = arith.constant 16 : i32
    %add3A_1537 = vector.broadcast %add3A_1536 : i32 to vector<16xi32>
    %add3A_1538 = arith.addi %xor3A_1532, %add3A_1537 : vector<16xi32>
    %select_n3A_1539 = arith.select %lt3A_1535, %add3A_1538, %xor3A_1532 : vector<16xi1>, vector<16xi32>
    %broadcast_in_dim3A_1540 = vector.shape_cast %select_n3A_1539 : vector<16xi32> to vector<16x1xi32>
    %gather3A_1541 = vector.shape_cast %broadcast_in_dim3A_1540 : vector<16x1xi32> to vector<16xi32>
    %gather3A_1542 = tpu.dynamic_gather %max3A_1529[%gather3A_1541] in [0] : vector<16xf32>, vector<16xi32> -> vector<16xf32>
    %max3A_1543 = arith.maximumf %max3A_1529, %gather3A_1542 : vector<16xf32>
    %xor3A_1544 = arith.constant 2 : i32
    %xor3A_1545 = vector.broadcast %xor3A_1544 : i32 to vector<16xi32>
    %xor3A_1546 = arith.xori %iota3A, %xor3A_1545 : vector<16xi32>
    %lt3A_1547 = arith.constant 0 : i32
    %lt3A_1548 = vector.broadcast %lt3A_1547 : i32 to vector<16xi32>
    %lt3A_1549 = arith.cmpi slt, %xor3A_1546, %lt3A_1548 : vector<16xi32>
    %add3A_1550 = arith.constant 16 : i32
    %add3A_1551 = vector.broadcast %add3A_1550 : i32 to vector<16xi32>
    %add3A_1552 = arith.addi %xor3A_1546, %add3A_1551 : vector<16xi32>
    %select_n3A_1553 = arith.select %lt3A_1549, %add3A_1552, %xor3A_1546 : vector<16xi1>, vector<16xi32>
    %broadcast_in_dim3A_1554 = vector.shape_cast %select_n3A_1553 : vector<16xi32> to vector<16x1xi32>
    %gather3A_1555 = vector.shape_cast %broadcast_in_dim3A_1554 : vector<16x1xi32> to vector<16xi32>
    %gather3A_1556 = tpu.dynamic_gather %max3A_1543[%gather3A_1555] in [0] : vector<16xf32>, vector<16xi32> -> vector<16xf32>
    %max3A_1557 = arith.maximumf %max3A_1543, %gather3A_1556 : vector<16xf32>
    %xor3A_1558 = arith.constant 1 : i32
    %xor3A_1559 = vector.broadcast %xor3A_1558 : i32 to vector<16xi32>
    %xor3A_1560 = arith.xori %iota3A, %xor3A_1559 : vector<16xi32>
    %lt3A_1561 = arith.constant 0 : i32
    %lt3A_1562 = vector.broadcast %lt3A_1561 : i32 to vector<16xi32>
    %lt3A_1563 = arith.cmpi slt, %xor3A_1560, %lt3A_1562 : vector<16xi32>
    %add3A_1564 = arith.constant 16 : i32
    %add3A_1565 = vector.broadcast %add3A_1564 : i32 to vector<16xi32>
    %add3A_1566 = arith.addi %xor3A_1560, %add3A_1565 : vector<16xi32>
    %select_n3A_1567 = arith.select %lt3A_1563, %add3A_1566, %xor3A_1560 : vector<16xi1>, vector<16xi32>
    %broadcast_in_dim3A_1568 = vector.shape_cast %select_n3A_1567 : vector<16xi32> to vector<16x1xi32>
    %gather3A_1569 = vector.shape_cast %broadcast_in_dim3A_1568 : vector<16x1xi32> to vector<16xi32>
    %gather3A_1570 = tpu.dynamic_gather %max3A_1557[%gather3A_1569] in [0] : vector<16xf32>, vector<16xi32> -> vector<16xf32>
    %max3A_1571 = arith.maximumf %max3A_1557, %gather3A_1570 : vector<16xf32>
    %eq3A_1572 = arith.cmpf oeq, %parallel_loop3A_126#9, %max3A_1571 : vector<16xf32>
    %select_n3A_1573 = arith.select %eq3A_1572, %iota3A, %broadcast_in_dim3A_132 : vector<16xi1>, vector<16xi32>
    %xor3A_1574 = arith.constant 8 : i32
    %xor3A_1575 = vector.broadcast %xor3A_1574 : i32 to vector<16xi32>
    %xor3A_1576 = arith.xori %iota3A, %xor3A_1575 : vector<16xi32>
    %lt3A_1577 = arith.constant 0 : i32
    %lt3A_1578 = vector.broadcast %lt3A_1577 : i32 to vector<16xi32>
    %lt3A_1579 = arith.cmpi slt, %xor3A_1576, %lt3A_1578 : vector<16xi32>
    %add3A_1580 = arith.constant 16 : i32
    %add3A_1581 = vector.broadcast %add3A_1580 : i32 to vector<16xi32>
    %add3A_1582 = arith.addi %xor3A_1576, %add3A_1581 : vector<16xi32>
    %select_n3A_1583 = arith.select %lt3A_1579, %add3A_1582, %xor3A_1576 : vector<16xi1>, vector<16xi32>
    %broadcast_in_dim3A_1584 = vector.shape_cast %select_n3A_1583 : vector<16xi32> to vector<16x1xi32>
    %gather3A_1585 = vector.shape_cast %broadcast_in_dim3A_1584 : vector<16x1xi32> to vector<16xi32>
    %gather3A_1586 = tpu.dynamic_gather %select_n3A_1573[%gather3A_1585] in [0] : vector<16xi32>, vector<16xi32> -> vector<16xi32>
    %min3A_1587 = arith.minsi %select_n3A_1573, %gather3A_1586 : vector<16xi32>
    %xor3A_1588 = arith.constant 4 : i32
    %xor3A_1589 = vector.broadcast %xor3A_1588 : i32 to vector<16xi32>
    %xor3A_1590 = arith.xori %iota3A, %xor3A_1589 : vector<16xi32>
    %lt3A_1591 = arith.constant 0 : i32
    %lt3A_1592 = vector.broadcast %lt3A_1591 : i32 to vector<16xi32>
    %lt3A_1593 = arith.cmpi slt, %xor3A_1590, %lt3A_1592 : vector<16xi32>
    %add3A_1594 = arith.constant 16 : i32
    %add3A_1595 = vector.broadcast %add3A_1594 : i32 to vector<16xi32>
    %add3A_1596 = arith.addi %xor3A_1590, %add3A_1595 : vector<16xi32>
    %select_n3A_1597 = arith.select %lt3A_1593, %add3A_1596, %xor3A_1590 : vector<16xi1>, vector<16xi32>
    %broadcast_in_dim3A_1598 = vector.shape_cast %select_n3A_1597 : vector<16xi32> to vector<16x1xi32>
    %gather3A_1599 = vector.shape_cast %broadcast_in_dim3A_1598 : vector<16x1xi32> to vector<16xi32>
    %gather3A_1600 = tpu.dynamic_gather %min3A_1587[%gather3A_1599] in [0] : vector<16xi32>, vector<16xi32> -> vector<16xi32>
    %min3A_1601 = arith.minsi %min3A_1587, %gather3A_1600 : vector<16xi32>
    %xor3A_1602 = arith.constant 2 : i32
    %xor3A_1603 = vector.broadcast %xor3A_1602 : i32 to vector<16xi32>
    %xor3A_1604 = arith.xori %iota3A, %xor3A_1603 : vector<16xi32>
    %lt3A_1605 = arith.constant 0 : i32
    %lt3A_1606 = vector.broadcast %lt3A_1605 : i32 to vector<16xi32>
    %lt3A_1607 = arith.cmpi slt, %xor3A_1604, %lt3A_1606 : vector<16xi32>
    %add3A_1608 = arith.constant 16 : i32
    %add3A_1609 = vector.broadcast %add3A_1608 : i32 to vector<16xi32>
    %add3A_1610 = arith.addi %xor3A_1604, %add3A_1609 : vector<16xi32>
    %select_n3A_1611 = arith.select %lt3A_1607, %add3A_1610, %xor3A_1604 : vector<16xi1>, vector<16xi32>
    %broadcast_in_dim3A_1612 = vector.shape_cast %select_n3A_1611 : vector<16xi32> to vector<16x1xi32>
    %gather3A_1613 = vector.shape_cast %broadcast_in_dim3A_1612 : vector<16x1xi32> to vector<16xi32>
    %gather3A_1614 = tpu.dynamic_gather %min3A_1601[%gather3A_1613] in [0] : vector<16xi32>, vector<16xi32> -> vector<16xi32>
    %min3A_1615 = arith.minsi %min3A_1601, %gather3A_1614 : vector<16xi32>
    %xor3A_1616 = arith.constant 1 : i32
    %xor3A_1617 = vector.broadcast %xor3A_1616 : i32 to vector<16xi32>
    %xor3A_1618 = arith.xori %iota3A, %xor3A_1617 : vector<16xi32>
    %lt3A_1619 = arith.constant 0 : i32
    %lt3A_1620 = vector.broadcast %lt3A_1619 : i32 to vector<16xi32>
    %lt3A_1621 = arith.cmpi slt, %xor3A_1618, %lt3A_1620 : vector<16xi32>
    %add3A_1622 = arith.constant 16 : i32
    %add3A_1623 = vector.broadcast %add3A_1622 : i32 to vector<16xi32>
    %add3A_1624 = arith.addi %xor3A_1618, %add3A_1623 : vector<16xi32>
    %select_n3A_1625 = arith.select %lt3A_1621, %add3A_1624, %xor3A_1618 : vector<16xi1>, vector<16xi32>
    %broadcast_in_dim3A_1626 = vector.shape_cast %select_n3A_1625 : vector<16xi32> to vector<16x1xi32>
    %gather3A_1627 = vector.shape_cast %broadcast_in_dim3A_1626 : vector<16x1xi32> to vector<16xi32>
    %gather3A_1628 = tpu.dynamic_gather %min3A_1615[%gather3A_1627] in [0] : vector<16xi32>, vector<16xi32> -> vector<16xi32>
    %min3A_1629 = arith.minsi %min3A_1615, %gather3A_1628 : vector<16xi32>
    %eq3A_1630 = arith.cmpi eq, %iota3A, %min3A_1629 : vector<16xi32>
    %select_n3A_1631 = arith.select %eq3A_1630, %parallel_loop3A_126#10, %parallel_loop3A_126#9 : vector<16xi1>, vector<16xf32>
    %select_n3A_1632 = arith.select %eq3A_1630, %parallel_loop3A_126#11, %parallel_loop3A_126#10 : vector<16xi1>, vector<16xf32>
    %broadcast_in_dim3A_1633 = arith.constant -3.000000e+38 : f32
    %broadcast_in_dim3A_1634 = vector.broadcast %broadcast_in_dim3A_1633 : f32 to vector<16xf32>
    %select_n3A_1635 = arith.select %eq3A_1630, %broadcast_in_dim3A_1634, %parallel_loop3A_126#11 : vector<16xi1>, vector<16xf32>
    %xor3A_1636 = arith.constant 8 : i32
    %xor3A_1637 = vector.broadcast %xor3A_1636 : i32 to vector<16xi32>
    %xor3A_1638 = arith.xori %iota3A, %xor3A_1637 : vector<16xi32>
    %lt3A_1639 = arith.constant 0 : i32
    %lt3A_1640 = vector.broadcast %lt3A_1639 : i32 to vector<16xi32>
    %lt3A_1641 = arith.cmpi slt, %xor3A_1638, %lt3A_1640 : vector<16xi32>
    %add3A_1642 = arith.constant 16 : i32
    %add3A_1643 = vector.broadcast %add3A_1642 : i32 to vector<16xi32>
    %add3A_1644 = arith.addi %xor3A_1638, %add3A_1643 : vector<16xi32>
    %select_n3A_1645 = arith.select %lt3A_1641, %add3A_1644, %xor3A_1638 : vector<16xi1>, vector<16xi32>
    %broadcast_in_dim3A_1646 = vector.shape_cast %select_n3A_1645 : vector<16xi32> to vector<16x1xi32>
    %gather3A_1647 = vector.shape_cast %broadcast_in_dim3A_1646 : vector<16x1xi32> to vector<16xi32>
    %gather3A_1648 = tpu.dynamic_gather %select_n3A_1631[%gather3A_1647] in [0] : vector<16xf32>, vector<16xi32> -> vector<16xf32>
    %max3A_1649 = arith.maximumf %select_n3A_1631, %gather3A_1648 : vector<16xf32>
    %xor3A_1650 = arith.constant 4 : i32
    %xor3A_1651 = vector.broadcast %xor3A_1650 : i32 to vector<16xi32>
    %xor3A_1652 = arith.xori %iota3A, %xor3A_1651 : vector<16xi32>
    %lt3A_1653 = arith.constant 0 : i32
    %lt3A_1654 = vector.broadcast %lt3A_1653 : i32 to vector<16xi32>
    %lt3A_1655 = arith.cmpi slt, %xor3A_1652, %lt3A_1654 : vector<16xi32>
    %add3A_1656 = arith.constant 16 : i32
    %add3A_1657 = vector.broadcast %add3A_1656 : i32 to vector<16xi32>
    %add3A_1658 = arith.addi %xor3A_1652, %add3A_1657 : vector<16xi32>
    %select_n3A_1659 = arith.select %lt3A_1655, %add3A_1658, %xor3A_1652 : vector<16xi1>, vector<16xi32>
    %broadcast_in_dim3A_1660 = vector.shape_cast %select_n3A_1659 : vector<16xi32> to vector<16x1xi32>
    %gather3A_1661 = vector.shape_cast %broadcast_in_dim3A_1660 : vector<16x1xi32> to vector<16xi32>
    %gather3A_1662 = tpu.dynamic_gather %max3A_1649[%gather3A_1661] in [0] : vector<16xf32>, vector<16xi32> -> vector<16xf32>
    %max3A_1663 = arith.maximumf %max3A_1649, %gather3A_1662 : vector<16xf32>
    %xor3A_1664 = arith.constant 2 : i32
    %xor3A_1665 = vector.broadcast %xor3A_1664 : i32 to vector<16xi32>
    %xor3A_1666 = arith.xori %iota3A, %xor3A_1665 : vector<16xi32>
    %lt3A_1667 = arith.constant 0 : i32
    %lt3A_1668 = vector.broadcast %lt3A_1667 : i32 to vector<16xi32>
    %lt3A_1669 = arith.cmpi slt, %xor3A_1666, %lt3A_1668 : vector<16xi32>
    %add3A_1670 = arith.constant 16 : i32
    %add3A_1671 = vector.broadcast %add3A_1670 : i32 to vector<16xi32>
    %add3A_1672 = arith.addi %xor3A_1666, %add3A_1671 : vector<16xi32>
    %select_n3A_1673 = arith.select %lt3A_1669, %add3A_1672, %xor3A_1666 : vector<16xi1>, vector<16xi32>
    %broadcast_in_dim3A_1674 = vector.shape_cast %select_n3A_1673 : vector<16xi32> to vector<16x1xi32>
    %gather3A_1675 = vector.shape_cast %broadcast_in_dim3A_1674 : vector<16x1xi32> to vector<16xi32>
    %gather3A_1676 = tpu.dynamic_gather %max3A_1663[%gather3A_1675] in [0] : vector<16xf32>, vector<16xi32> -> vector<16xf32>
    %max3A_1677 = arith.maximumf %max3A_1663, %gather3A_1676 : vector<16xf32>
    %xor3A_1678 = arith.constant 1 : i32
    %xor3A_1679 = vector.broadcast %xor3A_1678 : i32 to vector<16xi32>
    %xor3A_1680 = arith.xori %iota3A, %xor3A_1679 : vector<16xi32>
    %lt3A_1681 = arith.constant 0 : i32
    %lt3A_1682 = vector.broadcast %lt3A_1681 : i32 to vector<16xi32>
    %lt3A_1683 = arith.cmpi slt, %xor3A_1680, %lt3A_1682 : vector<16xi32>
    %add3A_1684 = arith.constant 16 : i32
    %add3A_1685 = vector.broadcast %add3A_1684 : i32 to vector<16xi32>
    %add3A_1686 = arith.addi %xor3A_1680, %add3A_1685 : vector<16xi32>
    %select_n3A_1687 = arith.select %lt3A_1683, %add3A_1686, %xor3A_1680 : vector<16xi1>, vector<16xi32>
    %broadcast_in_dim3A_1688 = vector.shape_cast %select_n3A_1687 : vector<16xi32> to vector<16x1xi32>
    %gather3A_1689 = vector.shape_cast %broadcast_in_dim3A_1688 : vector<16x1xi32> to vector<16xi32>
    %gather3A_1690 = tpu.dynamic_gather %max3A_1677[%gather3A_1689] in [0] : vector<16xf32>, vector<16xi32> -> vector<16xf32>
    %max3A_1691 = arith.maximumf %max3A_1677, %gather3A_1690 : vector<16xf32>
    %eq3A_1692 = arith.cmpf oeq, %select_n3A_1631, %max3A_1691 : vector<16xf32>
    %select_n3A_1693 = arith.select %eq3A_1692, %iota3A, %broadcast_in_dim3A_132 : vector<16xi1>, vector<16xi32>
    %xor3A_1694 = arith.constant 8 : i32
    %xor3A_1695 = vector.broadcast %xor3A_1694 : i32 to vector<16xi32>
    %xor3A_1696 = arith.xori %iota3A, %xor3A_1695 : vector<16xi32>
    %lt3A_1697 = arith.constant 0 : i32
    %lt3A_1698 = vector.broadcast %lt3A_1697 : i32 to vector<16xi32>
    %lt3A_1699 = arith.cmpi slt, %xor3A_1696, %lt3A_1698 : vector<16xi32>
    %add3A_1700 = arith.constant 16 : i32
    %add3A_1701 = vector.broadcast %add3A_1700 : i32 to vector<16xi32>
    %add3A_1702 = arith.addi %xor3A_1696, %add3A_1701 : vector<16xi32>
    %select_n3A_1703 = arith.select %lt3A_1699, %add3A_1702, %xor3A_1696 : vector<16xi1>, vector<16xi32>
    %broadcast_in_dim3A_1704 = vector.shape_cast %select_n3A_1703 : vector<16xi32> to vector<16x1xi32>
    %gather3A_1705 = vector.shape_cast %broadcast_in_dim3A_1704 : vector<16x1xi32> to vector<16xi32>
    %gather3A_1706 = tpu.dynamic_gather %select_n3A_1693[%gather3A_1705] in [0] : vector<16xi32>, vector<16xi32> -> vector<16xi32>
    %min3A_1707 = arith.minsi %select_n3A_1693, %gather3A_1706 : vector<16xi32>
    %xor3A_1708 = arith.constant 4 : i32
    %xor3A_1709 = vector.broadcast %xor3A_1708 : i32 to vector<16xi32>
    %xor3A_1710 = arith.xori %iota3A, %xor3A_1709 : vector<16xi32>
    %lt3A_1711 = arith.constant 0 : i32
    %lt3A_1712 = vector.broadcast %lt3A_1711 : i32 to vector<16xi32>
    %lt3A_1713 = arith.cmpi slt, %xor3A_1710, %lt3A_1712 : vector<16xi32>
    %add3A_1714 = arith.constant 16 : i32
    %add3A_1715 = vector.broadcast %add3A_1714 : i32 to vector<16xi32>
    %add3A_1716 = arith.addi %xor3A_1710, %add3A_1715 : vector<16xi32>
    %select_n3A_1717 = arith.select %lt3A_1713, %add3A_1716, %xor3A_1710 : vector<16xi1>, vector<16xi32>
    %broadcast_in_dim3A_1718 = vector.shape_cast %select_n3A_1717 : vector<16xi32> to vector<16x1xi32>
    %gather3A_1719 = vector.shape_cast %broadcast_in_dim3A_1718 : vector<16x1xi32> to vector<16xi32>
    %gather3A_1720 = tpu.dynamic_gather %min3A_1707[%gather3A_1719] in [0] : vector<16xi32>, vector<16xi32> -> vector<16xi32>
    %min3A_1721 = arith.minsi %min3A_1707, %gather3A_1720 : vector<16xi32>
    %xor3A_1722 = arith.constant 2 : i32
    %xor3A_1723 = vector.broadcast %xor3A_1722 : i32 to vector<16xi32>
    %xor3A_1724 = arith.xori %iota3A, %xor3A_1723 : vector<16xi32>
    %lt3A_1725 = arith.constant 0 : i32
    %lt3A_1726 = vector.broadcast %lt3A_1725 : i32 to vector<16xi32>
    %lt3A_1727 = arith.cmpi slt, %xor3A_1724, %lt3A_1726 : vector<16xi32>
    %add3A_1728 = arith.constant 16 : i32
    %add3A_1729 = vector.broadcast %add3A_1728 : i32 to vector<16xi32>
    %add3A_1730 = arith.addi %xor3A_1724, %add3A_1729 : vector<16xi32>
    %select_n3A_1731 = arith.select %lt3A_1727, %add3A_1730, %xor3A_1724 : vector<16xi1>, vector<16xi32>
    %broadcast_in_dim3A_1732 = vector.shape_cast %select_n3A_1731 : vector<16xi32> to vector<16x1xi32>
    %gather3A_1733 = vector.shape_cast %broadcast_in_dim3A_1732 : vector<16x1xi32> to vector<16xi32>
    %gather3A_1734 = tpu.dynamic_gather %min3A_1721[%gather3A_1733] in [0] : vector<16xi32>, vector<16xi32> -> vector<16xi32>
    %min3A_1735 = arith.minsi %min3A_1721, %gather3A_1734 : vector<16xi32>
    %xor3A_1736 = arith.constant 1 : i32
    %xor3A_1737 = vector.broadcast %xor3A_1736 : i32 to vector<16xi32>
    %xor3A_1738 = arith.xori %iota3A, %xor3A_1737 : vector<16xi32>
    %lt3A_1739 = arith.constant 0 : i32
    %lt3A_1740 = vector.broadcast %lt3A_1739 : i32 to vector<16xi32>
    %lt3A_1741 = arith.cmpi slt, %xor3A_1738, %lt3A_1740 : vector<16xi32>
    %add3A_1742 = arith.constant 16 : i32
    %add3A_1743 = vector.broadcast %add3A_1742 : i32 to vector<16xi32>
    %add3A_1744 = arith.addi %xor3A_1738, %add3A_1743 : vector<16xi32>
    %select_n3A_1745 = arith.select %lt3A_1741, %add3A_1744, %xor3A_1738 : vector<16xi1>, vector<16xi32>
    %broadcast_in_dim3A_1746 = vector.shape_cast %select_n3A_1745 : vector<16xi32> to vector<16x1xi32>
    %gather3A_1747 = vector.shape_cast %broadcast_in_dim3A_1746 : vector<16x1xi32> to vector<16xi32>
    %gather3A_1748 = tpu.dynamic_gather %min3A_1735[%gather3A_1747] in [0] : vector<16xi32>, vector<16xi32> -> vector<16xi32>
    %min3A_1749 = arith.minsi %min3A_1735, %gather3A_1748 : vector<16xi32>
    %eq3A_1750 = arith.cmpi eq, %iota3A, %min3A_1749 : vector<16xi32>
    %select_n3A_1751 = arith.select %eq3A_1750, %select_n3A_1632, %select_n3A_1631 : vector<16xi1>, vector<16xf32>
    %select_n3A_1752 = arith.select %eq3A_1750, %select_n3A_1635, %select_n3A_1632 : vector<16xi1>, vector<16xf32>
    %broadcast_in_dim3A_1753 = arith.constant -3.000000e+38 : f32
    %broadcast_in_dim3A_1754 = vector.broadcast %broadcast_in_dim3A_1753 : f32 to vector<16xf32>
    %select_n3A_1755 = arith.select %eq3A_1750, %broadcast_in_dim3A_1754, %select_n3A_1635 : vector<16xi1>, vector<16xf32>
    %xor3A_1756 = arith.constant 8 : i32
    %xor3A_1757 = vector.broadcast %xor3A_1756 : i32 to vector<16xi32>
    %xor3A_1758 = arith.xori %iota3A, %xor3A_1757 : vector<16xi32>
    %lt3A_1759 = arith.constant 0 : i32
    %lt3A_1760 = vector.broadcast %lt3A_1759 : i32 to vector<16xi32>
    %lt3A_1761 = arith.cmpi slt, %xor3A_1758, %lt3A_1760 : vector<16xi32>
    %add3A_1762 = arith.constant 16 : i32
    %add3A_1763 = vector.broadcast %add3A_1762 : i32 to vector<16xi32>
    %add3A_1764 = arith.addi %xor3A_1758, %add3A_1763 : vector<16xi32>
    %select_n3A_1765 = arith.select %lt3A_1761, %add3A_1764, %xor3A_1758 : vector<16xi1>, vector<16xi32>
    %broadcast_in_dim3A_1766 = vector.shape_cast %select_n3A_1765 : vector<16xi32> to vector<16x1xi32>
    %gather3A_1767 = vector.shape_cast %broadcast_in_dim3A_1766 : vector<16x1xi32> to vector<16xi32>
    %gather3A_1768 = tpu.dynamic_gather %select_n3A_1751[%gather3A_1767] in [0] : vector<16xf32>, vector<16xi32> -> vector<16xf32>
    %max3A_1769 = arith.maximumf %select_n3A_1751, %gather3A_1768 : vector<16xf32>
    %xor3A_1770 = arith.constant 4 : i32
    %xor3A_1771 = vector.broadcast %xor3A_1770 : i32 to vector<16xi32>
    %xor3A_1772 = arith.xori %iota3A, %xor3A_1771 : vector<16xi32>
    %lt3A_1773 = arith.constant 0 : i32
    %lt3A_1774 = vector.broadcast %lt3A_1773 : i32 to vector<16xi32>
    %lt3A_1775 = arith.cmpi slt, %xor3A_1772, %lt3A_1774 : vector<16xi32>
    %add3A_1776 = arith.constant 16 : i32
    %add3A_1777 = vector.broadcast %add3A_1776 : i32 to vector<16xi32>
    %add3A_1778 = arith.addi %xor3A_1772, %add3A_1777 : vector<16xi32>
    %select_n3A_1779 = arith.select %lt3A_1775, %add3A_1778, %xor3A_1772 : vector<16xi1>, vector<16xi32>
    %broadcast_in_dim3A_1780 = vector.shape_cast %select_n3A_1779 : vector<16xi32> to vector<16x1xi32>
    %gather3A_1781 = vector.shape_cast %broadcast_in_dim3A_1780 : vector<16x1xi32> to vector<16xi32>
    %gather3A_1782 = tpu.dynamic_gather %max3A_1769[%gather3A_1781] in [0] : vector<16xf32>, vector<16xi32> -> vector<16xf32>
    %max3A_1783 = arith.maximumf %max3A_1769, %gather3A_1782 : vector<16xf32>
    %xor3A_1784 = arith.constant 2 : i32
    %xor3A_1785 = vector.broadcast %xor3A_1784 : i32 to vector<16xi32>
    %xor3A_1786 = arith.xori %iota3A, %xor3A_1785 : vector<16xi32>
    %lt3A_1787 = arith.constant 0 : i32
    %lt3A_1788 = vector.broadcast %lt3A_1787 : i32 to vector<16xi32>
    %lt3A_1789 = arith.cmpi slt, %xor3A_1786, %lt3A_1788 : vector<16xi32>
    %add3A_1790 = arith.constant 16 : i32
    %add3A_1791 = vector.broadcast %add3A_1790 : i32 to vector<16xi32>
    %add3A_1792 = arith.addi %xor3A_1786, %add3A_1791 : vector<16xi32>
    %select_n3A_1793 = arith.select %lt3A_1789, %add3A_1792, %xor3A_1786 : vector<16xi1>, vector<16xi32>
    %broadcast_in_dim3A_1794 = vector.shape_cast %select_n3A_1793 : vector<16xi32> to vector<16x1xi32>
    %gather3A_1795 = vector.shape_cast %broadcast_in_dim3A_1794 : vector<16x1xi32> to vector<16xi32>
    %gather3A_1796 = tpu.dynamic_gather %max3A_1783[%gather3A_1795] in [0] : vector<16xf32>, vector<16xi32> -> vector<16xf32>
    %max3A_1797 = arith.maximumf %max3A_1783, %gather3A_1796 : vector<16xf32>
    %xor3A_1798 = arith.constant 1 : i32
    %xor3A_1799 = vector.broadcast %xor3A_1798 : i32 to vector<16xi32>
    %xor3A_1800 = arith.xori %iota3A, %xor3A_1799 : vector<16xi32>
    %lt3A_1801 = arith.constant 0 : i32
    %lt3A_1802 = vector.broadcast %lt3A_1801 : i32 to vector<16xi32>
    %lt3A_1803 = arith.cmpi slt, %xor3A_1800, %lt3A_1802 : vector<16xi32>
    %add3A_1804 = arith.constant 16 : i32
    %add3A_1805 = vector.broadcast %add3A_1804 : i32 to vector<16xi32>
    %add3A_1806 = arith.addi %xor3A_1800, %add3A_1805 : vector<16xi32>
    %select_n3A_1807 = arith.select %lt3A_1803, %add3A_1806, %xor3A_1800 : vector<16xi1>, vector<16xi32>
    %broadcast_in_dim3A_1808 = vector.shape_cast %select_n3A_1807 : vector<16xi32> to vector<16x1xi32>
    %gather3A_1809 = vector.shape_cast %broadcast_in_dim3A_1808 : vector<16x1xi32> to vector<16xi32>
    %gather3A_1810 = tpu.dynamic_gather %max3A_1797[%gather3A_1809] in [0] : vector<16xf32>, vector<16xi32> -> vector<16xf32>
    %max3A_1811 = arith.maximumf %max3A_1797, %gather3A_1810 : vector<16xf32>
    %eq3A_1812 = arith.constant 0 : i32
    %eq3A_1813 = vector.broadcast %eq3A_1812 : i32 to vector<16xi32>
    %eq3A_1814 = arith.cmpi eq, %iota3A, %eq3A_1813 : vector<16xi32>
    %eq3A_1815 = arith.constant 1 : i32
    %eq3A_1816 = vector.broadcast %eq3A_1815 : i32 to vector<16xi32>
    %eq3A_1817 = arith.cmpi eq, %iota3A, %eq3A_1816 : vector<16xi32>
    %eq3A_1818 = arith.constant 2 : i32
    %eq3A_1819 = vector.broadcast %eq3A_1818 : i32 to vector<16xi32>
    %eq3A_1820 = arith.cmpi eq, %iota3A, %eq3A_1819 : vector<16xi32>
    %eq3A_1821 = arith.constant 3 : i32
    %eq3A_1822 = vector.broadcast %eq3A_1821 : i32 to vector<16xi32>
    %eq3A_1823 = arith.cmpi eq, %iota3A, %eq3A_1822 : vector<16xi32>
    %select_n3A_1824 = arith.select %eq3A_1823, %add3A_1515, %broadcast_in_dim3A_134 : vector<16xi1>, vector<16xf32>
    %select_n3A_1825 = arith.select %eq3A_1820, %max3A_1811, %select_n3A_1824 : vector<16xi1>, vector<16xf32>
    %select_n3A_1826 = arith.select %eq3A_1817, %max3A_1691, %select_n3A_1825 : vector<16xi1>, vector<16xf32>
    %select_n3A_1827 = arith.select %eq3A_1814, %max3A_1571, %select_n3A_1826 : vector<16xi1>, vector<16xf32>
    %swap3A_1828 = arith.constant 3 : i32
    %swap3A_1829 = arith.index_cast %swap3A_1828 : i32 to index
    %swap3A_1830 = arith.constant 0 : index
    %swap3A_1831 = tpu.vector_load %arg10[%swap3A_1829, %swap3A_1830] {strides = array<i32>} : memref<4x16xf32, #tpu.memory_space<vmem>>, vector<1x16xf32>,
    %swap3A_1832 = vector.shape_cast %swap3A_1831 : vector<1x16xf32> to vector<16xf32>
    %swap3A_1833 = vector.shape_cast %select_n3A_1827 : vector<16xf32> to vector<1x16xf32>
    tpu.vector_store %arg10[%swap3A_1829, %swap3A_1830], %swap3A_1833 {strides = array<i32>} : memref<4x16xf32, #tpu.memory_space<vmem>>, vector<1x16xf32>,
    "tpu.region"() ({
      %run_scoped3A = tpu.sem_alloc : memref<!tpu.dma_semaphore, #tpu.memory_space<semaphore_mem>>
      %dma_start3A_1834 = arith.constant 0 : i32
      %dma_start3A_1835 = tpu.memref_slice %arg4[%mul3A_2, %dma_start3A_1834] : memref<128x16xf32, #tpu.memory_space<hbm>> -> memref<4x16xf32, #tpu.memory_space<hbm>>
      %dma_start3A_1836 = arith.constant 0 : i32
      %dma_start3A_1837 = tpu.memref_slice %arg4[%mul3A_2, %dma_start3A_1836] : memref<128x16xf32, #tpu.memory_space<hbm>> -> memref<4x16xf32, #tpu.memory_space<hbm>>
      tpu.enqueue_dma source(%arg10 : memref<4x16xf32, #tpu.memory_space<vmem>>) target(%dma_start3A_1837 : memref<4x16xf32, #tpu.memory_space<hbm>>) target_semaphore(%run_scoped3A : memref<!tpu.dma_semaphore, #tpu.memory_space<semaphore_mem>>)
      %dma_wait3A_1838 = arith.constant 0 : i32
      %dma_wait3A_1839 = tpu.memref_slice %arg4[%mul3A_2, %dma_wait3A_1838] : memref<128x16xf32, #tpu.memory_space<hbm>> -> memref<4x16xf32, #tpu.memory_space<hbm>>
      %dma_wait3A_1840 = arith.constant 0 : i32
      %dma_wait3A_1841 = tpu.memref_slice %arg4[%mul3A_2, %dma_wait3A_1840] : memref<128x16xf32, #tpu.memory_space<hbm>> -> memref<4x16xf32, #tpu.memory_space<hbm>>
      tpu.wait_dma2 semaphore(%run_scoped3A : memref<!tpu.dma_semaphore, #tpu.memory_space<semaphore_mem>>) src(%arg10 : memref<4x16xf32, #tpu.memory_space<vmem>>) dst(%dma_wait3A_1841 : memref<4x16xf32, #tpu.memory_space<hbm>>)
      tpu.yield
    }) : () -> ()
    return
  }
}

</mosaic_0001>

<sc_bundles>
// kernel: _sc_candidates.3.cloned.1.call-start
scs
__scs_entry_jumppad:
0x0: {  	(pc) =	sbr.rel $0x88, $3  }
0x1: {  	(tag) =	ssettag $0x0;
	lr =	simm.s32 $0x1  }
0x2: {  	[smem:$0x3F9F] =	sst lr;
	_ =	strace $0xD0000000  }
0x3: {  	_ = 	snop  }
0x4: {  	_ = 	snop  }
0x5: {  	_ = 	snop  }
0x6: {  	_ = 	snop  }
0x7: {  	_ = 	snop  }
__scs_overlays_trampoline_lowered:
0x8: {  	[smem:$0x3FAE] =	sst s0  }
0x9: {  	[smem:$0x3FAF] =	sst s1  }
0xa: {  	[smem:$0x3FB0] =	sst s2  }
0xb: {  	[smem:$0x3FB1] =	sst s3  }
0xc: {  	[smem:$0x3FB2] =	sst s4  }
0xd: {  	[smem:$0x3FB3] =	sst s5  }
0xe: {  	[smem:$0x3FB4] =	sst s6  }
0xf: {  	[smem:$0x3FB5] =	sst s7  }
0x10: {  	[smem:$0x3FB6] =	sst s8  }
0x11: {  	[smem:$0x3FB7] =	sst s9;
	s0 =	simm.s32 @!p0 $0x0  }
0x12: {  	s1 =	sld [smem:$0x3F9D];
	s0 =	simm.s32 @p0 $0x1  }
0x13: {  	[smem:$0x3FB8] =	sst s0;
	s0 =	simm.s32 @!p1 $0x0  }
0x14: {  	s2 =	sld [smem:$0x3F9C];
	s0 =	simm.s32 @p1 $0x1  }
0x15: {  	[smem:$0x3FB9] =	sst s0;
	s0 =	simm.s32 @!p2 $0x0  }
0x16: {  	s3 =	sld [smem:$0x3FDB];
	s0 =	simm.s32 @p2 $0x1  }
0x17: {  	s4 =	simm.s32 $0x1BF5;
	[smem:$0x3FBB] =	sst s0  }
0x18: {  	s0 =	sld [smem:$0x3F9E];
	_ =	swait.ge [sflag:s4], $0x0  }
0x19: {  	s7 =	sld [smem:$0x3F9F]  }
0x1a: {  	s8 =	sadd.s32 $0xFFFFE003, lr  }
0x1b: {  	s9 =	sadd.s32 $0xFFFFFEF7, lr;
	s5 =	simm.s32 $0xFFFFFFFF;
	p2 =	slt.u32 s8, $0xFFFFF086  }
0x1c: {  	p1 =	slt.u32 s9, $0xF7A;
	s5 =	simm.s32 @!p2 $0x0  }
0x1d: {  	s5 =	simm.s32 @p1 $0x1;
	p0 =	seq.s32 s7, s2  }
0x1e: {  	s7 =	smul.u32 @!p0 $0xF7A, s2;
	p2 =	seq.s32 @!p0 s5, $0x0  }
0x1f: {  	s9 =	smul.u32 $0xF7A, s1;
	s8 =	simm.s32 @!p0 $0x1BF5;
	p2 =	por !p2, p0  }
0x20: {  	[sflag:s8] =	ssyncset.s32 @!p0 $0xFFFFF086;
	s6 =	sadd.s32 @!p0 s3, s7;
	s7 =	simm.s32 @!p0 $0x108  }
0x21: {  	s3 =	sadd.s32 s3, s9;
	s6 =	sadd.s32 @!p0 $0x88, s6;
	s7 =	simm.s32 @p2 $0x1082  }
0x22: {  	[simem:s7], [sflag:s8] =	dma.local @!p0 [hbm:s6], $0xF7A  }
0x23: {  	s9 =	sor.u32 $0xD0000000, s2;
	s6 =	simm.s32 $0x108;
	_ =	swait.ge @!p0 [sflag:s8], $0x0  }
0x24: {  	s3 =	sadd.s32 $0x88, s3;
	s6 =	simm.s32 @!p1 $0x1082;
	[sflag:s4] =	ssyncset.s32 $0xFFFFF086  }
0x25: {  	[simem:s6], [sflag:s4] =	dma.local [hbm:s3], $0xF7A  }
0x26: {  	[smem:$0x3F9F] =	sst s1;
	(tag) =	ssettag s2;
	_ =	strace s9  }
0x27: {  	s1 =	sld [smem:$0x3FAF]  }
0x28: {  	s2 =	sld [smem:$0x3FB0]  }
0x29: {  	s4 =	sld [smem:$0x3FB2]  }
0x2a: {  	p0 =	seq.s32 s5, $0x0;
	s5 =	sld [smem:$0x3FB3]  }
0x2b: {  	s6 =	sld [smem:$0x3FB4]  }
0x2c: {  	s7 =	sld [smem:$0x3FB5]  }
0x2d: {  	s3 =	simm.s32 $0x108;
	s8 =	sld [smem:$0x3FB6]  }
0x2e: {  	s3 =	simm.s32 @!p0 $0x1082;
	s9 =	sld [smem:$0x3FB7]  }
0x2f: {  	lr =	sadd.s32 s0, s3;
	s0 =	sld [smem:$0x3FAE]  }
0x30: {  	s3 =	sld [smem:$0x3FB1]  }
0x31: {  	[smem:$0x3FBA] =	sst s10  }
0x32: {  	s10 =	sld [smem:$0x3FB8];
	_ =	sdelay $0x3  }
0x33: {  	p0 =	seq.s32 s10, $0x1;
	s10 =	sld [smem:$0x3FBA];
	_ =	sdelay $0x3  }
0x34: {  	[smem:$0x3FBA] =	sst s10  }
0x35: {  	s10 =	sld [smem:$0x3FB9];
	_ =	sdelay $0x3  }
0x36: {  	p1 =	seq.s32 s10, $0x1;
	s10 =	sld [smem:$0x3FBA];
	_ =	sdelay $0x3  }
0x37: {  	[smem:$0x3FBA] =	sst s10  }
0x38: {  	s10 =	sld [smem:$0x3FBB]  }
0x39: {  	_ = 	snop;
	(pc) =	sbr.ind lr, $3  }
0x3a: {  	_ = 	snop  }
0x3b: {  	_ = 	snop  }
0x3c: {  	p2 =	seq.s32 s10, $0x1;
	s10 =	sld [smem:$0x3FBA]  }
0x3d: {  	_ =	shalt  }
0x3e: {  	_ =	shalt  }
0x3f: {  	_ =	shalt  }
0x40: {  	_ =	shalt  }
0x41: {  	_ =	shalt  }
0x42: {  	_ =	shalt  }
0x43: {  	_ =	shalt  }
0x44: {  	_ =	shalt  }
0x45: {  	_ =	shalt  }
0x46: {  	_ =	shalt  }
0x47: {  	_ =	shalt  }
0x48: {  	_ =	shalt  }
0x49: {  	_ =	shalt  }
0x4a: {  	_ =	shalt  }
0x4b: {  	_ =	shalt  }
0x4c: {  	_ =	shalt  }
0x4d: {  	_ =	shalt  }
0x4e: {  	_ =	shalt  }
0x4f: {  	_ =	shalt  }
0x50: {  	_ =	shalt  }
0x51: {  	_ =	shalt  }
0x52: {  	_ =	shalt  }
0x53: {  	_ =	shalt  }
0x54: {  	_ =	shalt  }
0x55: {  	_ =	shalt  }
0x56: {  	_ =	shalt  }
0x57: {  	_ =	shalt  }
0x58: {  	_ =	shalt  }
0x59: {  	_ =	shalt  }
0x5a: {  	_ =	shalt  }
0x5b: {  	_ =	shalt  }
0x5c: {  	_ =	shalt  }
0x5d: {  	_ =	shalt  }
0x5e: {  	_ =	shalt  }
0x5f: {  	_ =	shalt  }
0x60: {  	_ =	shalt  }
0x61: {  	_ =	shalt  }
0x62: {  	_ =	shalt  }
0x63: {  	_ =	shalt  }
0x64: {  	_ =	shalt  }
0x65: {  	_ =	shalt  }
0x66: {  	_ =	shalt  }
0x67: {  	_ =	shalt  }
0x68: {  	_ =	shalt  }
0x69: {  	_ =	shalt  }
0x6a: {  	_ =	shalt  }
0x6b: {  	_ =	shalt  }
0x6c: {  	_ =	shalt  }
0x6d: {  	_ =	shalt  }
0x6e: {  	_ =	shalt  }
0x6f: {  	_ =	shalt  }
0x70: {  	_ =	shalt  }
0x71: {  	_ =	shalt  }
0x72: {  	_ =	shalt  }
0x73: {  	_ =	shalt  }
0x74: {  	_ =	shalt  }
0x75: {  	_ =	shalt  }
0x76: {  	_ =	shalt  }
0x77: {  	_ =	shalt  }
0x78: {  	_ =	shalt  }
0x79: {  	_ =	shalt  }
0x7a: {  	_ =	shalt  }
0x7b: {  	_ =	shalt  }
0x7c: {  	_ =	shalt  }
0x7d: {  	_ =	shalt  }
0x7e: {  	_ =	shalt  }
0x7f: {  	_ =	shalt  }
0x80: {  	_ =	shalt  }
0x81: {  	_ =	shalt  }
0x82: {  	_ =	shalt  }
0x83: {  	_ =	shalt  }
0x84: {  	_ =	shalt  }
0x85: {  	_ =	shalt  }
0x86: {  	_ =	shalt  }
0x87: {  	_ =	shalt  }
.Lfunc_end0:
.L_simem_size_0:
called_computation_lowered:
.L_overlay_start_0:
0x88: {  	s2 =	sld [smem:$0x3FD9]  }
0x89: {  	s3 =	sld [smem:$0x3FFE];
	_ =	sdelay $0x1  }
0x8a: {  	s1 =	srdreg.scid  }
0x8b: {  	s0 =	sand.u32 $0x1, s1  }
0x8c: {  	s17 =	sshll.u32 s0, $0xA;
	s2 =	sadd.s32 s3, s2  }
0x8d: {  	s2 =	sadd.s32 s2, s17  }
0x8e: {  	[smem:$0x3FC6] =	sst s2  }
0x8f: {  	_ = 	snop  }
0x90: {  	s2 =	sld [smem:$0x3FC9]  }
0x91: {  	s18 =	sld [smem:$0x3FC8];
	(tm) =	ssettm $0x1  }
0x92: {  	s4 =	sld [smem:$0x3FFB];
	_ =	sdelay $0x3  }
0x93: {  	_ =	strace s4  }
0x94: {  	s4 =	sld [smem:$0x3FFC];
	_ =	sdelay $0x3  }
0x95: {  	_ =	strace s4  }
0x96: {  	s4 =	sld [smem:$0x3FFD];
	_ =	sdelay $0x3  }
0x97: {  	_ =	strace s4  }
0x98: {  	_ =	strace $0x8FFFFFFF  }
0x99: {  	s19 =	sld [smem:$0x3FDB];
	_ =	sdelay $0x1  }
0x9a: {  	s5 =	simm.s32 $_scs_section_size  }
0x9b: {  	s6 =	simm.s32 $_size__tile_overlayer_lowered;
	s7 =	simm.s32 $_tile_overlayer_lowered  }
0x9c: {  	s22 =	simm.s32 $0x1BFF;
	s21 =	sshll.u32 s7, $0x1;
	s4 =	sadd.s32 s5, s19  }
0x9d: {  	s8 =	simm.s32 $0x0;
	s20 =	sshll.u32 s6, $0x1;
	s6 =	sadd.s32 s21, s4  }
0x9e: {  	[timem:s8], [sflag:s22] =	dma.local [hbm:s6], s20  }
0x9f: {  	_ =	swait.ge [sflag:s22], s20  }
0xa0: {  	s5 =	ssub.s32 $0x0, s20;
	[sflag:s22] =	ssyncset.done $0x0  }
0xa1: {  	[sflag:s22] =	ssyncadd.s32 s5;
	_ =	sdelay $0x1  }
0xa2: {  	s23 =	simm.s32 $0x1B8B  }
0xa3: {  	_ =	swait.ge [sflag:s23], $0x1  }
0xa4: {  	[sflag:s23] =	ssyncset.done $0x0  }
0xa5: {  	s25 =	simm.s32 $0x1B8E;
	s24 =	sld [smem:$0x3FFE];
	[sflag:s23] =	ssyncadd.s32 $0xFFFFFFFF  }
0xa6: {  	s26 =	simm.s32 $execute0_lowered;
	[smem:$0x3FD2] =	sst s25  }
0xa7: {  	s6 =	sshll.u32 s26, $0x1;
	_ =	strace $0x80000046;
	[dreg:$0x1] =	wrdreg $0xFFFFFFFF  }
0xa8: {  	s28 =	simm.s32 $_size_execute0_lowered;
	s4 =	sadd.s32 s4, s6;
	[dreg:$0x0] =	wrdreg $0x0  }
0xa9: {  	s6 =	sshll.u32 s28, $0x1;
	[dreg:$0x2] =	wrdreg s4  }
0xaa: {  	[dreg:$0x3] =	wrdreg s6  }
0xab: {  	[dreg:$0x4] =	wrdreg $0xC0  }
0xac: {  	_ =	task [dreg:s8], $0x5FFFF  }
0xad: {  	[dreg:$0x1] =	wrdreg $0xFFFFFFFF  }
0xae: {  	[dreg:$0x0] =	wrdreg $0x60  }
0xaf: {  	[dreg:$0x2] =	wrdreg s2  }
0xb0: {  	[dreg:$0x3] =	wrdreg s18  }
0xb1: {  	[dreg:$0x4] =	wrdreg s24  }
0xb2: {  	[dreg:$0x5] =	wrdreg $0x9  }
0xb3: {  	_ =	task.clear_ibuf [dreg:s8], $0x6FFFF;
	_ =	strace $0x90000046  }
0xb4: {  	s29 =	simm.s32 $0x9;
	_ =	strace $0x80000048  }
0xb5: {  	_ =	swait.ge [sflag:s29], $0x1  }
0xb6: {  	[sflag:s29] =	ssyncadd.s32 $0xFFFFFFFF  }
0xb7: {  	_ =	strace $0x90000048  }
0xb8: {  	_ =	sfence  }
0xb9: {  	s30 =	sld [smem:$0x0];
	_ =	sdelay $0x2  }
0xba: {  	s31 =	sshll.u32 s1, $0xD;
	s1 =	sshrl.u32 s1, $0x2  }
0xbb: {  	s3 =	sand.u32 $0x4000, s31;
	s1 =	sadd.s32 s1, s30  }
0xbc: {  	s0 =	sor.u32 s3, s0;
	s1 =	sshll.u32 s1, $0x11  }
0xbd: {  	s0 =	sor.u32 s1, s0  }
0xbe: {  	s0 =	sadd.s32 $0x8F2B, s0  }
0xbf: {  	[sflag:s0] =	ssyncadd.remote.s32 $0x1  }
0xc0: {  	_ =	sfence.sel $0xFFFF  }
0xc1: {  	[dreg:$0x0] =	wrdreg $0xFFFFFFFF;
	(pc) =	sbr.abs _section_cstart, $3  }
0xc2: {  	[dreg:$0x1] =	wrdreg $0xFFFFFFFF  }
0xc3: {  	_ =	task.clear_ibuf [dreg:s8], $0x2FFFF;
	_ =	strace $0x9FFFFFFF  }
0xc4: {  	(tm) =	ssettm $0x7FFFFFFF  }
0xc5: {  	_ =	shalt  }
tec
execute0_lowered:
.L_overlay_start_1:
0x0: {  	(tag) =	ssettag $0x1  }
0x1: {  	s0 =	srdreg.scid;
	s20 =	rddreg [dreg:$0x0]  }
0x2: {  	s2 =	stileid.u32;
	s14 =	rddreg [dreg:$0x1]  }
0x3: {  	s6 =	rddreg [dreg:$0x2];
	s15 =	simm.s32 $0xFFFFFFFF;
	s19 =	simm.s32 $0x200  }
0x4: {  	s28 =	simm.s32 $0x4;
	s29 =	simm.s32 $0x5;
	s31 =	simm.s32 $0x6  }
0x5: {  	s3 =	sand.u32 $0x1, s0;
	s4 =	sshll.u32 s2, $0x2;
	s2 =	sshll.u32 s2, $0x9  }
0x6: {  	s1 =	sshll.u32 s3, $0x6;
	s7 =	sand.u32 $0x200, s2;
	s2 =	simm.s32 $0x0  }
0x7: {  	s3 =	ssub.s32 $0x2, s3;
	s17 =	sand.u32 $0xC, s4;
	s1 =	sor.u32 s4, s1  }
0x8: {  	[smem:$0x7FF] =	sst s2;
	s21 =	sshrl.u32 s3, $0x1;
	s22 =	sor.u32 $0x3, s17  }
0x9: {  	s9 =	sor.u32 $0x2, s17;
	p1 =	sne.s32 s17, $0x0;
	s30 =	sor.u32 $0x1, s17  }
0xa: {  	v2 =	vimm.s32 $0xBA98FEDC;
	v3 =	vimm.s32 $0x32107654;
	s5 =	sshrl.u32 s1, $0x3;
	_ =	strace $0x80000047;
	s4 =	ssub.s32 s3, s21  }
0xb: {  	v5 =	vimm.s32 $0xDCFE98BA;
	v6 =	vimm.s32 $0xEFCDAB89;
	v1 =	vmov s22;
	p0 =	seq.s32 s1, $0x0;
	s21 =	simm.s32 $0x4000;
	s22 =	simm.s32 $0x2000  }
0xc: {  	v0 =	vlaneseq.u32;
	v7 =	vimm.s32 $0x67452301;
	vm4 =	vcmask $0x3F10;
	s8 =	sshll.u32 s5, $0xA;
	s5 =	sshll.u32 s5, $0x12;
	p0 =	por !p0, !p1  }
0xd: {  	vm5 =	vcmask $0x3F0C;
	v2 =	vunpack.c.l.s4.s8 v2;
	v3 =	vunpack.c.l.s4.s8 v3;
	s8 =	sor.u32 s7, s8;
	s5 =	sor.u32 s7, s5;
	p0 =	por !p0, !p0  }
0xe: {  	v6 =	vunpack.c.l.s4.s8 v6;
	v7 =	vunpack.c.l.s4.s8 v7;
	v4 =	vmov s9;
	s8 =	sshrl.u32 s8, $0x3;
	s13 =	sshrl.u32 s5, $0x3;
	s15 =	simm.s32 @!p0 $0x0  }
0xf: {  	vm0 =	veq.s32 v1, v0;
	v1 =	vunpack.c.0.s8.s32 v2;
	v2 =	vunpack.c.0.s8.s32 v3;
	s16 =	sadd.s32 s8, s6;
	s3 =	sadd.s32 s20, s13;
	s23 =	sadd.s32 s14, s13  }
0x10: {  	v6 =	vunpack.c.0.s8.s32 v6;
	v7 =	vunpack.c.0.s8.s32 v7;
	vm1 =	veq.s32 v4, v0;
	s24 =	sor.u32 $0x800, s13;
	s25 =	sor.u32 $0x1000, s13;
	s10 =	sor.u32 $0x1800, s13  }
0x11: {  	v2 =	vcombine.low v2, v1;
	v1 =	vunpack.c.l.s4.s8 v5;
	v5 =	vimm.s32 $0x54761032;
	s12 =	sor.u32 $0x2000, s13;
	s18 =	sor.u32 $0x2800, s13;
	s15 =	sshll.u32 s15, $0x4  }
0x12: {  	v3 =	vimm.s32 $0x76543210;
	v4 =	vimm.s32 $0xFEDCBA98;
	v5 =	vunpack.c.l.s4.s8 v5;
	[dreg:$0x4] =	wrdreg s23;
	s5 =	sadd.s32 s20, s24;
	s6 =	sadd.s32 s14, s24  }
0x13: {  	v6 =	vcombine.low v7, v6;
	v7 =	vmov s30;
	v4 =	vunpack.c.l.s4.s8 v4;
	s7 =	sadd.s32 s20, s25;
	s8 =	sadd.s32 s14, s25;
	s9 =	sadd.s32 s20, s10  }
0x14: {  	v3 =	vunpack.c.l.s4.s8 v3;
	s10 =	sadd.s32 s14, s10;
	s11 =	sadd.s32 s20, s12;
	s12 =	sadd.s32 s14, s12;
	v1 =	vunpack.c.0.s8.s32 v1;
	v5 =	vunpack.c.0.s8.s32 v5  }
0x15: {  	vm6 =	vcmask $0x3F08;
	vm2 =	veq.s32 v7, v0;
	v4 =	vunpack.c.0.s8.s32 v4;
	s13 =	sadd.s32 s20, s18;
	s14 =	sadd.s32 s14, s18;
	s26 =	sadd.s32 s1, s15  }
0x16: {  	v3 =	vunpack.c.0.s8.s32 v3;
	s16 =	sadd.s32 $0x400, s16;
	s20 =	simm.s32 $0x400;
	s23 =	simm.s32 $0x6000;
	v5 =	vcombine.low v5, v1;
	v1 =	vmov s17  }
0x17: {  	s24 =	simm.s32 $0x1;
	s25 =	simm.s32 $0x3;
	v2 =	vand.u32 $0xF, v2;
	s1 =	simm.s32 $0x0;
	v4 =	vand.u32 $0xF, v4;
	vm3 =	veq.s32 v1, v0  }
0x18: {  	s15 =	sand.u32 $0xFFFFFFF0, s26;
	s26 =	simm.s32 $0x2;
	s17 =	smax.u32 s4, $0x1;
	v1 =	vcombine.low v4, v3;
	v4 =	vand.u32 $0xF, v6;
	v3 =	vand.u32 $0xF, v5  }
.LBB2_1:
0x19: {  	s0 =	simm.s32 $0x8000  }
0x1a: {  	[tilespmem:s0], [sflag:$0x5] =	stream.linear.gather [hbm4b:s3+s2], $0x200, $0x38;
	[tilespmem:$0x8400] =	vst v63  }
0x1b: {  	_ = 	snop  }
0x1c: {  	[tilespmem:s2], [sflag:$0x1] =	stream.strided.gather [hbm4b:s3+s19], $0x2000, s20, s19, $0x38;
	[tilespmem:$0x8400] =	vst v63  }
0x1d: {  	s4 =	rddreg [dreg:$0x4]  }
0x1e: {  	[tilespmem:s21], [sflag:$0x3] =	stream.strided.gather [hbm4b:s4+s19], $0x2000, s20, s19, $0x38;
	[tilespmem:$0x8400] =	vst v63  }
0x1f: {  	_ = 	snop  }
0x20: {  	[tilespmem:s22], [sflag:$0x2] =	stream.strided.gather [hbm4b:s5+s19], $0x2000, s20, s19, $0x38;
	[tilespmem:$0x8400] =	vst v63  }
0x21: {  	_ = 	snop  }
0x22: {  	[tilespmem:s23], [sflag:$0x4] =	stream.strided.gather [hbm4b:s6+s19], $0x2000, s20, s19, $0x38;
	[tilespmem:$0x8400] =	vst v63  }
0x23: {  	_ =	swait.ge [sflag:s24], $0x2000  }
0x24: {  	[sflag:s24] =	ssyncset.done $0x0  }
0x25: {  	[sflag:s24] =	ssyncadd.s32 $0xFFFFE000  }
0x26: {  	_ =	swait.ge [sflag:s25], $0x2000  }
0x27: {  	s18 =	sand.u32 $0x70, s2;
	s4 =	sand.u32 $0x1E00, s2;
	[sflag:s25] =	ssyncset.done $0x0  }
0x28: {  	s0 =	sor.u32 s18, s4;
	[sflag:s25] =	ssyncadd.s32 $0xFFFFE000  }
0x29: {  	v5 =	vld [tilespmem:s0+$0x4180]  }
0x2a: {  	v6 =	vld [tilespmem:s0+$0x180]  }
0x2b: {  	v7 =	vld [tilespmem:s0+$0x4000]  }
0x2c: {  	v8 =	vld [tilespmem:s0+$0x4080]  }
0x2d: {  	v9 =	vld [tilespmem:s0+$0x4100]  }
0x2e: {  	v11 =	vld [tilespmem:s0+$0x80]  }
0x2f: {  	v10 =	vld [tilespmem:s0+$0x0];
	_ =	sdelay $0x1  }
0x30: {  	s4 =	simm.s32 $0x10;
	s18 =	simm.s32 $0x40;
	vm7 =	veq.f32 v5, $0.0e+00  }
0x31: {  	s4 =	sand.u32 $0x70, s4;
	v5 =	vimm.f32 $-3.000000010e+38;
	vm8 =	veq.f32 v8, $0.0e+00;
	v15 =	vnsel vm7, $0xC2480000, v6;
	v6 =	vld [tilespmem:s0+$0x100];
	s0 =	sand.u32 $0x1E00, s18  }
0x32: {  	vm9 =	veq.f32 v9, $0.0e+00;
	vm7 =	veq.f32 v7, $0.0e+00;
	v9 =	vnsel vm8, $0xC2480000, v11;
	s4 =	sor.u32 s4, s0  }
0x33: {  	v16 =	vmin.f32 v5, v15;
	v8 =	vnsel vm7, $0xC2480000, v10;
	v11 =	vmin.f32 v5, v9;
	v12 =	vld [tilespmem:s4+$0x4180]  }
0x34: {  	v15 =	vmax.f32 v5, v15;
	v7 =	vmin.f32 v5, v16;
	v17 =	vld [tilespmem:s4+$0x180];
	v10 =	vmin.f32 v5, v8  }
0x35: {  	v18 =	vld [tilespmem:s4+$0x4000];
	v28 =	vmin.f32 v5, v11;
	v13 =	vmax.f32 v5, v7;
	v7 =	vmax.f32 v5, v8  }
0x36: {  	v19 =	vld [tilespmem:s4+$0x4080];
	v8 =	vmax.f32 v5, v9;
	v9 =	vmax.f32 v5, v10;
	v21 =	vmin.f32 v5, v10  }
0x37: {  	v22 =	vld [tilespmem:s4+$0x4100];
	v10 =	vmax.f32 v5, v11;
	v11 =	vmax.f32 v5, v21;
	v6 =	vnsel vm9, $0xC2480000, v6  }
0x38: {  	v23 =	vld [tilespmem:s4+$0x0];
	v14 =	vmax.f32 v5, v6;
	v20 =	vmin.f32 v5, v6;
	vm7 =	veq.f32 v12, $0.0e+00  }
0x39: {  	v24 =	vld [tilespmem:s4+$0x80];
	v6 =	vmax.f32 v5, v20;
	v25 =	vmin.f32 v5, v20;
	v12 =	vnsel vm7, $0xC2480000, v17  }
0x3a: {  	s18 =	simm.s32 $0x20;
	s0 =	simm.s32 $0x80;
	v26 =	vld [tilespmem:s4+$0x100];
	v21 =	vmovc v9;
	vm7 =	veq.f32 v18, $0.0e+00;
	v18 =	vmax.f32 v5, v16;
	v17 =	vmin.f32 v15, v12  }
0x3b: {  	s30 =	sand.u32 $0x70, s18;
	s18 =	simm.s32 $0x30;
	s4 =	sand.u32 $0x1E00, s0;
	vm8 =	veq.f32 v19, $0.0e+00;
	v16 =	vmax.f32 v5, v28;
	v19 =	vmovc v6;
	v20 =	vmovc v10;
	v27 =	vmin.f32 v18, v17  }
.LBB2_2:
0x3c: {  	p0 =	sne.s32 s18, $0x7F0;
	s4 =	sor.u32 s30, s4;
	vm9 =	veq.f32 v22, $0.0e+00;
	v13 =	vmax.f32 v13, v27;
	v5 =	vmax.f32 v5, v25  }
0x3d: {  	v25 =	vld [tilespmem:s4+$0x4180];
	v22 =	vnsel vm7, $0xC2480000, v23  }
0x3e: {  	v27 =	vld [tilespmem:s4+$0x180];
	v23 =	vmin.f32 v7, v22;
	v7 =	vmax.f32 v7, v22;
	v22 =	vnsel vm8, $0xC2480000, v24  }
0x3f: {  	v28 =	vld [tilespmem:s4+$0x4000];
	v24 =	vmin.f32 v8, v22;
	v8 =	vmax.f32 v8, v22;
	v22 =	vnsel vm9, $0xC2480000, v26  }
0x40: {  	v9 =	vmax.f32 v9, v23;
	v29 =	vld [tilespmem:s4+$0x4080];
	v26 =	vmin.f32 v14, v22;
	v14 =	vmax.f32 v14, v22  }
.Ltmp0:
0x41: {  	v30 =	vmin.f32 v21, v23;
	v10 =	vmax.f32 v10, v24;
	v21 =	vmovc v9;
	v22 =	vld [tilespmem:s4+$0x4100];
	v6 =	vmax.f32 v6, v26;
	(pc) =	sbr.rel @p0 .LBB2_2-.Ltmp0, $4  }
0x42: {  	v31 =	vmin.f32 v20, v24;
	v20 =	vmovc v10;
	v23 =	vld [tilespmem:s4+$0x0];
	vm7 =	veq.f32 v25, $0.0e+00;
	v25 =	vmin.f32 v19, v26;
	v19 =	vmovc v6  }
0x43: {  	v15 =	vmax.f32 v15, v12;
	v11 =	vmax.f32 v11, v30;
	v24 =	vld [tilespmem:s4+$0x80];
	v12 =	vnsel vm7, $0xC2480000, v27  }
0x44: {  	s0 =	sadd.s32 $0x40, s0;
	v18 =	vmax.f32 v18, v17;
	vm7 =	veq.f32 v28, $0.0e+00;
	v26 =	vld [tilespmem:s4+$0x100];
	v17 =	vmin.f32 v15, v12  }
0x45: {  	s30 =	sand.u32 $0x70, s18;
	s18 =	sadd.s32 $0x10, s18;
	v16 =	vmax.f32 v16, v31;
	s4 =	sand.u32 $0x1E00, s0;
	vm8 =	veq.f32 v29, $0.0e+00;
	v27 =	vmin.f32 v18, v17  }
0x46: {  	s0 =	sor.u32 s30, s4  }
0x47: {  	v28 =	vld [tilespmem:s0+$0x4180]  }
0x48: {  	v29 =	vld [tilespmem:s0+$0x180]  }
0x49: {  	v30 =	vld [tilespmem:s0+$0x4000]  }
0x4a: {  	v31 =	vld [tilespmem:s0+$0x4080]  }
0x4b: {  	v32 =	vld [tilespmem:s0+$0x4100]  }
0x4c: {  	v33 =	vld [tilespmem:s0+$0x0]  }
0x4d: {  	s4 =	simm.s32 $0x0;
	v34 =	vld [tilespmem:s0+$0x80]  }
0x4e: {  	v13 =	vmax.f32 v13, v27;
	v5 =	vmax.f32 v5, v25;
	v12 =	vmax.f32 v15, v12;
	v35 =	vld [tilespmem:s0+$0x100];
	[tilespmem:s4], [sflag:$0x1] =	stream.strided.gather [hbm4b:s7+s19], $0x2000, s20, s19, $0x38  }
0x4f: {  	v15 =	vmax.f32 v18, v17;
	v23 =	vnsel vm7, $0xC2480000, v23;
	vm7 =	veq.f32 v22, $0.0e+00  }
0x50: {  	v22 =	vnsel vm8, $0xC2480000, v24;
	v24 =	vmax.f32 v7, v23;
	v7 =	vmin.f32 v7, v23;
	[tilespmem:s21], [sflag:$0x3] =	stream.strided.gather [hbm4b:s8+s19], $0x2000, s20, s19, $0x38;
	[tilespmem:$0x8400] =	vst v63  }
0x51: {  	v23 =	vnsel vm7, $0xC2480000, v26;
	v25 =	vmax.f32 v8, v22;
	v8 =	vmin.f32 v8, v22;
	_ =	swait.ge [sflag:s26], $0x2000  }
0x52: {  	v9 =	vmax.f32 v9, v7;
	v7 =	vmin.f32 v21, v7;
	v22 =	vmax.f32 v14, v23;
	[sflag:s26] =	ssyncset.done $0x0  }
0x53: {  	v14 =	vmin.f32 v14, v23;
	v10 =	vmax.f32 v10, v8;
	v8 =	vmin.f32 v20, v8;
	[sflag:s26] =	ssyncadd.s32 $0xFFFFE000  }
0x54: {  	v7 =	vmax.f32 v11, v7;
	v6 =	vmax.f32 v6, v14;
	v14 =	vmin.f32 v19, v14;
	_ =	swait.ge [sflag:s28], $0x2000  }
0x55: {  	s18 =	sand.u32 $0x70, s4;
	s0 =	sand.u32 $0x1E00, s4;
	v8 =	vmax.f32 v16, v8;
	vm7 =	veq.f32 v28, $0.0e+00;
	vm8 =	veq.f32 v31, $0.0e+00;
	[sflag:s28] =	ssyncset.done $0x0  }
0x56: {  	s0 =	sor.u32 s18, s0;
	vm9 =	veq.f32 v32, $0.0e+00;
	v19 =	vnsel vm7, $0xC2480000, v29;
	vm7 =	veq.f32 v30, $0.0e+00;
	[sflag:s28] =	ssyncadd.s32 $0xFFFFE000  }
0x57: {  	v5 =	vmax.f32 v5, v14;
	v11 =	vmin.f32 v12, v19;
	v14 =	vnsel vm7, $0xC2480000, v33;
	v16 =	vld [tilespmem:s0+$0x6180]  }
0x58: {  	v17 =	vmin.f32 v15, v11;
	v20 =	vmax.f32 v24, v14;
	v14 =	vmin.f32 v24, v14;
	v18 =	vld [tilespmem:s0+$0x2180]  }
0x59: {  	v24 =	vnsel vm9, $0xC2480000, v35;
	v13 =	vmax.f32 v13, v17;
	v17 =	vnsel vm8, $0xC2480000, v34;
	v23 =	vld [tilespmem:s0+$0x6000]  }
0x5a: {  	v26 =	vld [tilespmem:s0+$0x6080];
	v27 =	vmax.f32 v22, v24;
	v21 =	vmax.f32 v25, v17  }
0x5b: {  	v17 =	vmin.f32 v25, v17;
	v25 =	vmax.f32 v9, v14;
	v9 =	vmin.f32 v9, v14;
	v14 =	vld [tilespmem:s0+$0x6100]  }
0x5c: {  	v22 =	vmin.f32 v22, v24;
	v24 =	vmax.f32 v10, v17;
	v10 =	vmin.f32 v10, v17;
	v17 =	vld [tilespmem:s0+$0x2000]  }
0x5d: {  	v28 =	vmax.f32 v6, v22;
	v6 =	vmin.f32 v6, v22;
	v7 =	vmax.f32 v7, v9;
	v9 =	vld [tilespmem:s0+$0x2080]  }
0x5e: {  	v5 =	vmax.f32 v5, v6;
	vm7 =	veq.f32 v16, $0.0e+00  }
0x5f: {  	s4 =	simm.s32 $0x10;
	s18 =	simm.s32 $0x40;
	v16 =	vmax.f32 v12, v19;
	v19 =	vmax.f32 v15, v11;
	v11 =	vld [tilespmem:s0+$0x2100];
	v18 =	vnsel vm7, $0xC2480000, v18  }
0x60: {  	s4 =	sand.u32 $0x70, s4;
	v29 =	vmax.f32 v8, v10;
	s0 =	sand.u32 $0x1E00, s18;
	vm8 =	veq.f32 v26, $0.0e+00;
	v63 =	vmin.f32 v16, v18  }
0x61: {  	vm7 =	veq.f32 v23, $0.0e+00;
	s4 =	sor.u32 s4, s0;
	vm9 =	veq.f32 v14, $0.0e+00;
	v6 =	vmin.f32 v19, v63  }
0x62: {  	v12 =	vld [tilespmem:s4+$0x6180];
	v10 =	vnsel vm8, $0xC2480000, v9;
	v14 =	vmax.f32 v13, v6;
	v6 =	vnsel vm7, $0xC2480000, v17  }
0x63: {  	v9 =	vmax.f32 v21, v10;
	v13 =	vld [tilespmem:s4+$0x2180];
	v8 =	vmax.f32 v20, v6  }
0x64: {  	v17 =	vld [tilespmem:s4+$0x6000];
	v6 =	vmin.f32 v20, v6;
	v20 =	vmin.f32 v21, v10;
	v11 =	vnsel vm9, $0xC2480000, v11  }
0x65: {  	v21 =	vld [tilespmem:s4+$0x6080];
	v10 =	vmax.f32 v25, v6;
	v15 =	vmax.f32 v27, v11;
	v23 =	vmin.f32 v27, v11  }
0x66: {  	v22 =	vld [tilespmem:s4+$0x6100];
	v26 =	vmin.f32 v25, v6;
	v11 =	vmax.f32 v24, v20;
	v20 =	vmin.f32 v24, v20  }
0x67: {  	v6 =	vmax.f32 v28, v23;
	vm7 =	veq.f32 v12, $0.0e+00;
	v25 =	vmin.f32 v28, v23;
	v23 =	vld [tilespmem:s4+$0x2000]  }
0x68: {  	v16 =	vmax.f32 v16, v18;
	v18 =	vmax.f32 v19, v63;
	v24 =	vld [tilespmem:s4+$0x2080];
	v12 =	vnsel vm7, $0xC2480000, v13  }
0x69: {  	s18 =	simm.s32 $0x20;
	s0 =	simm.s32 $0x80;
	v7 =	vmax.f32 v7, v26;
	v26 =	vld [tilespmem:s4+$0x2100];
	v19 =	vmovc v6;
	vm7 =	veq.f32 v17, $0.0e+00;
	v17 =	vmin.f32 v16, v12  }
0x6a: {  	s30 =	sand.u32 $0x70, s18;
	s18 =	simm.s32 $0x30;
	s4 =	sand.u32 $0x1E00, s0;
	v13 =	vmax.f32 v29, v20;
	v20 =	vmovc v11;
	vm8 =	veq.f32 v21, $0.0e+00;
	v21 =	vmovc v10;
	v27 =	vmin.f32 v18, v17  }
.LBB2_4:
0x6b: {  	p0 =	sne.s32 s18, $0x7F0;
	s4 =	sor.u32 s30, s4;
	vm9 =	veq.f32 v22, $0.0e+00;
	v14 =	vmax.f32 v14, v27;
	v5 =	vmax.f32 v5, v25  }
0x6c: {  	v25 =	vld [tilespmem:s4+$0x6180];
	v22 =	vnsel vm7, $0xC2480000, v23  }
0x6d: {  	v27 =	vld [tilespmem:s4+$0x2180];
	v23 =	vmin.f32 v8, v22;
	v8 =	vmax.f32 v8, v22;
	v22 =	vnsel vm8, $0xC2480000, v24  }
0x6e: {  	v28 =	vld [tilespmem:s4+$0x6000];
	v24 =	vmin.f32 v9, v22;
	v9 =	vmax.f32 v9, v22;
	v22 =	vnsel vm9, $0xC2480000, v26  }
0x6f: {  	v10 =	vmax.f32 v10, v23;
	v29 =	vld [tilespmem:s4+$0x6080];
	v26 =	vmin.f32 v15, v22;
	v15 =	vmax.f32 v15, v22  }
.Ltmp1:
0x70: {  	v30 =	vmin.f32 v21, v23;
	v11 =	vmax.f32 v11, v24;
	v21 =	vmovc v10;
	v22 =	vld [tilespmem:s4+$0x6100];
	v6 =	vmax.f32 v6, v26;
	(pc) =	sbr.rel @p0 .LBB2_4-.Ltmp1, $4  }
0x71: {  	v31 =	vmin.f32 v20, v24;
	v20 =	vmovc v11;
	v23 =	vld [tilespmem:s4+$0x2000];
	vm7 =	veq.f32 v25, $0.0e+00;
	v25 =	vmin.f32 v19, v26;
	v19 =	vmovc v6  }
0x72: {  	v16 =	vmax.f32 v16, v12;
	v7 =	vmax.f32 v7, v30;
	v24 =	vld [tilespmem:s4+$0x2080];
	v12 =	vnsel vm7, $0xC2480000, v27  }
0x73: {  	s0 =	sadd.s32 $0x40, s0;
	v18 =	vmax.f32 v18, v17;
	vm7 =	veq.f32 v28, $0.0e+00;
	v26 =	vld [tilespmem:s4+$0x2100];
	v17 =	vmin.f32 v16, v12  }
0x74: {  	s30 =	sand.u32 $0x70, s18;
	s18 =	sadd.s32 $0x10, s18;
	v13 =	vmax.f32 v13, v31;
	s4 =	sand.u32 $0x1E00, s0;
	vm8 =	veq.f32 v29, $0.0e+00;
	v27 =	vmin.f32 v18, v17  }
0x75: {  	s0 =	sor.u32 s30, s4  }
0x76: {  	v28 =	vld [tilespmem:s0+$0x6180]  }
0x77: {  	v29 =	vld [tilespmem:s0+$0x2180]  }
0x78: {  	v30 =	vld [tilespmem:s0+$0x6000]  }
0x79: {  	v31 =	vld [tilespmem:s0+$0x6080]  }
0x7a: {  	v32 =	vld [tilespmem:s0+$0x6100]  }
0x7b: {  	v33 =	vld [tilespmem:s0+$0x2000]  }
0x7c: {  	v34 =	vld [tilespmem:s0+$0x2080]  }
0x7d: {  	v14 =	vmax.f32 v14, v27;
	v35 =	vld [tilespmem:s0+$0x2100];
	[tilespmem:s22], [sflag:$0x2] =	stream.strided.gather [hbm4b:s9+s19], $0x2000, s20, s19, $0x38  }
0x7e: {  	v5 =	vmax.f32 v5, v25;
	v12 =	vmax.f32 v16, v12;
	v23 =	vnsel vm7, $0xC2480000, v23  }
0x7f: {  	vm7 =	veq.f32 v22, $0.0e+00;
	v22 =	vnsel vm8, $0xC2480000, v24;
	v24 =	vmax.f32 v8, v23;
	[tilespmem:s23], [sflag:$0x4] =	stream.strided.gather [hbm4b:s10+s19], $0x2000, s20, s19, $0x38;
	[tilespmem:$0x8400] =	vst v63  }
0x80: {  	v8 =	vmin.f32 v8, v23;
	v23 =	vnsel vm7, $0xC2480000, v26;
	v25 =	vmax.f32 v9, v22;
	_ =	swait.ge [sflag:s24], $0x2000  }
0x81: {  	v9 =	vmin.f32 v9, v22;
	v10 =	vmax.f32 v10, v8;
	v8 =	vmin.f32 v21, v8;
	[sflag:s24] =	ssyncset.done $0x0  }
0x82: {  	v22 =	vmax.f32 v15, v23;
	v15 =	vmin.f32 v15, v23;
	vm7 =	veq.f32 v28, $0.0e+00;
	[sflag:s24] =	ssyncadd.s32 $0xFFFFE000  }
0x83: {  	s4 =	simm.s32 $0x0;
	v6 =	vmax.f32 v6, v15;
	v15 =	vmin.f32 v19, v15;
	v19 =	vnsel vm7, $0xC2480000, v29;
	_ =	swait.ge [sflag:s25], $0x2000  }
0x84: {  	v16 =	vmax.f32 v18, v17;
	s18 =	sand.u32 $0x70, s4;
	s0 =	sand.u32 $0x1E00, s4;
	v7 =	vmax.f32 v7, v8;
	v8 =	vmin.f32 v12, v19;
	[sflag:s25] =	ssyncset.done $0x0  }
0x85: {  	s0 =	sor.u32 s18, s0;
	v11 =	vmax.f32 v11, v9;
	v9 =	vmin.f32 v20, v9;
	v17 =	vmin.f32 v16, v8;
	[sflag:s25] =	ssyncadd.s32 $0xFFFFE000  }
0x86: {  	v9 =	vmax.f32 v13, v9;
	vm7 =	veq.f32 v30, $0.0e+00;
	v13 =	vmax.f32 v14, v17;
	v14 =	vld [tilespmem:s0+$0x4180]  }
0x87: {  	vm8 =	veq.f32 v31, $0.0e+00;
	v5 =	vmax.f32 v5, v15;
	v15 =	vnsel vm7, $0xC2480000, v33;
	v18 =	vld [tilespmem:s0+$0x180]  }
0x88: {  	vm9 =	veq.f32 v32, $0.0e+00;
	v20 =	vmax.f32 v24, v15;
	v17 =	vnsel vm8, $0xC2480000, v34;
	v23 =	vld [tilespmem:s0+$0x4000]  }
0x89: {  	v15 =	vmin.f32 v24, v15;
	v24 =	vnsel vm9, $0xC2480000, v35;
	v26 =	vld [tilespmem:s0+$0x4080];
	v21 =	vmax.f32 v25, v17  }
0x8a: {  	v17 =	vmin.f32 v25, v17;
	v25 =	vmax.f32 v10, v15;
	v10 =	vmin.f32 v10, v15;
	v15 =	vld [tilespmem:s0+$0x4100]  }
0x8b: {  	v27 =	vmax.f32 v22, v24;
	v22 =	vmin.f32 v22, v24;
	v29 =	vmax.f32 v7, v10;
	v10 =	vld [tilespmem:s0+$0x80]  }
0x8c: {  	s4 =	simm.s32 $0x10;
	s18 =	simm.s32 $0x40;
	v19 =	vmax.f32 v12, v19;
	v16 =	vmax.f32 v16, v8;
	v12 =	vld [tilespmem:s0+$0x100];
	v28 =	vmax.f32 v6, v22  }
0x8d: {  	s4 =	sand.u32 $0x70, s4;
	v6 =	vmin.f32 v6, v22;
	v24 =	vmax.f32 v11, v17;
	v11 =	vmin.f32 v11, v17;
	v17 =	vld [tilespmem:s0+$0x0];
	s0 =	sand.u32 $0x1E00, s18  }
0x8e: {  	v5 =	vmax.f32 v5, v6;
	v62 =	vmax.f32 v9, v11;
	s4 =	sor.u32 s4, s0;
	vm7 =	veq.f32 v14, $0.0e+00  }
0x8f: {  	v11 =	vld [tilespmem:s4+$0x4180];
	vm8 =	veq.f32 v26, $0.0e+00;
	v18 =	vnsel vm7, $0xC2480000, v18;
	vm7 =	veq.f32 v23, $0.0e+00  }
0x90: {  	vm9 =	veq.f32 v15, $0.0e+00;
	v63 =	vmin.f32 v19, v18;
	v9 =	vnsel vm8, $0xC2480000, v10  }
0x91: {  	v15 =	vld [tilespmem:s4+$0x180];
	v10 =	vnsel vm9, $0xC2480000, v12;
	v6 =	vmin.f32 v16, v63;
	v8 =	vmax.f32 v21, v9  }
0x92: {  	v14 =	vmax.f32 v27, v10;
	v13 =	vmax.f32 v13, v6;
	v6 =	vnsel vm7, $0xC2480000, v17  }
0x93: {  	v12 =	vmin.f32 v27, v10;
	v17 =	vld [tilespmem:s4+$0x4000];
	v7 =	vmax.f32 v20, v6;
	v6 =	vmin.f32 v20, v6  }
0x94: {  	vm7 =	veq.f32 v11, $0.0e+00;
	v20 =	vmin.f32 v21, v9;
	v21 =	vld [tilespmem:s4+$0x4080];
	v9 =	vmax.f32 v25, v6  }
0x95: {  	v22 =	vld [tilespmem:s4+$0x4100];
	v26 =	vmin.f32 v25, v6;
	v10 =	vmax.f32 v24, v20;
	v6 =	vmax.f32 v28, v12  }
0x96: {  	v23 =	vld [tilespmem:s4+$0x0];
	v20 =	vmin.f32 v24, v20;
	v25 =	vmin.f32 v28, v12;
	v12 =	vnsel vm7, $0xC2480000, v15  }
0x97: {  	v15 =	vmax.f32 v19, v18;
	v24 =	vld [tilespmem:s4+$0x80];
	v18 =	vmax.f32 v16, v63;
	v11 =	vmax.f32 v29, v26  }
0x98: {  	s18 =	simm.s32 $0x20;
	s0 =	simm.s32 $0x80;
	v26 =	vld [tilespmem:s4+$0x100];
	v16 =	vmax.f32 v62, v20;
	vm7 =	veq.f32 v17, $0.0e+00;
	v17 =	vmin.f32 v15, v12  }
0x99: {  	s30 =	sand.u32 $0x70, s18;
	s18 =	simm.s32 $0x30;
	s4 =	sand.u32 $0x1E00, s0;
	v19 =	vmovc v6;
	v20 =	vmovc v10;
	vm8 =	veq.f32 v21, $0.0e+00;
	v27 =	vmin.f32 v18, v17;
	v21 =	vmov v9  }
.LBB2_6:
0x9a: {  	p0 =	sne.s32 s18, $0x7F0;
	s4 =	sor.u32 s30, s4;
	vm9 =	veq.f32 v22, $0.0e+00;
	v13 =	vmax.f32 v13, v27;
	v5 =	vmax.f32 v5, v25  }
0x9b: {  	v25 =	vld [tilespmem:s4+$0x4180];
	v22 =	vnsel vm7, $0xC2480000, v23  }
0x9c: {  	v27 =	vld [tilespmem:s4+$0x180];
	v23 =	vmin.f32 v7, v22;
	v7 =	vmax.f32 v7, v22;
	v22 =	vnsel vm8, $0xC2480000, v24  }
0x9d: {  	v28 =	vld [tilespmem:s4+$0x4000];
	v24 =	vmin.f32 v8, v22;
	v8 =	vmax.f32 v8, v22;
	v22 =	vnsel vm9, $0xC2480000, v26  }
0x9e: {  	v9 =	vmax.f32 v9, v23;
	v29 =	vld [tilespmem:s4+$0x4080];
	v26 =	vmin.f32 v14, v22;
	v14 =	vmax.f32 v14, v22  }
.Ltmp2:
0x9f: {  	v30 =	vmin.f32 v21, v23;
	v10 =	vmax.f32 v10, v24;
	v21 =	vmovc v9;
	v22 =	vld [tilespmem:s4+$0x4100];
	v6 =	vmax.f32 v6, v26;
	(pc) =	sbr.rel @p0 .LBB2_6-.Ltmp2, $4  }
0xa0: {  	v31 =	vmin.f32 v20, v24;
	v20 =	vmovc v10;
	v23 =	vld [tilespmem:s4+$0x0];
	vm7 =	veq.f32 v25, $0.0e+00;
	v25 =	vmin.f32 v19, v26;
	v19 =	vmovc v6  }
0xa1: {  	v15 =	vmax.f32 v15, v12;
	v11 =	vmax.f32 v11, v30;
	v24 =	vld [tilespmem:s4+$0x80];
	v12 =	vnsel vm7, $0xC2480000, v27  }
0xa2: {  	s0 =	sadd.s32 $0x40, s0;
	v18 =	vmax.f32 v18, v17;
	vm7 =	veq.f32 v28, $0.0e+00;
	v26 =	vld [tilespmem:s4+$0x100];
	v17 =	vmin.f32 v15, v12  }
0xa3: {  	s30 =	sand.u32 $0x70, s18;
	s18 =	sadd.s32 $0x10, s18;
	v16 =	vmax.f32 v16, v31;
	s4 =	sand.u32 $0x1E00, s0;
	vm8 =	veq.f32 v29, $0.0e+00;
	v27 =	vmin.f32 v18, v17  }
0xa4: {  	s0 =	sor.u32 s30, s4  }
0xa5: {  	v28 =	vld [tilespmem:s0+$0x4180]  }
0xa6: {  	v29 =	vld [tilespmem:s0+$0x180]  }
0xa7: {  	v30 =	vld [tilespmem:s0+$0x4000]  }
0xa8: {  	v31 =	vld [tilespmem:s0+$0x4080]  }
0xa9: {  	v32 =	vld [tilespmem:s0+$0x4100]  }
0xaa: {  	v33 =	vld [tilespmem:s0+$0x0]  }
0xab: {  	s4 =	simm.s32 $0x0;
	v34 =	vld [tilespmem:s0+$0x80]  }
0xac: {  	v13 =	vmax.f32 v13, v27;
	v5 =	vmax.f32 v5, v25;
	v12 =	vmax.f32 v15, v12;
	v35 =	vld [tilespmem:s0+$0x100];
	[tilespmem:s4], [sflag:$0x1] =	stream.strided.gather [hbm4b:s11+s19], $0x2000, s20, s19, $0x38  }
0xad: {  	v15 =	vmax.f32 v18, v17;
	v23 =	vnsel vm7, $0xC2480000, v23;
	vm7 =	veq.f32 v22, $0.0e+00  }
0xae: {  	v22 =	vnsel vm8, $0xC2480000, v24;
	v24 =	vmax.f32 v7, v23;
	v7 =	vmin.f32 v7, v23;
	[tilespmem:s21], [sflag:$0x3] =	stream.strided.gather [hbm4b:s12+s19], $0x2000, s20, s19, $0x38;
	[tilespmem:$0x8400] =	vst v63  }
0xaf: {  	v23 =	vnsel vm7, $0xC2480000, v26;
	v25 =	vmax.f32 v8, v22;
	v8 =	vmin.f32 v8, v22;
	_ =	swait.ge [sflag:s26], $0x2000  }
0xb0: {  	v9 =	vmax.f32 v9, v7;
	v7 =	vmin.f32 v21, v7;
	v22 =	vmax.f32 v14, v23;
	[sflag:s26] =	ssyncset.done $0x0  }
0xb1: {  	v14 =	vmin.f32 v14, v23;
	v10 =	vmax.f32 v10, v8;
	v8 =	vmin.f32 v20, v8;
	[sflag:s26] =	ssyncadd.s32 $0xFFFFE000  }
0xb2: {  	v7 =	vmax.f32 v11, v7;
	v6 =	vmax.f32 v6, v14;
	v14 =	vmin.f32 v19, v14;
	_ =	swait.ge [sflag:s28], $0x2000  }
0xb3: {  	s18 =	sand.u32 $0x70, s4;
	s0 =	sand.u32 $0x1E00, s4;
	v8 =	vmax.f32 v16, v8;
	vm7 =	veq.f32 v28, $0.0e+00;
	vm8 =	veq.f32 v31, $0.0e+00;
	[sflag:s28] =	ssyncset.done $0x0  }
0xb4: {  	s0 =	sor.u32 s18, s0;
	vm9 =	veq.f32 v32, $0.0e+00;
	v19 =	vnsel vm7, $0xC2480000, v29;
	vm7 =	veq.f32 v30, $0.0e+00;
	[sflag:s28] =	ssyncadd.s32 $0xFFFFE000  }
0xb5: {  	v5 =	vmax.f32 v5, v14;
	v11 =	vmin.f32 v12, v19;
	v14 =	vnsel vm7, $0xC2480000, v33;
	v16 =	vld [tilespmem:s0+$0x6180]  }
0xb6: {  	v17 =	vmin.f32 v15, v11;
	v20 =	vmax.f32 v24, v14;
	v14 =	vmin.f32 v24, v14;
	v18 =	vld [tilespmem:s0+$0x2180]  }
0xb7: {  	v24 =	vnsel vm9, $0xC2480000, v35;
	v13 =	vmax.f32 v13, v17;
	v17 =	vnsel vm8, $0xC2480000, v34;
	v23 =	vld [tilespmem:s0+$0x6000]  }
0xb8: {  	v26 =	vld [tilespmem:s0+$0x6080];
	v27 =	vmax.f32 v22, v24;
	v21 =	vmax.f32 v25, v17  }
0xb9: {  	v17 =	vmin.f32 v25, v17;
	v25 =	vmax.f32 v9, v14;
	v9 =	vmin.f32 v9, v14;
	v14 =	vld [tilespmem:s0+$0x6100]  }
0xba: {  	v22 =	vmin.f32 v22, v24;
	v24 =	vmax.f32 v10, v17;
	v10 =	vmin.f32 v10, v17;
	v17 =	vld [tilespmem:s0+$0x2000]  }
0xbb: {  	v28 =	vmax.f32 v6, v22;
	v6 =	vmin.f32 v6, v22;
	v7 =	vmax.f32 v7, v9;
	v9 =	vld [tilespmem:s0+$0x2080]  }
0xbc: {  	v5 =	vmax.f32 v5, v6;
	vm7 =	veq.f32 v16, $0.0e+00  }
0xbd: {  	s4 =	simm.s32 $0x10;
	s18 =	simm.s32 $0x40;
	v16 =	vmax.f32 v12, v19;
	v19 =	vmax.f32 v15, v11;
	v11 =	vld [tilespmem:s0+$0x2100];
	v18 =	vnsel vm7, $0xC2480000, v18  }
0xbe: {  	s4 =	sand.u32 $0x70, s4;
	v29 =	vmax.f32 v8, v10;
	s0 =	sand.u32 $0x1E00, s18;
	vm8 =	veq.f32 v26, $0.0e+00;
	v63 =	vmin.f32 v16, v18  }
0xbf: {  	vm7 =	veq.f32 v23, $0.0e+00;
	s4 =	sor.u32 s4, s0;
	vm9 =	veq.f32 v14, $0.0e+00;
	v6 =	vmin.f32 v19, v63  }
0xc0: {  	v12 =	vld [tilespmem:s4+$0x6180];
	v10 =	vnsel vm8, $0xC2480000, v9;
	v14 =	vmax.f32 v13, v6;
	v6 =	vnsel vm7, $0xC2480000, v17  }
0xc1: {  	v9 =	vmax.f32 v21, v10;
	v13 =	vld [tilespmem:s4+$0x2180];
	v8 =	vmax.f32 v20, v6  }
0xc2: {  	v17 =	vld [tilespmem:s4+$0x6000];
	v6 =	vmin.f32 v20, v6;
	v20 =	vmin.f32 v21, v10;
	v11 =	vnsel vm9, $0xC2480000, v11  }
0xc3: {  	v21 =	vld [tilespmem:s4+$0x6080];
	v10 =	vmax.f32 v25, v6;
	v15 =	vmax.f32 v27, v11;
	v23 =	vmin.f32 v27, v11  }
0xc4: {  	v22 =	vld [tilespmem:s4+$0x6100];
	v26 =	vmin.f32 v25, v6;
	v11 =	vmax.f32 v24, v20;
	v20 =	vmin.f32 v24, v20  }
0xc5: {  	v6 =	vmax.f32 v28, v23;
	vm7 =	veq.f32 v12, $0.0e+00;
	v25 =	vmin.f32 v28, v23;
	v23 =	vld [tilespmem:s4+$0x2000]  }
0xc6: {  	v16 =	vmax.f32 v16, v18;
	v18 =	vmax.f32 v19, v63;
	v24 =	vld [tilespmem:s4+$0x2080];
	v12 =	vnsel vm7, $0xC2480000, v13  }
0xc7: {  	s18 =	simm.s32 $0x20;
	s0 =	simm.s32 $0x80;
	v7 =	vmax.f32 v7, v26;
	v26 =	vld [tilespmem:s4+$0x2100];
	v19 =	vmovc v6;
	vm7 =	veq.f32 v17, $0.0e+00;
	v17 =	vmin.f32 v16, v12  }
0xc8: {  	s30 =	sand.u32 $0x70, s18;
	s18 =	simm.s32 $0x30;
	s4 =	sand.u32 $0x1E00, s0;
	v13 =	vmax.f32 v29, v20;
	v20 =	vmovc v11;
	vm8 =	veq.f32 v21, $0.0e+00;
	v21 =	vmovc v10;
	v27 =	vmin.f32 v18, v17  }
.LBB2_8:
0xc9: {  	p0 =	sne.s32 s18, $0x7F0;
	s4 =	sor.u32 s30, s4;
	vm9 =	veq.f32 v22, $0.0e+00;
	v14 =	vmax.f32 v14, v27;
	v5 =	vmax.f32 v5, v25  }
0xca: {  	v25 =	vld [tilespmem:s4+$0x6180];
	v22 =	vnsel vm7, $0xC2480000, v23  }
0xcb: {  	v27 =	vld [tilespmem:s4+$0x2180];
	v23 =	vmin.f32 v8, v22;
	v8 =	vmax.f32 v8, v22;
	v22 =	vnsel vm8, $0xC2480000, v24  }
0xcc: {  	v28 =	vld [tilespmem:s4+$0x6000];
	v24 =	vmin.f32 v9, v22;
	v9 =	vmax.f32 v9, v22;
	v22 =	vnsel vm9, $0xC2480000, v26  }
0xcd: {  	v10 =	vmax.f32 v10, v23;
	v29 =	vld [tilespmem:s4+$0x6080];
	v26 =	vmin.f32 v15, v22;
	v15 =	vmax.f32 v15, v22  }
.Ltmp3:
0xce: {  	v30 =	vmin.f32 v21, v23;
	v11 =	vmax.f32 v11, v24;
	v21 =	vmovc v10;
	v22 =	vld [tilespmem:s4+$0x6100];
	v6 =	vmax.f32 v6, v26;
	(pc) =	sbr.rel @p0 .LBB2_8-.Ltmp3, $4  }
0xcf: {  	v31 =	vmin.f32 v20, v24;
	v20 =	vmovc v11;
	v23 =	vld [tilespmem:s4+$0x2000];
	vm7 =	veq.f32 v25, $0.0e+00;
	v25 =	vmin.f32 v19, v26;
	v19 =	vmovc v6  }
0xd0: {  	v16 =	vmax.f32 v16, v12;
	v7 =	vmax.f32 v7, v30;
	v24 =	vld [tilespmem:s4+$0x2080];
	v12 =	vnsel vm7, $0xC2480000, v27  }
0xd1: {  	s0 =	sadd.s32 $0x40, s0;
	v18 =	vmax.f32 v18, v17;
	vm7 =	veq.f32 v28, $0.0e+00;
	v26 =	vld [tilespmem:s4+$0x2100];
	v17 =	vmin.f32 v16, v12  }
0xd2: {  	s30 =	sand.u32 $0x70, s18;
	s18 =	sadd.s32 $0x10, s18;
	v13 =	vmax.f32 v13, v31;
	s4 =	sand.u32 $0x1E00, s0;
	vm8 =	veq.f32 v29, $0.0e+00;
	v27 =	vmin.f32 v18, v17  }
0xd3: {  	s0 =	sor.u32 s30, s4  }
0xd4: {  	v28 =	vld [tilespmem:s0+$0x6180]  }
0xd5: {  	v29 =	vld [tilespmem:s0+$0x2180]  }
0xd6: {  	v30 =	vld [tilespmem:s0+$0x6000]  }
0xd7: {  	v31 =	vld [tilespmem:s0+$0x6080]  }
0xd8: {  	v32 =	vld [tilespmem:s0+$0x6100]  }
0xd9: {  	v33 =	vld [tilespmem:s0+$0x2000]  }
0xda: {  	v34 =	vld [tilespmem:s0+$0x2080]  }
0xdb: {  	v14 =	vmax.f32 v14, v27;
	v5 =	vmax.f32 v5, v25;
	v12 =	vmax.f32 v16, v12;
	v35 =	vld [tilespmem:s0+$0x2100];
	[tilespmem:s22], [sflag:$0x2] =	stream.strided.gather [hbm4b:s13+s19], $0x2000, s20, s19, $0x38  }
0xdc: {  	v16 =	vmax.f32 v18, v17;
	v23 =	vnsel vm7, $0xC2480000, v23;
	vm7 =	veq.f32 v22, $0.0e+00  }
0xdd: {  	v22 =	vnsel vm8, $0xC2480000, v24;
	v24 =	vmax.f32 v8, v23;
	v8 =	vmin.f32 v8, v23;
	[tilespmem:s23], [sflag:$0x4] =	stream.strided.gather [hbm4b:s14+s19], $0x2000, s20, s19, $0x38;
	[tilespmem:$0x8400] =	vst v63  }
0xde: {  	v23 =	vnsel vm7, $0xC2480000, v26;
	v25 =	vmax.f32 v9, v22;
	v9 =	vmin.f32 v9, v22;
	_ =	swait.ge [sflag:s24], $0x2000  }
0xdf: {  	v10 =	vmax.f32 v10, v8;
	v8 =	vmin.f32 v21, v8;
	v22 =	vmax.f32 v15, v23;
	[sflag:s24] =	ssyncset.done $0x0  }
0xe0: {  	v15 =	vmin.f32 v15, v23;
	v11 =	vmax.f32 v11, v9;
	vm7 =	veq.f32 v28, $0.0e+00;
	[sflag:s24] =	ssyncadd.s32 $0xFFFFE000  }
0xe1: {  	s4 =	simm.s32 $0x0;
	v6 =	vmax.f32 v6, v15;
	v15 =	vmin.f32 v19, v15;
	v19 =	vnsel vm7, $0xC2480000, v29;
	_ =	swait.ge [sflag:s25], $0x2000  }
0xe2: {  	s18 =	sand.u32 $0x70, s4;
	s0 =	sand.u32 $0x1E00, s4;
	v9 =	vmin.f32 v20, v9;
	v7 =	vmax.f32 v7, v8;
	v8 =	vmin.f32 v12, v19;
	[sflag:s25] =	ssyncset.done $0x0  }
0xe3: {  	s0 =	sor.u32 s18, s0;
	v9 =	vmax.f32 v13, v9;
	vm8 =	veq.f32 v31, $0.0e+00;
	v17 =	vmin.f32 v16, v8;
	[sflag:s25] =	ssyncadd.s32 $0xFFFFE000  }
0xe4: {  	vm9 =	veq.f32 v32, $0.0e+00;
	vm7 =	veq.f32 v30, $0.0e+00;
	v13 =	vmax.f32 v14, v17;
	v14 =	vld [tilespmem:s0+$0x4180]  }
0xe5: {  	v5 =	vmax.f32 v5, v15;
	v15 =	vnsel vm7, $0xC2480000, v33;
	v19 =	vmax.f32 v12, v19;
	v18 =	vld [tilespmem:s0+$0x180]  }
0xe6: {  	v20 =	vmax.f32 v24, v15;
	v15 =	vmin.f32 v24, v15;
	v17 =	vnsel vm8, $0xC2480000, v34;
	v23 =	vld [tilespmem:s0+$0x4000]  }
0xe7: {  	v24 =	vnsel vm9, $0xC2480000, v35;
	v62 =	vmax.f32 v16, v8;
	v26 =	vld [tilespmem:s0+$0x4080];
	v21 =	vmax.f32 v25, v17  }
0xe8: {  	v17 =	vmin.f32 v25, v17;
	v25 =	vmax.f32 v10, v15;
	v10 =	vmin.f32 v10, v15;
	v15 =	vld [tilespmem:s0+$0x4100]  }
0xe9: {  	v27 =	vmax.f32 v22, v24;
	v22 =	vmin.f32 v22, v24;
	v7 =	vmax.f32 v7, v10;
	v10 =	vld [tilespmem:s0+$0x80]  }
0xea: {  	v12 =	vld [tilespmem:s0+$0x100];
	v28 =	vmax.f32 v6, v22;
	v6 =	vmin.f32 v6, v22;
	vm7 =	veq.f32 v14, $0.0e+00  }
0xeb: {  	s4 =	simm.s32 $0x10;
	s18 =	simm.s32 $0x40;
	v29 =	vld [tilespmem:s0+$0x0];
	v24 =	vmax.f32 v11, v17;
	v11 =	vmin.f32 v11, v17;
	v16 =	vnsel vm7, $0xC2480000, v18  }
0xec: {  	s4 =	sand.u32 $0x70, s4;
	v5 =	vmax.f32 v5, v6;
	s0 =	sand.u32 $0x1E00, s18;
	v63 =	vmax.f32 v9, v11;
	v18 =	vmin.f32 v19, v16  }
0xed: {  	s4 =	sor.u32 s4, s0;
	vm8 =	veq.f32 v26, $0.0e+00;
	vm7 =	veq.f32 v23, $0.0e+00;
	v6 =	vmin.f32 v62, v18  }
0xee: {  	vm9 =	veq.f32 v15, $0.0e+00;
	v10 =	vnsel vm8, $0xC2480000, v10;
	v17 =	vmax.f32 v13, v6;
	v13 =	vld [tilespmem:s4+$0x4180]  }
0xef: {  	v15 =	vld [tilespmem:s4+$0x180];
	v11 =	vnsel vm9, $0xC2480000, v12;
	v9 =	vmax.f32 v21, v10;
	v21 =	vmin.f32 v21, v10  }
0xf0: {  	v14 =	vmax.f32 v27, v11;
	v12 =	vmin.f32 v27, v11;
	v6 =	vnsel vm7, $0xC2480000, v29;
	v29 =	vld [tilespmem:s4+$0x4080]  }
0xf1: {  	v11 =	vmax.f32 v24, v21;
	v8 =	vmax.f32 v20, v6;
	v6 =	vmin.f32 v20, v6;
	v20 =	vld [tilespmem:s4+$0x4000]  }
0xf2: {  	v22 =	vld [tilespmem:s4+$0x4100];
	v10 =	vmax.f32 v25, v6;
	v25 =	vmin.f32 v25, v6;
	v6 =	vmax.f32 v28, v12  }
0xf3: {  	v23 =	vld [tilespmem:s4+$0x0];
	v7 =	vmax.f32 v7, v25;
	vm7 =	veq.f32 v13, $0.0e+00;
	v13 =	vmin.f32 v24, v21  }
0xf4: {  	v25 =	vld [tilespmem:s4+$0x80];
	v24 =	vmin.f32 v28, v12;
	v12 =	vnsel vm7, $0xC2480000, v15;
	v15 =	vmax.f32 v19, v16  }
0xf5: {  	s18 =	simm.s32 $0x20;
	s0 =	simm.s32 $0x80;
	v26 =	vld [tilespmem:s4+$0x100];
	v18 =	vmax.f32 v62, v18;
	vm8 =	veq.f32 v29, $0.0e+00;
	v21 =	vmovc v10;
	v16 =	vmin.f32 v15, v12  }
0xf6: {  	s30 =	sand.u32 $0x70, s18;
	s18 =	simm.s32 $0x30;
	s4 =	sand.u32 $0x1E00, s0;
	vm7 =	veq.f32 v20, $0.0e+00;
	v13 =	vmax.f32 v63, v13;
	v20 =	vmovc v11;
	v19 =	vmovc v6;
	v27 =	vmin.f32 v18, v16  }
.LBB2_10:
0xf7: {  	p0 =	sne.s32 s18, $0x7F0;
	s4 =	sor.u32 s30, s4;
	vm9 =	veq.f32 v22, $0.0e+00;
	v17 =	vmax.f32 v17, v27;
	v5 =	vmax.f32 v5, v24  }
0xf8: {  	v24 =	vld [tilespmem:s4+$0x4180];
	v22 =	vnsel vm7, $0xC2480000, v23  }
0xf9: {  	v27 =	vld [tilespmem:s4+$0x180];
	v23 =	vmin.f32 v8, v22;
	v8 =	vmax.f32 v8, v22;
	v22 =	vnsel vm8, $0xC2480000, v25  }
0xfa: {  	v28 =	vld [tilespmem:s4+$0x4000];
	v25 =	vmin.f32 v9, v22;
	v9 =	vmax.f32 v9, v22;
	v22 =	vnsel vm9, $0xC2480000, v26  }
0xfb: {  	v10 =	vmax.f32 v10, v23;
	v29 =	vld [tilespmem:s4+$0x4080];
	v26 =	vmin.f32 v14, v22;
	v14 =	vmax.f32 v14, v22  }
.Ltmp4:
0xfc: {  	v30 =	vmin.f32 v21, v23;
	v11 =	vmax.f32 v11, v25;
	v21 =	vmovc v10;
	v22 =	vld [tilespmem:s4+$0x4100];
	v6 =	vmax.f32 v6, v26;
	(pc) =	sbr.rel @p0 .LBB2_10-.Ltmp4, $4  }
0xfd: {  	v31 =	vmin.f32 v20, v25;
	v20 =	vmovc v11;
	v23 =	vld [tilespmem:s4+$0x0];
	vm7 =	veq.f32 v24, $0.0e+00;
	v24 =	vmin.f32 v19, v26;
	v19 =	vmovc v6  }
0xfe: {  	v15 =	vmax.f32 v15, v12;
	v7 =	vmax.f32 v7, v30;
	v25 =	vld [tilespmem:s4+$0x80];
	v12 =	vnsel vm7, $0xC2480000, v27  }
0xff: {  	s0 =	sadd.s32 $0x40, s0;
	v18 =	vmax.f32 v18, v16;
	vm7 =	veq.f32 v28, $0.0e+00;
	v26 =	vld [tilespmem:s4+$0x100];
	v16 =	vmin.f32 v15, v12  }
0x100: {  	s30 =	sand.u32 $0x70, s18;
	s18 =	sadd.s32 $0x10, s18;
	v13 =	vmax.f32 v13, v31;
	s4 =	sand.u32 $0x1E00, s0;
	vm8 =	veq.f32 v29, $0.0e+00;
	v27 =	vmin.f32 v18, v16  }
0x101: {  	s0 =	sor.u32 s30, s4  }
0x102: {  	v28 =	vld [tilespmem:s0+$0x4180]  }
0x103: {  	v29 =	vld [tilespmem:s0+$0x180]  }
0x104: {  	v30 =	vld [tilespmem:s0+$0x4000]  }
0x105: {  	v31 =	vld [tilespmem:s0+$0x4080]  }
0x106: {  	v17 =	vmax.f32 v17, v27;
	v32 =	vld [tilespmem:s0+$0x4100]  }
0x107: {  	vm9 =	veq.f32 v22, $0.0e+00;
	v5 =	vmax.f32 v5, v24;
	v22 =	vnsel vm7, $0xC2480000, v23;
	v23 =	vld [tilespmem:s0+$0x0]  }
0x108: {  	v12 =	vmax.f32 v15, v12;
	v15 =	vmax.f32 v18, v16;
	v27 =	vld [tilespmem:s0+$0x80];
	v25 =	vnsel vm8, $0xC2480000, v25  }
0x109: {  	v33 =	vld [tilespmem:s0+$0x100];
	_ =	swait.ge [sflag:s26], $0x2000;
	v24 =	vmax.f32 v8, v22;
	v8 =	vmin.f32 v8, v22;
	v22 =	vmax.f32 v9, v25  }
0x10a: {  	[sflag:s26] =	ssyncset.done $0x0;
	v26 =	vnsel vm9, $0xC2480000, v26;
	v9 =	vmin.f32 v9, v25;
	v10 =	vmax.f32 v10, v8  }
0x10b: {  	v8 =	vmin.f32 v21, v8;
	[sflag:s26] =	ssyncadd.s32 $0xFFFFE000;
	v25 =	vmax.f32 v14, v26;
	v14 =	vmin.f32 v14, v26  }
0x10c: {  	s4 =	simm.s32 $0x0;
	v11 =	vmax.f32 v11, v9;
	v9 =	vmin.f32 v20, v9;
	_ =	swait.ge [sflag:s28], $0x2000;
	v7 =	vmax.f32 v7, v8  }
0x10d: {  	s18 =	sand.u32 $0x70, s4;
	s0 =	sand.u32 $0x1E00, s4;
	v6 =	vmax.f32 v6, v14;
	v14 =	vmin.f32 v19, v14;
	[sflag:s28] =	ssyncset.done $0x0;
	vm7 =	veq.f32 v28, $0.0e+00  }
0x10e: {  	s0 =	sor.u32 s18, s0;
	v9 =	vmax.f32 v13, v9;
	vm8 =	veq.f32 v31, $0.0e+00;
	[sflag:s28] =	ssyncadd.s32 $0xFFFFE000;
	v19 =	vnsel vm7, $0xC2480000, v29  }
0x10f: {  	vm9 =	veq.f32 v32, $0.0e+00;
	vm7 =	veq.f32 v30, $0.0e+00;
	v18 =	vld [tilespmem:s0+$0x2180];
	v8 =	vmin.f32 v12, v19  }
0x110: {  	v5 =	vmax.f32 v5, v14;
	v26 =	vld [tilespmem:s0+$0x6080];
	v14 =	vnsel vm7, $0xC2480000, v23;
	v16 =	vmin.f32 v15, v8  }
0x111: {  	v20 =	vmax.f32 v24, v14;
	v14 =	vmin.f32 v24, v14;
	v13 =	vmax.f32 v17, v16;
	v16 =	vld [tilespmem:s0+$0x6180]  }
0x112: {  	v23 =	vld [tilespmem:s0+$0x6000];
	v17 =	vnsel vm8, $0xC2480000, v27;
	v24 =	vmax.f32 v10, v14;
	v10 =	vmin.f32 v10, v14  }
0x113: {  	v14 =	vld [tilespmem:s0+$0x6100];
	v21 =	vmax.f32 v22, v17;
	v17 =	vmin.f32 v22, v17;
	v22 =	vnsel vm9, $0xC2480000, v33  }
0x114: {  	v29 =	vmax.f32 v15, v8;
	v7 =	vmax.f32 v7, v10;
	v10 =	vld [tilespmem:s0+$0x2080];
	v27 =	vmax.f32 v25, v22  }
0x115: {  	v22 =	vmin.f32 v25, v22;
	v25 =	vmax.f32 v11, v17;
	v11 =	vmin.f32 v11, v17;
	v17 =	vld [tilespmem:s0+$0x2000]  }
0x116: {  	vm8 =	veq.f32 v26, $0.0e+00;
	v28 =	vmax.f32 v6, v22;
	vm7 =	veq.f32 v16, $0.0e+00  }
0x117: {  	s4 =	simm.s32 $0x10;
	s18 =	simm.s32 $0x40;
	v6 =	vmin.f32 v6, v22;
	v16 =	vmax.f32 v12, v19;
	v12 =	vld [tilespmem:s0+$0x2100];
	v8 =	vnsel vm7, $0xC2480000, v18  }
0x118: {  	s4 =	sand.u32 $0x70, s4;
	v63 =	vmax.f32 v9, v11;
	v6 =	vmax.f32 v5, v6;
	s0 =	sand.u32 $0x1E00, s18;
	v9 =	vmin.f32 v16, v8  }
0x119: {  	vm9 =	veq.f32 v14, $0.0e+00;
	vm7 =	veq.f32 v23, $0.0e+00;
	s4 =	sor.u32 s4, s0;
	v5 =	vmin.f32 v29, v9  }
0x11a: {  	v10 =	vnsel vm8, $0xC2480000, v10;
	v11 =	vld [tilespmem:s4+$0x6180];
	v5 =	vmax.f32 v13, v5;
	v13 =	vnsel vm7, $0xC2480000, v17  }
0x11b: {  	v14 =	vld [tilespmem:s4+$0x2180];
	v9 =	vmax.f32 v29, v9;
	v18 =	vmax.f32 v20, v13;
	v15 =	vmin.f32 v20, v13  }
0x11c: {  	v23 =	vld [tilespmem:s4+$0x6080];
	v20 =	vmax.f32 v21, v10;
	v10 =	vmin.f32 v21, v10;
	v12 =	vnsel vm9, $0xC2480000, v12  }
0x11d: {  	v17 =	vld [tilespmem:s4+$0x6000];
	v26 =	vmax.f32 v24, v15;
	v13 =	vmax.f32 v27, v12;
	v21 =	vmin.f32 v27, v12  }
0x11e: {  	v15 =	vmin.f32 v24, v15;
	v19 =	vmax.f32 v25, v10;
	v24 =	vld [tilespmem:s4+$0x6100];
	v10 =	vmin.f32 v25, v10  }
0x11f: {  	v22 =	vld [tilespmem:s4+$0x2000];
	v12 =	vmax.f32 v28, v21;
	vm7 =	veq.f32 v11, $0.0e+00;
	v11 =	vmin.f32 v28, v21  }
0x120: {  	v27 =	vld [tilespmem:s4+$0x2080];
	v21 =	vmax.f32 v7, v15;
	v15 =	vmax.f32 v16, v8;
	v14 =	vnsel vm7, $0xC2480000, v14  }
0x121: {  	s18 =	simm.s32 $0x20;
	s0 =	simm.s32 $0x80;
	v25 =	vld [tilespmem:s4+$0x2100];
	vm8 =	veq.f32 v23, $0.0e+00;
	v16 =	vmax.f32 v63, v10;
	v8 =	vmin.f32 v15, v14  }
0x122: {  	s30 =	sand.u32 $0x70, s18;
	s18 =	simm.s32 $0x30;
	s4 =	sand.u32 $0x1E00, s0;
	v23 =	vmovc v26;
	vm7 =	veq.f32 v17, $0.0e+00;
	v17 =	vmovc v19;
	v10 =	vmov v12;
	v7 =	vmin.f32 v9, v8  }
.LBB2_12:
0x123: {  	p0 =	sne.s32 s18, $0x7F0;
	s4 =	sor.u32 s30, s4;
	vm9 =	veq.f32 v24, $0.0e+00;
	v5 =	vmax.f32 v5, v7;
	v6 =	vmax.f32 v6, v11  }
0x124: {  	v7 =	vld [tilespmem:s4+$0x6180];
	v11 =	vnsel vm7, $0xC2480000, v22  }
0x125: {  	v28 =	vld [tilespmem:s4+$0x2180];
	v22 =	vmin.f32 v18, v11;
	v18 =	vmax.f32 v18, v11;
	v11 =	vnsel vm8, $0xC2480000, v27  }
0x126: {  	v29 =	vld [tilespmem:s4+$0x6000];
	v27 =	vmin.f32 v20, v11;
	v20 =	vmax.f32 v20, v11;
	v11 =	vnsel vm9, $0xC2480000, v25  }
0x127: {  	v26 =	vmax.f32 v26, v22;
	v30 =	vld [tilespmem:s4+$0x6080];
	v25 =	vmin.f32 v13, v11;
	v13 =	vmax.f32 v13, v11  }
.Ltmp5:
0x128: {  	v31 =	vmin.f32 v23, v22;
	v19 =	vmax.f32 v19, v27;
	v23 =	vmovc v26;
	v24 =	vld [tilespmem:s4+$0x6100];
	v12 =	vmax.f32 v12, v25;
	(pc) =	sbr.rel @p0 .LBB2_12-.Ltmp5, $4  }
0x129: {  	v32 =	vmin.f32 v17, v27;
	v11 =	vmin.f32 v10, v25;
	v17 =	vmovc v19;
	v22 =	vld [tilespmem:s4+$0x2000];
	vm7 =	veq.f32 v7, $0.0e+00;
	v10 =	vmovc v12  }
0x12a: {  	v15 =	vmax.f32 v15, v14;
	v21 =	vmax.f32 v21, v31;
	v27 =	vld [tilespmem:s4+$0x2080];
	v14 =	vnsel vm7, $0xC2480000, v28  }
0x12b: {  	s0 =	sadd.s32 $0x40, s0;
	v9 =	vmax.f32 v9, v8;
	vm7 =	veq.f32 v29, $0.0e+00;
	v25 =	vld [tilespmem:s4+$0x2100];
	v8 =	vmin.f32 v15, v14  }
0x12c: {  	s30 =	sand.u32 $0x70, s18;
	s18 =	sadd.s32 $0x10, s18;
	v16 =	vmax.f32 v16, v32;
	s4 =	sand.u32 $0x1E00, s0;
	vm8 =	veq.f32 v30, $0.0e+00;
	v7 =	vmin.f32 v9, v8  }
0x12d: {  	s0 =	sor.u32 s30, s4  }
0x12e: {  	v28 =	vld [tilespmem:s0+$0x6000]  }
0x12f: {  	v29 =	vld [tilespmem:s0+$0x2000];
	_ =	sdelay $0x3  }
0x130: {  	v30 =	vnsel vm7, $0xC2480000, v22;
	vm7 =	veq.f32 v28, $0.0e+00  }
0x131: {  	v46 =	vmax.f32 v18, v30;
	v29 =	vnsel vm7, $0xC2480000, v29  }
0x132: {  	v31 =	vmax.f32 v46, v29  }
0x133: {  	v47 =	vperm.xlane v31, v1;
	_ =	sdelay $0x1  }
0x134: {  	v22 =	vmax.f32 v31, v47  }
0x135: {  	v32 =	vperm.xlane v22, v2;
	_ =	sdelay $0x1  }
0x136: {  	v22 =	vmax.f32 v22, v32  }
0x137: {  	v32 =	vperm.xlane v22, v3;
	_ =	sdelay $0x1  }
0x138: {  	v22 =	vmax.f32 v22, v32  }
0x139: {  	v32 =	vperm.xlane v22, v4;
	_ =	sdelay $0x1  }
0x13a: {  	v22 =	vmax.f32 v22, v32  }
0x13b: {  	vm7 =	veq.f32 v31, v22  }
0x13c: {  	v48 =	vnsel vm7, $0x10, v0  }
0x13d: {  	v33 =	vperm.xlane v48, v1;
	_ =	sdelay $0x1  }
0x13e: {  	vm7 =	vlt.s32 v48, v33  }
0x13f: {  	v32 =	vsel vm7, v48, v33  }
0x140: {  	v33 =	vperm.xlane v32, v2;
	_ =	sdelay $0x1  }
0x141: {  	vm7 =	vlt.s32 v32, v33  }
0x142: {  	v32 =	vsel vm7, v32, v33  }
0x143: {  	v33 =	vperm.xlane v32, v3;
	_ =	sdelay $0x1  }
0x144: {  	vm7 =	vlt.s32 v32, v33  }
0x145: {  	v49 =	vld [tilespmem:s0+$0x6080];
	v32 =	vsel vm7, v32, v33  }
0x146: {  	v35 =	vld [tilespmem:s0+$0x2080];
	v34 =	vperm.xlane v32, v4;
	_ =	sdelay $0x1  }
0x147: {  	v30 =	vmin.f32 v18, v30;
	v27 =	vnsel vm8, $0xC2480000, v27;
	vm7 =	vlt.s32 v32, v34  }
0x148: {  	v26 =	vmax.f32 v26, v30;
	v28 =	vmin.f32 v46, v29;
	v50 =	vsel vm7, v32, v34  }
0x149: {  	vm8 =	veq.f32 v49, $0.0e+00;
	v29 =	vmax.f32 v26, v28;
	vm7 =	veq.s32 v50, v0  }
0x14a: {  	v51 =	vmax.f32 v20, v27;
	v33 =	vnsel vm8, $0xC2480000, v35;
	v31 =	vsel vm7, v29, v31  }
0x14b: {  	v53 =	vmax.f32 v51, v33;
	v52 =	vperm.xlane v31, v1  }
0x14c: {  	v54 =	vperm.xlane v53, v1  }
0x14d: {  	v18 =	vmax.f32 v31, v52  }
0x14e: {  	v35 =	vmax.f32 v53, v54;
	v36 =	vperm.xlane v18, v2  }
0x14f: {  	v55 =	vperm.xlane v35, v2  }
0x150: {  	v18 =	vmax.f32 v18, v36  }
0x151: {  	v35 =	vmax.f32 v35, v55;
	v37 =	vperm.xlane v18, v3  }
0x152: {  	v36 =	vperm.xlane v35, v3  }
0x153: {  	v18 =	vmax.f32 v18, v37  }
0x154: {  	v35 =	vmax.f32 v35, v36;
	v37 =	vperm.xlane v18, v4  }
0x155: {  	v38 =	vld [tilespmem:s0+$0x2180];
	v56 =	vperm.xlane v35, v4  }
0x156: {  	v57 =	vld [tilespmem:s0+$0x6100];
	v36 =	vmax.f32 v18, v37  }
0x157: {  	v41 =	vld [tilespmem:s0+$0x2100];
	v18 =	vmax.f32 v35, v56;
	vm8 =	veq.f32 v31, v36  }
0x158: {  	v37 =	vld [tilespmem:s0+$0x6180];
	_ =	swait.ge [sflag:s29], $0x200;
	v39 =	vnsel vm8, $0x10, v0;
	vm8 =	veq.f32 v53, v18  }
0x159: {  	[sflag:s29] =	ssyncset.done $0x0;
	v40 =	vperm.xlane v39, v1;
	v42 =	vnsel vm8, $0x10, v0  }
0x15a: {  	vm9 =	veq.f32 v24, $0.0e+00;
	[sflag:s29] =	ssyncadd.s32 $0xFFFFFE00;
	v43 =	vperm.xlane v42, v1  }
0x15b: {  	v23 =	vmin.f32 v23, v30;
	v20 =	vmin.f32 v20, v27;
	v61 =	vld [tilespmem:s15+$0x8000];
	vm8 =	vlt.s32 v39, v40  }
0x15c: {  	v25 =	vnsel vm9, $0xC2480000, v25;
	v58 =	vsel vm8, v39, v40;
	vm8 =	vlt.s32 v42, v43  }
0x15d: {  	v21 =	vmax.f32 v21, v23;
	v59 =	vperm.xlane v58, v2;
	v60 =	vsel vm8, v42, v43  }
0x15e: {  	vm15 =	veq.f32 v57, $0.0e+00;
	v26 =	vmin.f32 v26, v28;
	v62 =	vperm.xlane v60, v2  }
0x15f: {  	v30 =	vnsel vm15, $0xC2480000, v41;
	v21 =	vmax.f32 v21, v26;
	vm8 =	vlt.s32 v58, v59  }
0x160: {  	v42 =	vnsel vm3, $0x0, v61;
	v24 =	vsel vm8, v58, v59;
	vm8 =	vlt.s32 v60, v62  }
0x161: {  	v44 =	vperm.xlane v42, v1;
	v63 =	vperm.xlane v24, v3;
	v41 =	vsel vm8, v60, v62  }
0x162: {  	v32 =	vmin.f32 v51, v33;
	v39 =	vmax.f32 v13, v25;
	v43 =	vperm.xlane v41, v3  }
0x163: {  	v40 =	vmax.f32 v19, v20;
	v23 =	vadd.f32 v44, v42;
	vm8 =	vlt.s32 v24, v63  }
0x164: {  	v33 =	vmax.f32 v39, v30;
	v24 =	vsel vm8, v24, v63;
	vm8 =	vlt.s32 v41, v43  }
0x165: {  	v46 =	vperm.xlane v33, v1;
	v47 =	vperm.xlane v23, v2;
	v19 =	vsel vm8, v41, v43  }
0x166: {  	v21 =	vsel vm7, v21, v29;
	v45 =	vperm.xlane v24, v4;
	v27 =	vperm.xlane v19, v4  }
0x167: {  	v29 =	vmax.f32 v40, v32;
	v28 =	vmax.f32 v33, v46;
	v23 =	vadd.f32 v47, v23  }
0x168: {  	v48 =	vperm.xlane v28, v2;
	vm8 =	vlt.s32 v24, v45;
	vm7 =	vlt.s32 v19, v27  }
0x169: {  	v51 =	vperm.xlane v23, v3;
	v24 =	vsel vm8, v24, v45;
	v19 =	vsel vm7, v19, v27  }
0x16a: {  	vm8 =	veq.s32 v24, v0;
	v24 =	vmax.f32 v28, v48;
	vm12 =	veq.s32 v19, v0  }
0x16b: {  	v21 =	vsel vm8, v21, v31;
	v28 =	vperm.xlane v24, v3;
	v26 =	vsel vm12, v29, v53  }
0x16c: {  	v49 =	vperm.xlane v21, v1;
	v50 =	vperm.xlane v26, v1  }
0x16d: {  	v23 =	vadd.f32 v51, v23;
	v24 =	vmax.f32 v24, v28  }
0x16e: {  	v19 =	vmax.f32 v21, v49;
	v53 =	vperm.xlane v24, v4;
	v27 =	vmax.f32 v26, v50  }
0x16f: {  	v21 =	vperm.xlane v19, v2;
	v52 =	vperm.xlane v27, v2  }
0x170: {  	v56 =	vperm.xlane v23, v4  }
0x171: {  	v21 =	vmax.f32 v19, v21;
	v19 =	vmax.f32 v24, v53;
	v27 =	vmax.f32 v27, v52  }
0x172: {  	v54 =	vperm.xlane v21, v3;
	vm7 =	veq.f32 v33, v19;
	v55 =	vperm.xlane v27, v3  }
0x173: {  	v23 =	vadd.f32 v56, v23;
	v57 =	vnsel vm7, $0x10, v0  }
0x174: {  	v21 =	vmax.f32 v21, v54;
	v59 =	vperm.xlane v57, v1;
	v24 =	vmax.f32 v27, v55  }
0x175: {  	v58 =	vperm.xlane v21, v4;
	v60 =	vperm.xlane v24, v4  }
0x176: {  	v14 =	vmax.f32 v15, v14;
	v23 =	vsel vm4, $0x0, v23;
	vm7 =	vlt.s32 v57, v59  }
0x177: {  	v21 =	vmax.f32 v21, v58;
	v27 =	vsel vm7, v57, v59;
	v24 =	vmax.f32 v24, v60  }
0x178: {  	v21 =	vsel vm5, v23, v21;
	v61 =	vperm.xlane v27, v2;
	vm7 =	veq.f32 v26, v24  }
0x179: {  	v17 =	vmin.f32 v17, v20;
	v21 =	vsel vm6, v21, v36;
	v62 =	vnsel vm7, $0x10, v0  }
0x17a: {  	vm7 =	vmmov $0x1;
	vm8 =	vlt.s32 v27, v61;
	v63 =	vperm.xlane v62, v1  }
0x17b: {  	v16 =	vmax.f32 v16, v17;
	v21 =	vsel vm7, v22, v21;
	v34 =	vsel vm8, v27, v61  }
0x17c: {  	v13 =	vmin.f32 v13, v25;
	[tilespmem:$0x8200] =	vst v21;
	v35 =	vperm.xlane v34, v3;
	vm8 =	vlt.s32 v62, v63  }
0x17d: {  	vm10 =	veq.f32 v37, $0.0e+00;
	v25 =	vmax.f32 v12, v13;
	v37 =	vld [tilespmem:s15+$0x8080];
	v36 =	vsel vm8, v62, v63  }
0x17e: {  	v17 =	vmin.f32 v39, v30;
	vm8 =	vlt.s32 v34, v35;
	v41 =	vperm.xlane v36, v2  }
0x17f: {  	v44 =	vmin.f32 v40, v32;
	v27 =	vnsel vm10, $0xC2480000, v38;
	v42 =	vsel vm8, v34, v35  }
0x180: {  	v28 =	vmax.f32 v14, v27;
	v21 =	vperm.xlane v42, v4;
	vm8 =	vlt.s32 v36, v41  }
0x181: {  	v22 =	vmax.f32 v25, v17;
	v43 =	vperm.xlane v28, v1;
	v12 =	vsel vm8, v36, v41  }
0x182: {  	v23 =	vnsel vm2, $0x0, v37;
	vm8 =	vlt.s32 v42, v21;
	v20 =	vperm.xlane v12, v3  }
0x183: {  	v15 =	vsel vm8, v42, v21;
	v45 =	vperm.xlane v23, v1;
	v21 =	vmax.f32 v28, v43  }
0x184: {  	vm8 =	veq.s32 v15, v0;
	v47 =	vperm.xlane v21, v2;
	vm13 =	vlt.s32 v12, v20  }
0x185: {  	v15 =	vsel vm8, v22, v33;
	v23 =	vadd.f32 v45, v23;
	v12 =	vsel vm13, v12, v20  }
0x186: {  	v46 =	vperm.xlane v15, v1;
	v21 =	vmax.f32 v21, v47;
	v48 =	vperm.xlane v12, v4  }
0x187: {  	v16 =	vmax.f32 v16, v44;
	v32 =	vperm.xlane v21, v3  }
0x188: {  	v50 =	vperm.xlane v23, v2;
	v20 =	vmax.f32 v15, v46;
	vm10 =	vlt.s32 v12, v48  }
0x189: {  	v16 =	vsel vm12, v16, v29;
	v49 =	vperm.xlane v20, v2;
	v12 =	vsel vm10, v12, v48  }
0x18a: {  	v52 =	vmax.f32 v21, v32;
	v23 =	vadd.f32 v50, v23;
	vm14 =	veq.s32 v12, v0  }
0x18b: {  	v54 =	vperm.xlane v52, v4;
	v16 =	vsel vm14, v16, v26  }
0x18c: {  	v51 =	vmax.f32 v20, v49;
	v57 =	vperm.xlane v23, v3;
	v55 =	vperm.xlane v16, v1  }
0x18d: {  	v53 =	vperm.xlane v51, v3;
	v12 =	vmax.f32 v52, v54  }
0x18e: {  	vm15 =	veq.f32 v28, v12;
	v23 =	vadd.f32 v57, v23;
	v16 =	vmax.f32 v16, v55  }
0x18f: {  	v21 =	vmax.f32 v51, v53;
	v59 =	vnsel vm15, $0x10, v0;
	v58 =	vperm.xlane v16, v2  }
0x190: {  	v56 =	vperm.xlane v21, v4;
	v60 =	vperm.xlane v59, v1  }
0x191: {  	v63 =	vperm.xlane v23, v4;
	v16 =	vmax.f32 v16, v58  }
0x192: {  	v20 =	vmax.f32 v21, v56;
	vm13 =	vlt.s32 v59, v60;
	v61 =	vperm.xlane v16, v3  }
0x193: {  	v23 =	vadd.f32 v63, v23;
	vm12 =	veq.f32 v15, v20;
	v21 =	vsel vm13, v59, v60  }
0x194: {  	v62 =	vnsel vm12, $0x10, v0;
	v34 =	vperm.xlane v21, v2;
	v16 =	vmax.f32 v16, v61  }
0x195: {  	v33 =	vperm.xlane v62, v1;
	v35 =	vperm.xlane v16, v4  }
0x196: {  	v23 =	vsel vm4, $0x0, v23;
	vm15 =	vlt.s32 v21, v34  }
0x197: {  	vm14 =	vlt.s32 v62, v33;
	v21 =	vsel vm15, v21, v34;
	v16 =	vmax.f32 v16, v35  }
0x198: {  	v29 =	vsel vm14, v62, v33;
	v26 =	vperm.xlane v21, v3;
	v16 =	vsel vm5, v23, v16  }
0x199: {  	v36 =	vperm.xlane v29, v2;
	v16 =	vsel vm6, v16, v24  }
0x19a: {  	vm13 =	vlt.s32 v21, v26;
	v16 =	vsel vm7, v18, v16  }
0x19b: {  	vm12 =	vlt.s32 v29, v36;
	v38 =	vsel vm13, v21, v26;
	[tilespmem:$0x8280] =	vst v16  }
0x19c: {  	v37 =	vsel vm12, v29, v36;
	v40 =	vperm.xlane v38, v4;
	v39 =	vld [tilespmem:s15+$0x8100]  }
0x19d: {  	v6 =	vmax.f32 v6, v11;
	v10 =	vmin.f32 v10, v13;
	v23 =	vperm.xlane v37, v3  }
0x19e: {  	v8 =	vmax.f32 v9, v8;
	v6 =	vmax.f32 v6, v10;
	vm10 =	vlt.s32 v38, v40  }
0x19f: {  	v41 =	vmin.f32 v14, v27;
	vm9 =	vlt.s32 v37, v23;
	v43 =	vsel vm10, v38, v40  }
0x1a0: {  	v44 =	vmax.f32 v8, v41;
	v42 =	vsel vm9, v37, v23;
	vm14 =	veq.s32 v43, v0  }
0x1a1: {  	v18 =	vperm.xlane v42, v4;
	v14 =	vsel vm14, v44, v28;
	v45 =	vnsel vm1, $0x0, v39  }
0x1a2: {  	v47 =	vmin.f32 v25, v17;
	v46 =	vperm.xlane v14, v1;
	v21 =	vperm.xlane v45, v1  }
0x1a3: {  	v6 =	vmax.f32 v6, v47;
	vm15 =	vlt.s32 v42, v18  }
0x1a4: {  	v9 =	vsel vm15, v42, v18;
	v49 =	vmax.f32 v14, v46;
	v48 =	vadd.f32 v21, v45  }
0x1a5: {  	v6 =	vsel vm8, v6, v22;
	vm8 =	veq.s32 v9, v0;
	v50 =	vperm.xlane v49, v2  }
0x1a6: {  	v6 =	vsel vm8, v6, v15;
	v51 =	vperm.xlane v48, v2  }
0x1a7: {  	v15 =	vperm.xlane v6, v1;
	v9 =	vmax.f32 v49, v50  }
0x1a8: {  	v13 =	vperm.xlane v9, v3;
	v10 =	vadd.f32 v51, v48  }
0x1a9: {  	v6 =	vmax.f32 v6, v15  }
0x1aa: {  	v53 =	vperm.xlane v6, v2;
	v9 =	vmax.f32 v9, v13;
	v52 =	vperm.xlane v10, v3  }
0x1ab: {  	v13 =	vperm.xlane v9, v4  }
0x1ac: {  	v6 =	vmax.f32 v6, v53;
	v10 =	vadd.f32 v52, v10  }
0x1ad: {  	v54 =	vperm.xlane v6, v3;
	v9 =	vmax.f32 v9, v13  }
0x1ae: {  	vm8 =	veq.f32 v14, v9;
	v55 =	vperm.xlane v10, v4  }
0x1af: {  	v6 =	vmax.f32 v6, v54;
	v56 =	vnsel vm8, $0x10, v0  }
0x1b0: {  	v57 =	vperm.xlane v6, v4;
	v58 =	vperm.xlane v56, v1;
	v10 =	vadd.f32 v55, v10;
	_ =	sdelay $0x1  }
0x1b1: {  	v6 =	vmax.f32 v6, v57;
	vm8 =	vlt.s32 v56, v58;
	v10 =	vsel vm4, $0x0, v10  }
0x1b2: {  	v59 =	vsel vm8, v56, v58;
	v6 =	vsel vm5, v10, v6  }
0x1b3: {  	v60 =	vperm.xlane v59, v2;
	v6 =	vsel vm6, v6, v20  }
0x1b4: {  	v6 =	vsel vm7, v19, v6  }
0x1b5: {  	vm8 =	vlt.s32 v59, v60;
	[tilespmem:$0x8300] =	vst v6  }
0x1b6: {  	v10 =	vsel vm8, v59, v60;
	v6 =	vld [tilespmem:s15+$0x8180]  }
0x1b7: {  	v13 =	vperm.xlane v10, v3;
	_ =	sdelay $0x1  }
0x1b8: {  	vm8 =	vlt.s32 v10, v13  }
0x1b9: {  	v10 =	vsel vm8, v10, v13  }
0x1ba: {  	v13 =	vperm.xlane v10, v4;
	v6 =	vnsel vm0, $0x0, v6  }
0x1bb: {  	v61 =	vperm.xlane v6, v1  }
0x1bc: {  	v5 =	vmax.f32 v5, v7;
	v7 =	vmin.f32 v8, v41;
	vm8 =	vlt.s32 v10, v13  }
0x1bd: {  	v5 =	vmax.f32 v5, v7;
	v7 =	vsel vm8, v10, v13;
	v6 =	vadd.f32 v61, v6  }
0x1be: {  	v5 =	vsel vm14, v5, v44;
	vm8 =	veq.s32 v7, v0  }
0x1bf: {  	v5 =	vsel vm8, v5, v14;
	v7 =	vperm.xlane v6, v2  }
0x1c0: {  	v62 =	vperm.xlane v5, v1  }
0x1c1: {  	v6 =	vadd.f32 v7, v6  }
0x1c2: {  	v5 =	vmax.f32 v5, v62  }
0x1c3: {  	v8 =	vperm.xlane v5, v2;
	v7 =	vperm.xlane v6, v3;
	_ =	sdelay $0x1  }
0x1c4: {  	v5 =	vmax.f32 v5, v8;
	v6 =	vadd.f32 v7, v6  }
0x1c5: {  	v7 =	vperm.xlane v5, v3  }
0x1c6: {  	v63 =	vperm.xlane v6, v4  }
0x1c7: {  	v5 =	vmax.f32 v5, v7  }
0x1c8: {  	v7 =	vperm.xlane v5, v4;
	v6 =	vadd.f32 v63, v6;
	_ =	sdelay $0x1  }
0x1c9: {  	v5 =	vmax.f32 v5, v7;
	v6 =	vsel vm4, $0x0, v6  }
0x1ca: {  	v5 =	vsel vm5, v6, v5  }
0x1cb: {  	s1 =	sadd.s32 $0x1, s1;
	v5 =	vsel vm6, v5, v9  }
0x1cc: {  	p0 =	sne.s32 s1, s17;
	v5 =	vsel vm7, v12, v5  }
.Ltmp6:
0x1cd: {  	s30 =	simm.s32 $0x8200;
	[tilespmem:$0x8380] =	vst v5;
	(pc) =	sbr.rel @p0 .LBB2_1-.Ltmp6, $4  }
0x1ce: {  	[hbm4b:s16+s2] =	stream.linear.scatter [tilespmem:s30], [sflag:$0x6], $0x200, $0x38;
	[tilespmem:$0x8400] =	vst v63  }
0x1cf: {  	_ =	swait.ge [sflag:s31], $0x200  }
0x1d0: {  	[sflag:s31] =	ssyncset.done $0x0  }
0x1d1: {  	[sflag:s31] =	ssyncadd.s32 $0xFFFFFE00  }
0x1d2: {  	_ =	sfence.sel $0x180000  }
0x1d3: {  	[bflag:$0x0] =	sbarrier.arrive $0xFFFF  }
0x1d4: {  	_ =	strace $0x90000047  }
0x1d5: {  	s0 =	stileid.u32;
	[bflag:$0x2] =	sbarrier.arrive $0xFFFF  }
0x1d6: {  	p0 =	sne.s32 s0, $0x0;
	s0 =	rddreg [dreg:$0x3]  }
0x1d7: {  	s0 =	sadd.s32 @!p0 $0x100000, s0  }
0x1d8: {  	[sflag:s0] =	ssyncadd.tile.s32 @!p0 $0x1;
	_ =	shalt  }
.Lfunc_end2:
_tile_overlayer_lowered:
.L_overlay_start_2:
0x1d9: {  	(tag) =	ssettag $0x2  }
0x1da: {  	s0 =	rddreg [dreg:$0x0];
	s2 =	stileid.u32  }
0x1db: {  	s1 =	rddreg [dreg:$0x1];
	p0 =	sne.s32 s2, $0x0  }
0x1dc: {  	s3 =	rddreg [dreg:$0x2];
	[bflag:$0x3] =	sbarrier.arrive $0xFFFF;
	s2 =	simm.s32 @!p0 $0x1C06  }
0x1dd: {  	[timem:s3], [sflag:s2] =	dma.local @!p0 [hbm:s0], s1  }
0x1de: {  	s0 =	simm.s32 @!p0 $0x6  }
0x1df: {  	_ =	swait.ge @!p0 [sflag:s0], s1  }
0x1e0: {  	s1 =	ssub.s32 @!p0 $0x0, s1;
	[sflag:s0] =	ssyncset.done @!p0 $0x0  }
0x1e1: {  	[sflag:s0] =	ssyncadd.s32 @!p0 s1  }
0x1e2: {  	[bflag:$0x3] =	sbarrier.arrive $0xFFFF  }
0x1e3: {  	_ =	shalt  }

</sc_bundles>
